<compile_context>
chip_gen: v7x
topology: tpu7x:2x2x1
jax: 0.10.2.dev20260603
libtpu: 0.0.44.dev20260713+nightly
codegen_flags: <defaults>
</compile_context>

<pallas_src>
import functools

import jax
import jax.numpy as jnp
from jax import lax
from jax.experimental import pallas as pl
from jax.experimental.pallas import tpu as pltpu
from jax.experimental.pallas import tpu_sc as plsc

_D = 128
_H = 8
_HD = 16
_ROW = 144
_NTILES = 32


def _proj_body(x_ref, w_ref, b_ref, o_ref):
    o_ref[...] = (
        jnp.dot(x_ref[...], w_ref[...], preferred_element_type=jnp.float32)
        + b_ref[...]
    )


def _project(x, w, b, blk):
    n, d_in = x.shape
    d_out = w.shape[1]
    return pl.pallas_call(
        _proj_body,
        grid=(n // blk,),
        in_specs=[
            pl.BlockSpec((blk, d_in), lambda i: (i, 0)),
            pl.BlockSpec((d_in, d_out), lambda i: (0, 0)),
            pl.BlockSpec((1, d_out), lambda i: (0, 0)),
        ],
        out_specs=pl.BlockSpec((blk, d_out), lambda i: (i, 0)),
        out_shape=jax.ShapeDtypeStruct((n, d_out), jnp.float32),
    )(x, w, b.reshape(1, d_out))


def _make_sc_gather_kernel(E, C):
    ept = E // _NTILES
    n_chunks = ept // C
    mesh = plsc.VectorSubcoreMesh(core_axis_name="c", subcore_axis_name="s")

    @functools.partial(
        pl.kernel,
        out_type=(
            jax.ShapeDtypeStruct((E, _D), jnp.float32),
            jax.ShapeDtypeStruct((E, _D), jnp.float32),
        ),
        mesh=mesh,
        compiler_params=pltpu.CompilerParams(
            needs_layout_passes=False, use_tc_tiling_on_sc=False),
        scratch_types=[
            pltpu.VMEM((C,), jnp.int32),
            pltpu.VMEM((C,), jnp.int32),
            pltpu.VMEM((C, _D), jnp.float32),
            pltpu.VMEM((C, _D), jnp.float32),
            pltpu.SemaphoreType.DMA,
            pltpu.SemaphoreType.DMA,
        ],
    )
    def k(h_hbm, snd_hbm, rcv_hbm, hs_out, hr_out,
          snd_v, rcv_v, hs_v, hr_v, sem1, sem2):
        cid = lax.axis_index("c")
        sid = lax.axis_index("s")
        base = (cid * 16 + sid) * ept

        def chunk_body(i, carry):
            off = base + i * C
            pltpu.sync_copy(snd_hbm.at[pl.ds(off, C)], snd_v)
            pltpu.sync_copy(rcv_hbm.at[pl.ds(off, C)], rcv_v)
            cp1 = pltpu.async_copy(h_hbm.at[snd_v], hs_v, sem1)
            cp2 = pltpu.async_copy(h_hbm.at[rcv_v], hr_v, sem2)
            cp1.wait()
            cp2.wait()
            pltpu.sync_copy(hs_v, hs_out.at[pl.ds(off, C)])
            pltpu.sync_copy(hr_v, hr_out.at[pl.ds(off, C)])
            return carry

        lax.fori_loop(0, n_chunks, chunk_body, 0)

    return k


def _edge_body(hs_ref, hr_ref, ef_ref, we_ref, be_ref, ad_ref, o_ref, ow_ref):
    hs = hs_ref[...]
    x = (hs + hr_ref[...] + be_ref[...]
         + jnp.dot(ef_ref[...], we_ref[...],
                   preferred_element_type=jnp.float32))
    t = jnp.exp(jnp.minimum(x, 20.0))
    u = t + 1.0
    sq = u * u
    m = x * ((sq - 1.0) / (sq + 1.0))
    logits = jnp.dot(m, ad_ref[...], preferred_element_type=jnp.float32)
    w = jnp.exp(jnp.minimum(logits, 60.0))
    col = lax.broadcasted_iota(jnp.int32, (_H, _D), 1) // _HD
    row = lax.broadcasted_iota(jnp.int32, (_H, _D), 0)
    expand = (col == row).astype(jnp.float32)
    w128 = jnp.dot(w, expand, preferred_element_type=jnp.float32)
    blk = hs.shape[0]
    o_ref[...] = w128 * hs
    ow_ref[...] = jnp.concatenate(
        [w, jnp.zeros((blk, _HD - _H), jnp.float32)], axis=1)


def _edge_compute(hs, hr, ef, we, be, ad, blk, ef_blk_off):
    E = hs.shape[0]
    de = ef.shape[1]
    return pl.pallas_call(
        _edge_body,
        grid=(E // blk,),
        in_specs=[
            pl.BlockSpec((blk, _D), lambda i: (i, 0)),
            pl.BlockSpec((blk, _D), lambda i: (i, 0)),
            pl.BlockSpec((blk, de), lambda i: (i + ef_blk_off, 0)),
            pl.BlockSpec((de, _D), lambda i: (0, 0)),
            pl.BlockSpec((1, _D), lambda i: (0, 0)),
            pl.BlockSpec((_D, _H), lambda i: (0, 0)),
        ],
        out_specs=[
            pl.BlockSpec((blk, _D), lambda i: (i, 0)),
            pl.BlockSpec((blk, _HD), lambda i: (i, 0)),
        ],
        out_shape=[
            jax.ShapeDtypeStruct((E, _D), jnp.float32),
            jax.ShapeDtypeStruct((E, _HD), jnp.float32),
        ],
    )(hs, hr, ef, we, be.reshape(1, _D), ad)


def _make_sc_scatter_kernel(E, N, C):
    ept = E // _NTILES
    n_chunks = ept // C
    npad = -(-N // 16) * 16
    rpt = npad // 16
    mesh = plsc.VectorSubcoreMesh(core_axis_name="c", subcore_axis_name="s")

    @functools.partial(
        pl.kernel,
        out_type=(
            jax.ShapeDtypeStruct((2, npad, _D), jnp.float32),
            jax.ShapeDtypeStruct((2, npad, _HD), jnp.float32),
        ),
        mesh=mesh,
        compiler_params=pltpu.CompilerParams(
            needs_layout_passes=False, use_tc_tiling_on_sc=False),
        scratch_types=[
            pltpu.VMEM((C,), jnp.int32),
            pltpu.VMEM((C, _D), jnp.float32),
            pltpu.VMEM((C, _HD), jnp.float32),
            pltpu.VMEM_SHARED((npad, _D), jnp.float32),
            pltpu.VMEM_SHARED((npad, _HD), jnp.float32),
        ],
    )
    def k(msg_hbm, w_hbm, rcv_hbm, zm_hbm, zw_hbm, outm_hbm, outw_hbm,
          rcv_v, msg_v, w_v, accm, accw):
        cid = lax.axis_index("c")
        sid = lax.axis_index("s")
        r0 = sid * rpt
        pltpu.sync_copy(zm_hbm.at[pl.ds(r0, rpt)], accm.at[pl.ds(r0, rpt)])
        pltpu.sync_copy(zw_hbm.at[pl.ds(r0, rpt)], accw.at[pl.ds(r0, rpt)])
        plsc.subcore_barrier()

        base = (cid * 16 + sid) * ept

        def chunk_body(i, carry):
            off = base + i * C
            pltpu.sync_copy(rcv_hbm.at[pl.ds(off, C)], rcv_v)
            pltpu.sync_copy(msg_hbm.at[pl.ds(off, C)], msg_v)
            pltpu.sync_copy(w_hbm.at[pl.ds(off, C)], w_v)
            pltpu.sync_copy(msg_v, accm.at[rcv_v], add=True)
            pltpu.sync_copy(w_v, accw.at[rcv_v], add=True)
            return carry

        lax.fori_loop(0, n_chunks, chunk_body, 0)
        plsc.subcore_barrier()
        pltpu.sync_copy(accm.at[pl.ds(r0, rpt)],
                        outm_hbm.at[cid, pl.ds(r0, rpt)])
        pltpu.sync_copy(accw.at[pl.ds(r0, rpt)],
                        outw_hbm.at[cid, pl.ds(r0, rpt)])

    return k


def _combine_body(*refs):
    o_ref = refs[-1]
    k = (len(refs) - 1) // 2
    msg = sum(r[0] + r[1] for r in refs[:k])
    sw = sum(r[0] + r[1] for r in refs[k:2 * k])
    den = sw[:, :_H]
    col = lax.broadcasted_iota(jnp.int32, (_H, _D), 1) // _HD
    row = lax.broadcasted_iota(jnp.int32, (_H, _D), 0)
    expand = (col == row).astype(jnp.float32)
    denb = jnp.dot(den, expand, preferred_element_type=jnp.float32)
    o_ref[...] = jnp.where(denb > 0.0, msg / denb, 0.0)


def _combine(pms, pws, N, blk):
    k = len(pms)
    return pl.pallas_call(
        _combine_body,
        grid=(N // blk,),
        in_specs=(
            [pl.BlockSpec((2, blk, _D), lambda i: (0, i, 0))] * k
            + [pl.BlockSpec((2, blk, _HD), lambda i: (0, i, 0))] * k
        ),
        out_specs=pl.BlockSpec((blk, _D), lambda i: (i, 0)),
        out_shape=jax.ShapeDtypeStruct((N, _D), jnp.float32),
    )(*pms, *pws)


def kernel(node_features, senders, receivers, edge_features, W_kernel,
           W_bias, We_kernel, We_bias, a_kernel):
    N = node_features.shape[0]
    E = senders.shape[0]
    snd = senders.astype(jnp.int32)
    rcv = receivers.astype(jnp.int32)
    h = _project(node_features, W_kernel, W_bias, 1000)
    ad = (jnp.repeat(jnp.eye(_H, dtype=jnp.float32), _HD, axis=0)
          * a_kernel.reshape(_D, 1))
    npad = -(-N // 16) * 16
    zm = jnp.zeros((npad, _D), jnp.float32)
    zw = jnp.zeros((npad, _HD), jnp.float32)

    blk = 2000
    sizes = (128000, 128000, 64000)
    gathered = []
    off = 0
    for sz in sizes:
        g = _make_sc_gather_kernel(sz, 200)
        hs_c, hr_c = g(h, snd[off:off + sz], rcv[off:off + sz])
        gathered.append((off, sz, hs_c, hr_c))
        off += sz
    pms, pws = [], []
    for off, sz, hs_c, hr_c in gathered:
        msg_c, w_c = _edge_compute(hs_c, hr_c, edge_features, We_kernel,
                                   We_bias, ad, blk, off // blk)
        pm, pw = _make_sc_scatter_kernel(sz, N, 200)(
            msg_c, w_c, rcv[off:off + sz], zm, zw)
        pms.append(pm)
        pws.append(pw)
    return _combine(pms, pws, N, 1000)

# --- scband reference (transcript-rebuilt; emitter-appended) ---
"""Pipeline reference for scband-gatv2-88776974008615 (READ-ONLY COPY).

The authoritative reference and input builder live on the scoring server;
editing this copy changes nothing except your own understanding.
"""

import jax, jax.numpy as jnp
import numpy as np

N = 10000
E = 320000
D = 128
H = 8
DE = 16


def mish(x):
    return x * jnp.tanh(jax.nn.softplus(x))


def segment_softmax(logits, segment_ids, num_segments):
    seg_max = jax.ops.segment_max(logits, segment_ids, num_segments)
    shifted = logits - seg_max[segment_ids]
    e = jnp.exp(shifted)
    denom = jax.ops.segment_sum(e, segment_ids, num_segments)
    return e / denom[segment_ids]


def setup_inputs(seed: int = 0) -> dict:
    key = jax.random.key(seed)
    ks = jax.random.split(key, 8)
    node_features = jax.random.normal(ks[0], (N, D), dtype=jnp.float32)
    senders = jax.random.randint(ks[1], (E,), 0, N)
    receivers = jax.random.randint(ks[2], (E,), 0, N)
    edge_features = jax.random.normal(ks[3], (E, DE), dtype=jnp.float32)
    # learned parameters (share_weights=True so one W of shape [D, D])
    W_kernel = jax.random.normal(ks[4], (D, D), dtype=jnp.float32) * (1.0 / np.sqrt(D))
    W_bias = jnp.zeros((D,), dtype=jnp.float32)
    We_kernel = jax.random.normal(ks[5], (DE, D), dtype=jnp.float32) * (1.0 / np.sqrt(DE))
    We_bias = jnp.zeros((D,), dtype=jnp.float32)
    a_kernel = jax.random.normal(ks[6], (H, D // H), dtype=jnp.float32) * (1.0 / np.sqrt(D // H))
    return {
        'node_features': node_features,
        'senders': senders,
        'receivers': receivers,
        'edge_features': edge_features,
        'W_kernel': W_kernel,
        'W_bias': W_bias,
        'We_kernel': We_kernel,
        'We_bias': We_bias,
        'a_kernel': a_kernel,
    }


def reference(node_features, senders, receivers, edge_features, W_kernel, W_bias, We_kernel, We_bias, a_kernel):
    num_nodes = node_features.shape[-2]
    # shared linear projection
    h = node_features @ W_kernel + W_bias
    h_send = h_recv = h
    # gather endpoint features per edge
    e_send = jnp.take(h_send, senders, axis=0)
    e_recv = jnp.take(h_recv, receivers, axis=0)
    e_attn = e_send + e_recv
    # edge feature projection
    e_attn = e_attn + (edge_features @ We_kernel + We_bias)
    e_attn = mish(e_attn)
    num_edges = e_attn.shape[0]
    ea = e_attn.reshape(num_edges, H, D // H)
    logits = jnp.einsum('ehd,hd->eh', ea, a_kernel)
    weights = segment_softmax(logits, receivers, num_nodes)
    es = e_send.reshape(num_edges, H, D // H)
    msg = (weights[..., None] * es).reshape(num_edges, D)
    nodes = jax.ops.segment_sum(msg, receivers, num_nodes)
    return nodes

if __name__ == "__main__":
    import jax
    _d = setup_inputs()
    print(jax.jit(kernel)(*tuple(_d.values())))

</pallas_src>

<mosaic_0001>
#map = affine_map<(d0, d1) -> (0, 0)>
#map1 = affine_map<(d0, d1) -> (0)>
module attributes {stable_mosaic.version = 14 : i64} {
  func.func @k(%arg0: i32, %arg1: i32, %arg2: memref<10000x128xf32, #tpu.memory_space<hbm>>, %arg3: memref<64000xi32, #tpu.memory_space<hbm>>, %arg4: memref<64000xi32, #tpu.memory_space<hbm>>, %arg5: memref<64000x128xf32, #tpu.memory_space<hbm>>, %arg6: memref<64000x128xf32, #tpu.memory_space<hbm>>, %arg7: memref<200xi32, #tpu.memory_space<vmem>>, %arg8: memref<200xi32, #tpu.memory_space<vmem>>, %arg9: memref<200x128xf32, #tpu.memory_space<vmem>>, %arg10: memref<200x128xf32, #tpu.memory_space<vmem>>, %arg11: memref<!tpu.dma_semaphore, #tpu.memory_space<semaphore_mem>>, %arg12: memref<!tpu.dma_semaphore, #tpu.memory_space<semaphore_mem>>) attributes {dimension_semantics = [#tpu.dimension_semantics<core_parallel>, #tpu.dimension_semantics<subcore_parallel>], iteration_bounds = array<i64: 2, 16>, scalar_prefetch = 0 : i64, scratch_operands = 6 : i64, tpu.core_type = #tpu.core_type<sc_vector_subcore>, window_params = [{transform_indices = #map}, {transform_indices = #map1}, {transform_indices = #map1}, {transform_indices = #map}, {transform_indices = #map}]} {
    %mul3A = arith.constant 16 : i32
    %mul3A_0 = arith.muli %arg0, %mul3A : i32
    %add3A = arith.addi %mul3A_0, %arg1 : i32
    %mul3A_1 = arith.constant 2000 : i32
    %mul3A_2 = arith.muli %add3A, %mul3A_1 : i32
    %scan3A = arith.constant 0 : i32
    %scan3A_3 = arith.constant 0 : i32
    %scan3A_4 = arith.constant 10 : i32
    %scan3A_5 = arith.addi %scan3A_3, %scan3A_4 : i32
    %scan3A_6 = arith.constant 1 : i32
    scf.for %scan3A_8 = %scan3A_3 to %scan3A_5 step %scan3A_6  : i32 {
      %mul3A_9 = arith.constant 200 : i32
      %mul3A_10 = arith.muli %scan3A_8, %mul3A_9 : i32
      %add3A_11 = arith.addi %mul3A_2, %mul3A_10 : i32
      "tpu.region"() ({
        %run_scoped3A = tpu.sem_alloc : memref<!tpu.dma_semaphore, #tpu.memory_space<semaphore_mem>>
        %dma_start3A_22 = tpu.memref_slice %arg3[%add3A_11] : memref<64000xi32, #tpu.memory_space<hbm>> -> memref<200xi32, #tpu.memory_space<hbm>>
        %dma_start3A_23 = tpu.memref_slice %arg3[%add3A_11] : memref<64000xi32, #tpu.memory_space<hbm>> -> memref<200xi32, #tpu.memory_space<hbm>>
        tpu.enqueue_dma source(%dma_start3A_23 : memref<200xi32, #tpu.memory_space<hbm>>) target(%arg7 : memref<200xi32, #tpu.memory_space<vmem>>) target_semaphore(%run_scoped3A : memref<!tpu.dma_semaphore, #tpu.memory_space<semaphore_mem>>)
        %dma_wait3A_24 = tpu.memref_slice %arg3[%add3A_11] : memref<64000xi32, #tpu.memory_space<hbm>> -> memref<200xi32, #tpu.memory_space<hbm>>
        %dma_wait3A_25 = tpu.memref_slice %arg3[%add3A_11] : memref<64000xi32, #tpu.memory_space<hbm>> -> memref<200xi32, #tpu.memory_space<hbm>>
        tpu.wait_dma2 semaphore(%run_scoped3A : memref<!tpu.dma_semaphore, #tpu.memory_space<semaphore_mem>>) src(%dma_wait3A_25 : memref<200xi32, #tpu.memory_space<hbm>>) dst(%arg7 : memref<200xi32, #tpu.memory_space<vmem>>)
        tpu.yield
      }) : () -> ()
      "tpu.region"() ({
        %run_scoped3A = tpu.sem_alloc : memref<!tpu.dma_semaphore, #tpu.memory_space<semaphore_mem>>
        %dma_start3A_22 = tpu.memref_slice %arg4[%add3A_11] : memref<64000xi32, #tpu.memory_space<hbm>> -> memref<200xi32, #tpu.memory_space<hbm>>
        %dma_start3A_23 = tpu.memref_slice %arg4[%add3A_11] : memref<64000xi32, #tpu.memory_space<hbm>> -> memref<200xi32, #tpu.memory_space<hbm>>
        tpu.enqueue_dma source(%dma_start3A_23 : memref<200xi32, #tpu.memory_space<hbm>>) target(%arg8 : memref<200xi32, #tpu.memory_space<vmem>>) target_semaphore(%run_scoped3A : memref<!tpu.dma_semaphore, #tpu.memory_space<semaphore_mem>>)
        %dma_wait3A_24 = tpu.memref_slice %arg4[%add3A_11] : memref<64000xi32, #tpu.memory_space<hbm>> -> memref<200xi32, #tpu.memory_space<hbm>>
        %dma_wait3A_25 = tpu.memref_slice %arg4[%add3A_11] : memref<64000xi32, #tpu.memory_space<hbm>> -> memref<200xi32, #tpu.memory_space<hbm>>
        tpu.wait_dma2 semaphore(%run_scoped3A : memref<!tpu.dma_semaphore, #tpu.memory_space<semaphore_mem>>) src(%dma_wait3A_25 : memref<200xi32, #tpu.memory_space<hbm>>) dst(%arg8 : memref<200xi32, #tpu.memory_space<vmem>>)
        tpu.yield
      }) : () -> ()
      %dma_start3A = arith.constant 0 : i32
      %dma_start3A_12 = arith.constant 0 : i32
      %dma_start3A_13 = tpu.memref_slice %arg2[%dma_start3A, %dma_start3A_12] : memref<10000x128xf32, #tpu.memory_space<hbm>> -> memref<10000x128xf32, #tpu.memory_space<hbm>>
      tpu.enqueue_indirect_dma source(%dma_start3A_13 : memref<10000x128xf32, #tpu.memory_space<hbm>>) target(%arg9 : memref<200x128xf32, #tpu.memory_space<vmem>>) offsets(%arg7 : memref<200xi32, #tpu.memory_space<vmem>>) semaphore(%arg11 : memref<!tpu.dma_semaphore, #tpu.memory_space<semaphore_mem>>)
      %dma_start3A_14 = arith.constant 0 : i32
      %dma_start3A_15 = arith.constant 0 : i32
      %dma_start3A_16 = tpu.memref_slice %arg2[%dma_start3A_14, %dma_start3A_15] : memref<10000x128xf32, #tpu.memory_space<hbm>> -> memref<10000x128xf32, #tpu.memory_space<hbm>>
      tpu.enqueue_indirect_dma source(%dma_start3A_16 : memref<10000x128xf32, #tpu.memory_space<hbm>>) target(%arg10 : memref<200x128xf32, #tpu.memory_space<vmem>>) offsets(%arg8 : memref<200xi32, #tpu.memory_space<vmem>>) semaphore(%arg12 : memref<!tpu.dma_semaphore, #tpu.memory_space<semaphore_mem>>)
      %dma_wait3A = arith.constant 0 : i32
      %dma_wait3A_17 = arith.constant 0 : i32
      %dma_wait3A_18 = tpu.memref_slice %arg2[%dma_wait3A, %dma_wait3A_17] : memref<10000x128xf32, #tpu.memory_space<hbm>> -> memref<10000x128xf32, #tpu.memory_space<hbm>>
      tpu.wait_indirect_dma semaphore(%arg11 : memref<!tpu.dma_semaphore, #tpu.memory_space<semaphore_mem>>) src(%dma_wait3A_18 : memref<10000x128xf32, #tpu.memory_space<hbm>>) dst(%arg9 : memref<200x128xf32, #tpu.memory_space<vmem>>)
      %dma_wait3A_19 = arith.constant 0 : i32
      %dma_wait3A_20 = arith.constant 0 : i32
      %dma_wait3A_21 = tpu.memref_slice %arg2[%dma_wait3A_19, %dma_wait3A_20] : memref<10000x128xf32, #tpu.memory_space<hbm>> -> memref<10000x128xf32, #tpu.memory_space<hbm>>
      tpu.wait_indirect_dma semaphore(%arg12 : memref<!tpu.dma_semaphore, #tpu.memory_space<semaphore_mem>>) src(%dma_wait3A_21 : memref<10000x128xf32, #tpu.memory_space<hbm>>) dst(%arg10 : memref<200x128xf32, #tpu.memory_space<vmem>>)
      "tpu.region"() ({
        %run_scoped3A = tpu.sem_alloc : memref<!tpu.dma_semaphore, #tpu.memory_space<semaphore_mem>>
        %dma_start3A_22 = arith.constant 0 : i32
        %dma_start3A_23 = tpu.memref_slice %arg5[%add3A_11, %dma_start3A_22] : memref<64000x128xf32, #tpu.memory_space<hbm>> -> memref<200x128xf32, #tpu.memory_space<hbm>>
        %dma_start3A_24 = arith.constant 0 : i32
        %dma_start3A_25 = tpu.memref_slice %arg5[%add3A_11, %dma_start3A_24] : memref<64000x128xf32, #tpu.memory_space<hbm>> -> memref<200x128xf32, #tpu.memory_space<hbm>>
        tpu.enqueue_dma source(%arg9 : memref<200x128xf32, #tpu.memory_space<vmem>>) target(%dma_start3A_25 : memref<200x128xf32, #tpu.memory_space<hbm>>) target_semaphore(%run_scoped3A : memref<!tpu.dma_semaphore, #tpu.memory_space<semaphore_mem>>)
        %dma_wait3A_26 = arith.constant 0 : i32
        %dma_wait3A_27 = tpu.memref_slice %arg5[%add3A_11, %dma_wait3A_26] : memref<64000x128xf32, #tpu.memory_space<hbm>> -> memref<200x128xf32, #tpu.memory_space<hbm>>
        %dma_wait3A_28 = arith.constant 0 : i32
        %dma_wait3A_29 = tpu.memref_slice %arg5[%add3A_11, %dma_wait3A_28] : memref<64000x128xf32, #tpu.memory_space<hbm>> -> memref<200x128xf32, #tpu.memory_space<hbm>>
        tpu.wait_dma2 semaphore(%run_scoped3A : memref<!tpu.dma_semaphore, #tpu.memory_space<semaphore_mem>>) src(%arg9 : memref<200x128xf32, #tpu.memory_space<vmem>>) dst(%dma_wait3A_29 : memref<200x128xf32, #tpu.memory_space<hbm>>)
        tpu.yield
      }) : () -> ()
      "tpu.region"() ({
        %run_scoped3A = tpu.sem_alloc : memref<!tpu.dma_semaphore, #tpu.memory_space<semaphore_mem>>
        %dma_start3A_22 = arith.constant 0 : i32
        %dma_start3A_23 = tpu.memref_slice %arg6[%add3A_11, %dma_start3A_22] : memref<64000x128xf32, #tpu.memory_space<hbm>> -> memref<200x128xf32, #tpu.memory_space<hbm>>
        %dma_start3A_24 = arith.constant 0 : i32
        %dma_start3A_25 = tpu.memref_slice %arg6[%add3A_11, %dma_start3A_24] : memref<64000x128xf32, #tpu.memory_space<hbm>> -> memref<200x128xf32, #tpu.memory_space<hbm>>
        tpu.enqueue_dma source(%arg10 : memref<200x128xf32, #tpu.memory_space<vmem>>) target(%dma_start3A_25 : memref<200x128xf32, #tpu.memory_space<hbm>>) target_semaphore(%run_scoped3A : memref<!tpu.dma_semaphore, #tpu.memory_space<semaphore_mem>>)
        %dma_wait3A_26 = arith.constant 0 : i32
        %dma_wait3A_27 = tpu.memref_slice %arg6[%add3A_11, %dma_wait3A_26] : memref<64000x128xf32, #tpu.memory_space<hbm>> -> memref<200x128xf32, #tpu.memory_space<hbm>>
        %dma_wait3A_28 = arith.constant 0 : i32
        %dma_wait3A_29 = tpu.memref_slice %arg6[%add3A_11, %dma_wait3A_28] : memref<64000x128xf32, #tpu.memory_space<hbm>> -> memref<200x128xf32, #tpu.memory_space<hbm>>
        tpu.wait_dma2 semaphore(%run_scoped3A : memref<!tpu.dma_semaphore, #tpu.memory_space<semaphore_mem>>) src(%arg10 : memref<200x128xf32, #tpu.memory_space<vmem>>) dst(%dma_wait3A_29 : memref<200x128xf32, #tpu.memory_space<hbm>>)
        tpu.yield
      }) : () -> ()
    }
    %scan3A_7 = arith.constant 10 : i32
    return
  }
}

#map = affine_map<(d0, d1) -> (0, 0)>
#map1 = affine_map<(d0, d1) -> (0)>
#map2 = affine_map<(d0, d1) -> (0, 0, 0)>
module attributes {stable_mosaic.version = 14 : i64} {
  func.func @k(%arg0: i32, %arg1: i32, %arg2: memref<128000x128xf32, #tpu.memory_space<hbm>>, %arg3: memref<128000x16xf32, #tpu.memory_space<hbm>>, %arg4: memref<128000xi32, #tpu.memory_space<hbm>>, %arg5: memref<10000x128xf32, #tpu.memory_space<hbm>>, %arg6: memref<10000x16xf32, #tpu.memory_space<hbm>>, %arg7: memref<2x10000x128xf32, #tpu.memory_space<hbm>>, %arg8: memref<2x10000x16xf32, #tpu.memory_space<hbm>>, %arg9: memref<200xi32, #tpu.memory_space<vmem>>, %arg10: memref<200x128xf32, #tpu.memory_space<vmem>>, %arg11: memref<200x16xf32, #tpu.memory_space<vmem>>, %arg12: memref<10000x128xf32, #tpu.memory_space<vmem_shared>>, %arg13: memref<10000x16xf32, #tpu.memory_space<vmem_shared>>) attributes {dimension_semantics = [#tpu.dimension_semantics<core_parallel>, #tpu.dimension_semantics<subcore_parallel>], iteration_bounds = array<i64: 2, 16>, scalar_prefetch = 0 : i64, scratch_operands = 5 : i64, tpu.core_type = #tpu.core_type<sc_vector_subcore>, window_params = [{transform_indices = #map}, {transform_indices = #map}, {transform_indices = #map1}, {transform_indices = #map}, {transform_indices = #map}, {transform_indices = #map2}, {transform_indices = #map2}]} {
    %mul3A = arith.constant 625 : i32
    %mul3A_0 = arith.muli %arg1, %mul3A : i32
    "tpu.region"() ({
      %run_scoped3A = tpu.sem_alloc : memref<!tpu.dma_semaphore, #tpu.memory_space<semaphore_mem>>
      %dma_start3A = arith.constant 0 : i32
      %dma_start3A_11 = tpu.memref_slice %arg12[%mul3A_0, %dma_start3A] : memref<10000x128xf32, #tpu.memory_space<vmem_shared>> -> memref<625x128xf32, #tpu.memory_space<vmem_shared>>
      %dma_start3A_12 = arith.constant 0 : i32
      %dma_start3A_13 = tpu.memref_slice %arg5[%mul3A_0, %dma_start3A_12] : memref<10000x128xf32, #tpu.memory_space<hbm>> -> memref<625x128xf32, #tpu.memory_space<hbm>>
      tpu.enqueue_dma source(%dma_start3A_13 : memref<625x128xf32, #tpu.memory_space<hbm>>) target(%dma_start3A_11 : memref<625x128xf32, #tpu.memory_space<vmem_shared>>) target_semaphore(%run_scoped3A : memref<!tpu.dma_semaphore, #tpu.memory_space<semaphore_mem>>)
      %dma_wait3A = arith.constant 0 : i32
      %dma_wait3A_14 = tpu.memref_slice %arg12[%mul3A_0, %dma_wait3A] : memref<10000x128xf32, #tpu.memory_space<vmem_shared>> -> memref<625x128xf32, #tpu.memory_space<vmem_shared>>
      %dma_wait3A_15 = arith.constant 0 : i32
      %dma_wait3A_16 = tpu.memref_slice %arg5[%mul3A_0, %dma_wait3A_15] : memref<10000x128xf32, #tpu.memory_space<hbm>> -> memref<625x128xf32, #tpu.memory_space<hbm>>
      tpu.wait_dma2 semaphore(%run_scoped3A : memref<!tpu.dma_semaphore, #tpu.memory_space<semaphore_mem>>) src(%dma_wait3A_16 : memref<625x128xf32, #tpu.memory_space<hbm>>) dst(%dma_wait3A_14 : memref<625x128xf32, #tpu.memory_space<vmem_shared>>)
      tpu.yield
    }) : () -> ()
    "tpu.region"() ({
      %run_scoped3A = tpu.sem_alloc : memref<!tpu.dma_semaphore, #tpu.memory_space<semaphore_mem>>
      %dma_start3A = arith.constant 0 : i32
      %dma_start3A_11 = tpu.memref_slice %arg13[%mul3A_0, %dma_start3A] : memref<10000x16xf32, #tpu.memory_space<vmem_shared>> -> memref<625x16xf32, #tpu.memory_space<vmem_shared>>
      %dma_start3A_12 = arith.constant 0 : i32
      %dma_start3A_13 = tpu.memref_slice %arg6[%mul3A_0, %dma_start3A_12] : memref<10000x16xf32, #tpu.memory_space<hbm>> -> memref<625x16xf32, #tpu.memory_space<hbm>>
      tpu.enqueue_dma source(%dma_start3A_13 : memref<625x16xf32, #tpu.memory_space<hbm>>) target(%dma_start3A_11 : memref<625x16xf32, #tpu.memory_space<vmem_shared>>) target_semaphore(%run_scoped3A : memref<!tpu.dma_semaphore, #tpu.memory_space<semaphore_mem>>)
      %dma_wait3A = arith.constant 0 : i32
      %dma_wait3A_14 = tpu.memref_slice %arg13[%mul3A_0, %dma_wait3A] : memref<10000x16xf32, #tpu.memory_space<vmem_shared>> -> memref<625x16xf32, #tpu.memory_space<vmem_shared>>
      %dma_wait3A_15 = arith.constant 0 : i32
      %dma_wait3A_16 = tpu.memref_slice %arg6[%mul3A_0, %dma_wait3A_15] : memref<10000x16xf32, #tpu.memory_space<hbm>> -> memref<625x16xf32, #tpu.memory_space<hbm>>
      tpu.wait_dma2 semaphore(%run_scoped3A : memref<!tpu.dma_semaphore, #tpu.memory_space<semaphore_mem>>) src(%dma_wait3A_16 : memref<625x16xf32, #tpu.memory_space<hbm>>) dst(%dma_wait3A_14 : memref<625x16xf32, #tpu.memory_space<vmem_shared>>)
      tpu.yield
    }) : () -> ()
    %barrier3A = arith.constant 0 : index
    tpu.barrier barrier_id(%barrier3A)
    %mul3A_1 = arith.constant 16 : i32
    %mul3A_2 = arith.muli %arg0, %mul3A_1 : i32
    %add3A = arith.addi %mul3A_2, %arg1 : i32
    %mul3A_3 = arith.constant 4000 : i32
    %mul3A_4 = arith.muli %add3A, %mul3A_3 : i32
    %scan3A = arith.constant 0 : i32
    %scan3A_5 = arith.constant 0 : i32
    %scan3A_6 = arith.constant 20 : i32
    %scan3A_7 = arith.addi %scan3A_5, %scan3A_6 : i32
    %scan3A_8 = arith.constant 1 : i32
    scf.for %scan3A_11 = %scan3A_5 to %scan3A_7 step %scan3A_8  : i32 {
      %mul3A_12 = arith.constant 200 : i32
      %mul3A_13 = arith.muli %scan3A_11, %mul3A_12 : i32
      %add3A_14 = arith.addi %mul3A_4, %mul3A_13 : i32
      "tpu.region"() ({
        %run_scoped3A = tpu.sem_alloc : memref<!tpu.dma_semaphore, #tpu.memory_space<semaphore_mem>>
        %dma_start3A = tpu.memref_slice %arg4[%add3A_14] : memref<128000xi32, #tpu.memory_space<hbm>> -> memref<200xi32, #tpu.memory_space<hbm>>
        %dma_start3A_15 = tpu.memref_slice %arg4[%add3A_14] : memref<128000xi32, #tpu.memory_space<hbm>> -> memref<200xi32, #tpu.memory_space<hbm>>
        tpu.enqueue_dma source(%dma_start3A_15 : memref<200xi32, #tpu.memory_space<hbm>>) target(%arg9 : memref<200xi32, #tpu.memory_space<vmem>>) target_semaphore(%run_scoped3A : memref<!tpu.dma_semaphore, #tpu.memory_space<semaphore_mem>>)
        %dma_wait3A = tpu.memref_slice %arg4[%add3A_14] : memref<128000xi32, #tpu.memory_space<hbm>> -> memref<200xi32, #tpu.memory_space<hbm>>
        %dma_wait3A_16 = tpu.memref_slice %arg4[%add3A_14] : memref<128000xi32, #tpu.memory_space<hbm>> -> memref<200xi32, #tpu.memory_space<hbm>>
        tpu.wait_dma2 semaphore(%run_scoped3A : memref<!tpu.dma_semaphore, #tpu.memory_space<semaphore_mem>>) src(%dma_wait3A_16 : memref<200xi32, #tpu.memory_space<hbm>>) dst(%arg9 : memref<200xi32, #tpu.memory_space<vmem>>)
        tpu.yield
      }) : () -> ()
      "tpu.region"() ({
        %run_scoped3A = tpu.sem_alloc : memref<!tpu.dma_semaphore, #tpu.memory_space<semaphore_mem>>
        %dma_start3A = arith.constant 0 : i32
        %dma_start3A_15 = tpu.memref_slice %arg2[%add3A_14, %dma_start3A] : memref<128000x128xf32, #tpu.memory_space<hbm>> -> memref<200x128xf32, #tpu.memory_space<hbm>>
        %dma_start3A_16 = arith.constant 0 : i32
        %dma_start3A_17 = tpu.memref_slice %arg2[%add3A_14, %dma_start3A_16] : memref<128000x128xf32, #tpu.memory_space<hbm>> -> memref<200x128xf32, #tpu.memory_space<hbm>>
        tpu.enqueue_dma source(%dma_start3A_17 : memref<200x128xf32, #tpu.memory_space<hbm>>) target(%arg10 : memref<200x128xf32, #tpu.memory_space<vmem>>) target_semaphore(%run_scoped3A : memref<!tpu.dma_semaphore, #tpu.memory_space<semaphore_mem>>)
        %dma_wait3A = arith.constant 0 : i32
        %dma_wait3A_18 = tpu.memref_slice %arg2[%add3A_14, %dma_wait3A] : memref<128000x128xf32, #tpu.memory_space<hbm>> -> memref<200x128xf32, #tpu.memory_space<hbm>>
        %dma_wait3A_19 = arith.constant 0 : i32
        %dma_wait3A_20 = tpu.memref_slice %arg2[%add3A_14, %dma_wait3A_19] : memref<128000x128xf32, #tpu.memory_space<hbm>> -> memref<200x128xf32, #tpu.memory_space<hbm>>
        tpu.wait_dma2 semaphore(%run_scoped3A : memref<!tpu.dma_semaphore, #tpu.memory_space<semaphore_mem>>) src(%dma_wait3A_20 : memref<200x128xf32, #tpu.memory_space<hbm>>) dst(%arg10 : memref<200x128xf32, #tpu.memory_space<vmem>>)
        tpu.yield
      }) : () -> ()
      "tpu.region"() ({
        %run_scoped3A = tpu.sem_alloc : memref<!tpu.dma_semaphore, #tpu.memory_space<semaphore_mem>>
        %dma_start3A = arith.constant 0 : i32
        %dma_start3A_15 = tpu.memref_slice %arg3[%add3A_14, %dma_start3A] : memref<128000x16xf32, #tpu.memory_space<hbm>> -> memref<200x16xf32, #tpu.memory_space<hbm>>
        %dma_start3A_16 = arith.constant 0 : i32
        %dma_start3A_17 = tpu.memref_slice %arg3[%add3A_14, %dma_start3A_16] : memref<128000x16xf32, #tpu.memory_space<hbm>> -> memref<200x16xf32, #tpu.memory_space<hbm>>
        tpu.enqueue_dma source(%dma_start3A_17 : memref<200x16xf32, #tpu.memory_space<hbm>>) target(%arg11 : memref<200x16xf32, #tpu.memory_space<vmem>>) target_semaphore(%run_scoped3A : memref<!tpu.dma_semaphore, #tpu.memory_space<semaphore_mem>>)
        %dma_wait3A = arith.constant 0 : i32
        %dma_wait3A_18 = tpu.memref_slice %arg3[%add3A_14, %dma_wait3A] : memref<128000x16xf32, #tpu.memory_space<hbm>> -> memref<200x16xf32, #tpu.memory_space<hbm>>
        %dma_wait3A_19 = arith.constant 0 : i32
        %dma_wait3A_20 = tpu.memref_slice %arg3[%add3A_14, %dma_wait3A_19] : memref<128000x16xf32, #tpu.memory_space<hbm>> -> memref<200x16xf32, #tpu.memory_space<hbm>>
        tpu.wait_dma2 semaphore(%run_scoped3A : memref<!tpu.dma_semaphore, #tpu.memory_space<semaphore_mem>>) src(%dma_wait3A_20 : memref<200x16xf32, #tpu.memory_space<hbm>>) dst(%arg11 : memref<200x16xf32, #tpu.memory_space<vmem>>)
        tpu.yield
      }) : () -> ()
      "tpu.region"() ({
        %run_scoped3A = tpu.sem_alloc : memref<!tpu.dma_semaphore, #tpu.memory_space<semaphore_mem>>
        %dma_start3A = arith.constant 0 : i32
        %dma_start3A_15 = arith.constant 0 : i32
        %dma_start3A_16 = tpu.memref_slice %arg12[%dma_start3A, %dma_start3A_15] : memref<10000x128xf32, #tpu.memory_space<vmem_shared>> -> memref<10000x128xf32, #tpu.memory_space<vmem_shared>>
        tpu.enqueue_indirect_dma source(%arg10 : memref<200x128xf32, #tpu.memory_space<vmem>>) target(%dma_start3A_16 : memref<10000x128xf32, #tpu.memory_space<vmem_shared>>) offsets(%arg9 : memref<200xi32, #tpu.memory_space<vmem>>) semaphore(%run_scoped3A : memref<!tpu.dma_semaphore, #tpu.memory_space<semaphore_mem>>) {add = true}
        %dma_wait3A = arith.constant 0 : i32
        %dma_wait3A_17 = arith.constant 0 : i32
        %dma_wait3A_18 = tpu.memref_slice %arg12[%dma_wait3A, %dma_wait3A_17] : memref<10000x128xf32, #tpu.memory_space<vmem_shared>> -> memref<10000x128xf32, #tpu.memory_space<vmem_shared>>
        tpu.wait_indirect_dma semaphore(%run_scoped3A : memref<!tpu.dma_semaphore, #tpu.memory_space<semaphore_mem>>) src(%arg10 : memref<200x128xf32, #tpu.memory_space<vmem>>) dst(%dma_wait3A_18 : memref<10000x128xf32, #tpu.memory_space<vmem_shared>>)
        tpu.yield
      }) : () -> ()
      "tpu.region"() ({
        %run_scoped3A = tpu.sem_alloc : memref<!tpu.dma_semaphore, #tpu.memory_space<semaphore_mem>>
        %dma_start3A = arith.constant 0 : i32
        %dma_start3A_15 = arith.constant 0 : i32
        %dma_start3A_16 = tpu.memref_slice %arg13[%dma_start3A, %dma_start3A_15] : memref<10000x16xf32, #tpu.memory_space<vmem_shared>> -> memref<10000x16xf32, #tpu.memory_space<vmem_shared>>
        tpu.enqueue_indirect_dma source(%arg11 : memref<200x16xf32, #tpu.memory_space<vmem>>) target(%dma_start3A_16 : memref<10000x16xf32, #tpu.memory_space<vmem_shared>>) offsets(%arg9 : memref<200xi32, #tpu.memory_space<vmem>>) semaphore(%run_scoped3A : memref<!tpu.dma_semaphore, #tpu.memory_space<semaphore_mem>>) {add = true}
        %dma_wait3A = arith.constant 0 : i32
        %dma_wait3A_17 = arith.constant 0 : i32
        %dma_wait3A_18 = tpu.memref_slice %arg13[%dma_wait3A, %dma_wait3A_17] : memref<10000x16xf32, #tpu.memory_space<vmem_shared>> -> memref<10000x16xf32, #tpu.memory_space<vmem_shared>>
        tpu.wait_indirect_dma semaphore(%run_scoped3A : memref<!tpu.dma_semaphore, #tpu.memory_space<semaphore_mem>>) src(%arg11 : memref<200x16xf32, #tpu.memory_space<vmem>>) dst(%dma_wait3A_18 : memref<10000x16xf32, #tpu.memory_space<vmem_shared>>)
        tpu.yield
      }) : () -> ()
    }
    %scan3A_9 = arith.constant 20 : i32
    %barrier3A_10 = arith.constant 0 : index
    tpu.barrier barrier_id(%barrier3A_10)
    "tpu.region"() ({
      %run_scoped3A = tpu.sem_alloc : memref<!tpu.dma_semaphore, #tpu.memory_space<semaphore_mem>>
      %dma_start3A = arith.constant 0 : i32
      %dma_start3A_11 = tpu.memref_slice %arg7[%arg0, %mul3A_0, %dma_start3A] : memref<2x10000x128xf32, #tpu.memory_space<hbm>> -> memref<1x625x128xf32, #tpu.memory_space<hbm>>
      %dma_start3A_12 = tpu.memref_squeeze %dma_start3A_11 : memref<1x625x128xf32, #tpu.memory_space<hbm>> -> memref<625x128xf32, #tpu.memory_space<hbm>>
      %dma_start3A_13 = arith.constant 0 : i32
      %dma_start3A_14 = tpu.memref_slice %arg12[%mul3A_0, %dma_start3A_13] : memref<10000x128xf32, #tpu.memory_space<vmem_shared>> -> memref<625x128xf32, #tpu.memory_space<vmem_shared>>
      tpu.enqueue_dma source(%dma_start3A_14 : memref<625x128xf32, #tpu.memory_space<vmem_shared>>) target(%dma_start3A_12 : memref<625x128xf32, #tpu.memory_space<hbm>>) target_semaphore(%run_scoped3A : memref<!tpu.dma_semaphore, #tpu.memory_space<semaphore_mem>>)
      %dma_wait3A = arith.constant 0 : i32
      %dma_wait3A_15 = tpu.memref_slice %arg7[%arg0, %mul3A_0, %dma_wait3A] : memref<2x10000x128xf32, #tpu.memory_space<hbm>> -> memref<1x625x128xf32, #tpu.memory_space<hbm>>
      %dma_wait3A_16 = tpu.memref_squeeze %dma_wait3A_15 : memref<1x625x128xf32, #tpu.memory_space<hbm>> -> memref<625x128xf32, #tpu.memory_space<hbm>>
      %dma_wait3A_17 = arith.constant 0 : i32
      %dma_wait3A_18 = tpu.memref_slice %arg12[%mul3A_0, %dma_wait3A_17] : memref<10000x128xf32, #tpu.memory_space<vmem_shared>> -> memref<625x128xf32, #tpu.memory_space<vmem_shared>>
      tpu.wait_dma2 semaphore(%run_scoped3A : memref<!tpu.dma_semaphore, #tpu.memory_space<semaphore_mem>>) src(%dma_wait3A_18 : memref<625x128xf32, #tpu.memory_space<vmem_shared>>) dst(%dma_wait3A_16 : memref<625x128xf32, #tpu.memory_space<hbm>>)
      tpu.yield
    }) : () -> ()
    "tpu.region"() ({
      %run_scoped3A = tpu.sem_alloc : memref<!tpu.dma_semaphore, #tpu.memory_space<semaphore_mem>>
      %dma_start3A = arith.constant 0 : i32
      %dma_start3A_11 = tpu.memref_slice %arg8[%arg0, %mul3A_0, %dma_start3A] : memref<2x10000x16xf32, #tpu.memory_space<hbm>> -> memref<1x625x16xf32, #tpu.memory_space<hbm>>
      %dma_start3A_12 = tpu.memref_squeeze %dma_start3A_11 : memref<1x625x16xf32, #tpu.memory_space<hbm>> -> memref<625x16xf32, #tpu.memory_space<hbm>>
      %dma_start3A_13 = arith.constant 0 : i32
      %dma_start3A_14 = tpu.memref_slice %arg13[%mul3A_0, %dma_start3A_13] : memref<10000x16xf32, #tpu.memory_space<vmem_shared>> -> memref<625x16xf32, #tpu.memory_space<vmem_shared>>
      tpu.enqueue_dma source(%dma_start3A_14 : memref<625x16xf32, #tpu.memory_space<vmem_shared>>) target(%dma_start3A_12 : memref<625x16xf32, #tpu.memory_space<hbm>>) target_semaphore(%run_scoped3A : memref<!tpu.dma_semaphore, #tpu.memory_space<semaphore_mem>>)
      %dma_wait3A = arith.constant 0 : i32
      %dma_wait3A_15 = tpu.memref_slice %arg8[%arg0, %mul3A_0, %dma_wait3A] : memref<2x10000x16xf32, #tpu.memory_space<hbm>> -> memref<1x625x16xf32, #tpu.memory_space<hbm>>
      %dma_wait3A_16 = tpu.memref_squeeze %dma_wait3A_15 : memref<1x625x16xf32, #tpu.memory_space<hbm>> -> memref<625x16xf32, #tpu.memory_space<hbm>>
      %dma_wait3A_17 = arith.constant 0 : i32
      %dma_wait3A_18 = tpu.memref_slice %arg13[%mul3A_0, %dma_wait3A_17] : memref<10000x16xf32, #tpu.memory_space<vmem_shared>> -> memref<625x16xf32, #tpu.memory_space<vmem_shared>>
      tpu.wait_dma2 semaphore(%run_scoped3A : memref<!tpu.dma_semaphore, #tpu.memory_space<semaphore_mem>>) src(%dma_wait3A_18 : memref<625x16xf32, #tpu.memory_space<vmem_shared>>) dst(%dma_wait3A_16 : memref<625x16xf32, #tpu.memory_space<hbm>>)
      tpu.yield
    }) : () -> ()
    return
  }
}

#map = affine_map<(d0, d1) -> (0, 0)>
#map1 = affine_map<(d0, d1) -> (0)>
module attributes {stable_mosaic.version = 14 : i64} {
  func.func @k(%arg0: i32, %arg1: i32, %arg2: memref<10000x128xf32, #tpu.memory_space<hbm>>, %arg3: memref<128000xi32, #tpu.memory_space<hbm>>, %arg4: memref<128000xi32, #tpu.memory_space<hbm>>, %arg5: memref<128000x128xf32, #tpu.memory_space<hbm>>, %arg6: memref<128000x128xf32, #tpu.memory_space<hbm>>, %arg7: memref<200xi32, #tpu.memory_space<vmem>>, %arg8: memref<200xi32, #tpu.memory_space<vmem>>, %arg9: memref<200x128xf32, #tpu.memory_space<vmem>>, %arg10: memref<200x128xf32, #tpu.memory_space<vmem>>, %arg11: memref<!tpu.dma_semaphore, #tpu.memory_space<semaphore_mem>>, %arg12: memref<!tpu.dma_semaphore, #tpu.memory_space<semaphore_mem>>) attributes {dimension_semantics = [#tpu.dimension_semantics<core_parallel>, #tpu.dimension_semantics<subcore_parallel>], iteration_bounds = array<i64: 2, 16>, scalar_prefetch = 0 : i64, scratch_operands = 6 : i64, tpu.core_type = #tpu.core_type<sc_vector_subcore>, window_params = [{transform_indices = #map}, {transform_indices = #map1}, {transform_indices = #map1}, {transform_indices = #map}, {transform_indices = #map}]} {
    %mul3A = arith.constant 16 : i32
    %mul3A_0 = arith.muli %arg0, %mul3A : i32
    %add3A = arith.addi %mul3A_0, %arg1 : i32
    %mul3A_1 = arith.constant 4000 : i32
    %mul3A_2 = arith.muli %add3A, %mul3A_1 : i32
    %scan3A = arith.constant 0 : i32
    %scan3A_3 = arith.constant 0 : i32
    %scan3A_4 = arith.constant 20 : i32
    %scan3A_5 = arith.addi %scan3A_3, %scan3A_4 : i32
    %scan3A_6 = arith.constant 1 : i32
    scf.for %scan3A_8 = %scan3A_3 to %scan3A_5 step %scan3A_6  : i32 {
      %mul3A_9 = arith.constant 200 : i32
      %mul3A_10 = arith.muli %scan3A_8, %mul3A_9 : i32
      %add3A_11 = arith.addi %mul3A_2, %mul3A_10 : i32
      "tpu.region"() ({
        %run_scoped3A = tpu.sem_alloc : memref<!tpu.dma_semaphore, #tpu.memory_space<semaphore_mem>>
        %dma_start3A_22 = tpu.memref_slice %arg3[%add3A_11] : memref<128000xi32, #tpu.memory_space<hbm>> -> memref<200xi32, #tpu.memory_space<hbm>>
        %dma_start3A_23 = tpu.memref_slice %arg3[%add3A_11] : memref<128000xi32, #tpu.memory_space<hbm>> -> memref<200xi32, #tpu.memory_space<hbm>>
        tpu.enqueue_dma source(%dma_start3A_23 : memref<200xi32, #tpu.memory_space<hbm>>) target(%arg7 : memref<200xi32, #tpu.memory_space<vmem>>) target_semaphore(%run_scoped3A : memref<!tpu.dma_semaphore, #tpu.memory_space<semaphore_mem>>)
        %dma_wait3A_24 = tpu.memref_slice %arg3[%add3A_11] : memref<128000xi32, #tpu.memory_space<hbm>> -> memref<200xi32, #tpu.memory_space<hbm>>
        %dma_wait3A_25 = tpu.memref_slice %arg3[%add3A_11] : memref<128000xi32, #tpu.memory_space<hbm>> -> memref<200xi32, #tpu.memory_space<hbm>>
        tpu.wait_dma2 semaphore(%run_scoped3A : memref<!tpu.dma_semaphore, #tpu.memory_space<semaphore_mem>>) src(%dma_wait3A_25 : memref<200xi32, #tpu.memory_space<hbm>>) dst(%arg7 : memref<200xi32, #tpu.memory_space<vmem>>)
        tpu.yield
      }) : () -> ()
      "tpu.region"() ({
        %run_scoped3A = tpu.sem_alloc : memref<!tpu.dma_semaphore, #tpu.memory_space<semaphore_mem>>
        %dma_start3A_22 = tpu.memref_slice %arg4[%add3A_11] : memref<128000xi32, #tpu.memory_space<hbm>> -> memref<200xi32, #tpu.memory_space<hbm>>
        %dma_start3A_23 = tpu.memref_slice %arg4[%add3A_11] : memref<128000xi32, #tpu.memory_space<hbm>> -> memref<200xi32, #tpu.memory_space<hbm>>
        tpu.enqueue_dma source(%dma_start3A_23 : memref<200xi32, #tpu.memory_space<hbm>>) target(%arg8 : memref<200xi32, #tpu.memory_space<vmem>>) target_semaphore(%run_scoped3A : memref<!tpu.dma_semaphore, #tpu.memory_space<semaphore_mem>>)
        %dma_wait3A_24 = tpu.memref_slice %arg4[%add3A_11] : memref<128000xi32, #tpu.memory_space<hbm>> -> memref<200xi32, #tpu.memory_space<hbm>>
        %dma_wait3A_25 = tpu.memref_slice %arg4[%add3A_11] : memref<128000xi32, #tpu.memory_space<hbm>> -> memref<200xi32, #tpu.memory_space<hbm>>
        tpu.wait_dma2 semaphore(%run_scoped3A : memref<!tpu.dma_semaphore, #tpu.memory_space<semaphore_mem>>) src(%dma_wait3A_25 : memref<200xi32, #tpu.memory_space<hbm>>) dst(%arg8 : memref<200xi32, #tpu.memory_space<vmem>>)
        tpu.yield
      }) : () -> ()
      %dma_start3A = arith.constant 0 : i32
      %dma_start3A_12 = arith.constant 0 : i32
      %dma_start3A_13 = tpu.memref_slice %arg2[%dma_start3A, %dma_start3A_12] : memref<10000x128xf32, #tpu.memory_space<hbm>> -> memref<10000x128xf32, #tpu.memory_space<hbm>>
      tpu.enqueue_indirect_dma source(%dma_start3A_13 : memref<10000x128xf32, #tpu.memory_space<hbm>>) target(%arg9 : memref<200x128xf32, #tpu.memory_space<vmem>>) offsets(%arg7 : memref<200xi32, #tpu.memory_space<vmem>>) semaphore(%arg11 : memref<!tpu.dma_semaphore, #tpu.memory_space<semaphore_mem>>)
      %dma_start3A_14 = arith.constant 0 : i32
      %dma_start3A_15 = arith.constant 0 : i32
      %dma_start3A_16 = tpu.memref_slice %arg2[%dma_start3A_14, %dma_start3A_15] : memref<10000x128xf32, #tpu.memory_space<hbm>> -> memref<10000x128xf32, #tpu.memory_space<hbm>>
      tpu.enqueue_indirect_dma source(%dma_start3A_16 : memref<10000x128xf32, #tpu.memory_space<hbm>>) target(%arg10 : memref<200x128xf32, #tpu.memory_space<vmem>>) offsets(%arg8 : memref<200xi32, #tpu.memory_space<vmem>>) semaphore(%arg12 : memref<!tpu.dma_semaphore, #tpu.memory_space<semaphore_mem>>)
      %dma_wait3A = arith.constant 0 : i32
      %dma_wait3A_17 = arith.constant 0 : i32
      %dma_wait3A_18 = tpu.memref_slice %arg2[%dma_wait3A, %dma_wait3A_17] : memref<10000x128xf32, #tpu.memory_space<hbm>> -> memref<10000x128xf32, #tpu.memory_space<hbm>>
      tpu.wait_indirect_dma semaphore(%arg11 : memref<!tpu.dma_semaphore, #tpu.memory_space<semaphore_mem>>) src(%dma_wait3A_18 : memref<10000x128xf32, #tpu.memory_space<hbm>>) dst(%arg9 : memref<200x128xf32, #tpu.memory_space<vmem>>)
      %dma_wait3A_19 = arith.constant 0 : i32
      %dma_wait3A_20 = arith.constant 0 : i32
      %dma_wait3A_21 = tpu.memref_slice %arg2[%dma_wait3A_19, %dma_wait3A_20] : memref<10000x128xf32, #tpu.memory_space<hbm>> -> memref<10000x128xf32, #tpu.memory_space<hbm>>
      tpu.wait_indirect_dma semaphore(%arg12 : memref<!tpu.dma_semaphore, #tpu.memory_space<semaphore_mem>>) src(%dma_wait3A_21 : memref<10000x128xf32, #tpu.memory_space<hbm>>) dst(%arg10 : memref<200x128xf32, #tpu.memory_space<vmem>>)
      "tpu.region"() ({
        %run_scoped3A = tpu.sem_alloc : memref<!tpu.dma_semaphore, #tpu.memory_space<semaphore_mem>>
        %dma_start3A_22 = arith.constant 0 : i32
        %dma_start3A_23 = tpu.memref_slice %arg5[%add3A_11, %dma_start3A_22] : memref<128000x128xf32, #tpu.memory_space<hbm>> -> memref<200x128xf32, #tpu.memory_space<hbm>>
        %dma_start3A_24 = arith.constant 0 : i32
        %dma_start3A_25 = tpu.memref_slice %arg5[%add3A_11, %dma_start3A_24] : memref<128000x128xf32, #tpu.memory_space<hbm>> -> memref<200x128xf32, #tpu.memory_space<hbm>>
        tpu.enqueue_dma source(%arg9 : memref<200x128xf32, #tpu.memory_space<vmem>>) target(%dma_start3A_25 : memref<200x128xf32, #tpu.memory_space<hbm>>) target_semaphore(%run_scoped3A : memref<!tpu.dma_semaphore, #tpu.memory_space<semaphore_mem>>)
        %dma_wait3A_26 = arith.constant 0 : i32
        %dma_wait3A_27 = tpu.memref_slice %arg5[%add3A_11, %dma_wait3A_26] : memref<128000x128xf32, #tpu.memory_space<hbm>> -> memref<200x128xf32, #tpu.memory_space<hbm>>
        %dma_wait3A_28 = arith.constant 0 : i32
        %dma_wait3A_29 = tpu.memref_slice %arg5[%add3A_11, %dma_wait3A_28] : memref<128000x128xf32, #tpu.memory_space<hbm>> -> memref<200x128xf32, #tpu.memory_space<hbm>>
        tpu.wait_dma2 semaphore(%run_scoped3A : memref<!tpu.dma_semaphore, #tpu.memory_space<semaphore_mem>>) src(%arg9 : memref<200x128xf32, #tpu.memory_space<vmem>>) dst(%dma_wait3A_29 : memref<200x128xf32, #tpu.memory_space<hbm>>)
        tpu.yield
      }) : () -> ()
      "tpu.region"() ({
        %run_scoped3A = tpu.sem_alloc : memref<!tpu.dma_semaphore, #tpu.memory_space<semaphore_mem>>
        %dma_start3A_22 = arith.constant 0 : i32
        %dma_start3A_23 = tpu.memref_slice %arg6[%add3A_11, %dma_start3A_22] : memref<128000x128xf32, #tpu.memory_space<hbm>> -> memref<200x128xf32, #tpu.memory_space<hbm>>
        %dma_start3A_24 = arith.constant 0 : i32
        %dma_start3A_25 = tpu.memref_slice %arg6[%add3A_11, %dma_start3A_24] : memref<128000x128xf32, #tpu.memory_space<hbm>> -> memref<200x128xf32, #tpu.memory_space<hbm>>
        tpu.enqueue_dma source(%arg10 : memref<200x128xf32, #tpu.memory_space<vmem>>) target(%dma_start3A_25 : memref<200x128xf32, #tpu.memory_space<hbm>>) target_semaphore(%run_scoped3A : memref<!tpu.dma_semaphore, #tpu.memory_space<semaphore_mem>>)
        %dma_wait3A_26 = arith.constant 0 : i32
        %dma_wait3A_27 = tpu.memref_slice %arg6[%add3A_11, %dma_wait3A_26] : memref<128000x128xf32, #tpu.memory_space<hbm>> -> memref<200x128xf32, #tpu.memory_space<hbm>>
        %dma_wait3A_28 = arith.constant 0 : i32
        %dma_wait3A_29 = tpu.memref_slice %arg6[%add3A_11, %dma_wait3A_28] : memref<128000x128xf32, #tpu.memory_space<hbm>> -> memref<200x128xf32, #tpu.memory_space<hbm>>
        tpu.wait_dma2 semaphore(%run_scoped3A : memref<!tpu.dma_semaphore, #tpu.memory_space<semaphore_mem>>) src(%arg10 : memref<200x128xf32, #tpu.memory_space<vmem>>) dst(%dma_wait3A_29 : memref<200x128xf32, #tpu.memory_space<hbm>>)
        tpu.yield
      }) : () -> ()
    }
    %scan3A_7 = arith.constant 20 : i32
    return
  }
}

#map = affine_map<(d0, d1) -> (0, 0)>
#map1 = affine_map<(d0, d1) -> (0)>
module attributes {stable_mosaic.version = 14 : i64} {
  func.func @k(%arg0: i32, %arg1: i32, %arg2: memref<10000x128xf32, #tpu.memory_space<hbm>>, %arg3: memref<128000xi32, #tpu.memory_space<hbm>>, %arg4: memref<128000xi32, #tpu.memory_space<hbm>>, %arg5: memref<128000x128xf32, #tpu.memory_space<hbm>>, %arg6: memref<128000x128xf32, #tpu.memory_space<hbm>>, %arg7: memref<200xi32, #tpu.memory_space<vmem>>, %arg8: memref<200xi32, #tpu.memory_space<vmem>>, %arg9: memref<200x128xf32, #tpu.memory_space<vmem>>, %arg10: memref<200x128xf32, #tpu.memory_space<vmem>>, %arg11: memref<!tpu.dma_semaphore, #tpu.memory_space<semaphore_mem>>, %arg12: memref<!tpu.dma_semaphore, #tpu.memory_space<semaphore_mem>>) attributes {dimension_semantics = [#tpu.dimension_semantics<core_parallel>, #tpu.dimension_semantics<subcore_parallel>], iteration_bounds = array<i64: 2, 16>, scalar_prefetch = 0 : i64, scratch_operands = 6 : i64, tpu.core_type = #tpu.core_type<sc_vector_subcore>, window_params = [{transform_indices = #map}, {transform_indices = #map1}, {transform_indices = #map1}, {transform_indices = #map}, {transform_indices = #map}]} {
    %mul3A = arith.constant 16 : i32
    %mul3A_0 = arith.muli %arg0, %mul3A : i32
    %add3A = arith.addi %mul3A_0, %arg1 : i32
    %mul3A_1 = arith.constant 4000 : i32
    %mul3A_2 = arith.muli %add3A, %mul3A_1 : i32
    %scan3A = arith.constant 0 : i32
    %scan3A_3 = arith.constant 0 : i32
    %scan3A_4 = arith.constant 20 : i32
    %scan3A_5 = arith.addi %scan3A_3, %scan3A_4 : i32
    %scan3A_6 = arith.constant 1 : i32
    scf.for %scan3A_8 = %scan3A_3 to %scan3A_5 step %scan3A_6  : i32 {
      %mul3A_9 = arith.constant 200 : i32
      %mul3A_10 = arith.muli %scan3A_8, %mul3A_9 : i32
      %add3A_11 = arith.addi %mul3A_2, %mul3A_10 : i32
      "tpu.region"() ({
        %run_scoped3A = tpu.sem_alloc : memref<!tpu.dma_semaphore, #tpu.memory_space<semaphore_mem>>
        %dma_start3A_22 = tpu.memref_slice %arg3[%add3A_11] : memref<128000xi32, #tpu.memory_space<hbm>> -> memref<200xi32, #tpu.memory_space<hbm>>
        %dma_start3A_23 = tpu.memref_slice %arg3[%add3A_11] : memref<128000xi32, #tpu.memory_space<hbm>> -> memref<200xi32, #tpu.memory_space<hbm>>
        tpu.enqueue_dma source(%dma_start3A_23 : memref<200xi32, #tpu.memory_space<hbm>>) target(%arg7 : memref<200xi32, #tpu.memory_space<vmem>>) target_semaphore(%run_scoped3A : memref<!tpu.dma_semaphore, #tpu.memory_space<semaphore_mem>>)
        %dma_wait3A_24 = tpu.memref_slice %arg3[%add3A_11] : memref<128000xi32, #tpu.memory_space<hbm>> -> memref<200xi32, #tpu.memory_space<hbm>>
        %dma_wait3A_25 = tpu.memref_slice %arg3[%add3A_11] : memref<128000xi32, #tpu.memory_space<hbm>> -> memref<200xi32, #tpu.memory_space<hbm>>
        tpu.wait_dma2 semaphore(%run_scoped3A : memref<!tpu.dma_semaphore, #tpu.memory_space<semaphore_mem>>) src(%dma_wait3A_25 : memref<200xi32, #tpu.memory_space<hbm>>) dst(%arg7 : memref<200xi32, #tpu.memory_space<vmem>>)
        tpu.yield
      }) : () -> ()
      "tpu.region"() ({
        %run_scoped3A = tpu.sem_alloc : memref<!tpu.dma_semaphore, #tpu.memory_space<semaphore_mem>>
        %dma_start3A_22 = tpu.memref_slice %arg4[%add3A_11] : memref<128000xi32, #tpu.memory_space<hbm>> -> memref<200xi32, #tpu.memory_space<hbm>>
        %dma_start3A_23 = tpu.memref_slice %arg4[%add3A_11] : memref<128000xi32, #tpu.memory_space<hbm>> -> memref<200xi32, #tpu.memory_space<hbm>>
        tpu.enqueue_dma source(%dma_start3A_23 : memref<200xi32, #tpu.memory_space<hbm>>) target(%arg8 : memref<200xi32, #tpu.memory_space<vmem>>) target_semaphore(%run_scoped3A : memref<!tpu.dma_semaphore, #tpu.memory_space<semaphore_mem>>)
        %dma_wait3A_24 = tpu.memref_slice %arg4[%add3A_11] : memref<128000xi32, #tpu.memory_space<hbm>> -> memref<200xi32, #tpu.memory_space<hbm>>
        %dma_wait3A_25 = tpu.memref_slice %arg4[%add3A_11] : memref<128000xi32, #tpu.memory_space<hbm>> -> memref<200xi32, #tpu.memory_space<hbm>>
        tpu.wait_dma2 semaphore(%run_scoped3A : memref<!tpu.dma_semaphore, #tpu.memory_space<semaphore_mem>>) src(%dma_wait3A_25 : memref<200xi32, #tpu.memory_space<hbm>>) dst(%arg8 : memref<200xi32, #tpu.memory_space<vmem>>)
        tpu.yield
      }) : () -> ()
      %dma_start3A = arith.constant 0 : i32
      %dma_start3A_12 = arith.constant 0 : i32
      %dma_start3A_13 = tpu.memref_slice %arg2[%dma_start3A, %dma_start3A_12] : memref<10000x128xf32, #tpu.memory_space<hbm>> -> memref<10000x128xf32, #tpu.memory_space<hbm>>
      tpu.enqueue_indirect_dma source(%dma_start3A_13 : memref<10000x128xf32, #tpu.memory_space<hbm>>) target(%arg9 : memref<200x128xf32, #tpu.memory_space<vmem>>) offsets(%arg7 : memref<200xi32, #tpu.memory_space<vmem>>) semaphore(%arg11 : memref<!tpu.dma_semaphore, #tpu.memory_space<semaphore_mem>>)
      %dma_start3A_14 = arith.constant 0 : i32
      %dma_start3A_15 = arith.constant 0 : i32
      %dma_start3A_16 = tpu.memref_slice %arg2[%dma_start3A_14, %dma_start3A_15] : memref<10000x128xf32, #tpu.memory_space<hbm>> -> memref<10000x128xf32, #tpu.memory_space<hbm>>
      tpu.enqueue_indirect_dma source(%dma_start3A_16 : memref<10000x128xf32, #tpu.memory_space<hbm>>) target(%arg10 : memref<200x128xf32, #tpu.memory_space<vmem>>) offsets(%arg8 : memref<200xi32, #tpu.memory_space<vmem>>) semaphore(%arg12 : memref<!tpu.dma_semaphore, #tpu.memory_space<semaphore_mem>>)
      %dma_wait3A = arith.constant 0 : i32
      %dma_wait3A_17 = arith.constant 0 : i32
      %dma_wait3A_18 = tpu.memref_slice %arg2[%dma_wait3A, %dma_wait3A_17] : memref<10000x128xf32, #tpu.memory_space<hbm>> -> memref<10000x128xf32, #tpu.memory_space<hbm>>
      tpu.wait_indirect_dma semaphore(%arg11 : memref<!tpu.dma_semaphore, #tpu.memory_space<semaphore_mem>>) src(%dma_wait3A_18 : memref<10000x128xf32, #tpu.memory_space<hbm>>) dst(%arg9 : memref<200x128xf32, #tpu.memory_space<vmem>>)
      %dma_wait3A_19 = arith.constant 0 : i32
      %dma_wait3A_20 = arith.constant 0 : i32
      %dma_wait3A_21 = tpu.memref_slice %arg2[%dma_wait3A_19, %dma_wait3A_20] : memref<10000x128xf32, #tpu.memory_space<hbm>> -> memref<10000x128xf32, #tpu.memory_space<hbm>>
      tpu.wait_indirect_dma semaphore(%arg12 : memref<!tpu.dma_semaphore, #tpu.memory_space<semaphore_mem>>) src(%dma_wait3A_21 : memref<10000x128xf32, #tpu.memory_space<hbm>>) dst(%arg10 : memref<200x128xf32, #tpu.memory_space<vmem>>)
      "tpu.region"() ({
        %run_scoped3A = tpu.sem_alloc : memref<!tpu.dma_semaphore, #tpu.memory_space<semaphore_mem>>
        %dma_start3A_22 = arith.constant 0 : i32
        %dma_start3A_23 = tpu.memref_slice %arg5[%add3A_11, %dma_start3A_22] : memref<128000x128xf32, #tpu.memory_space<hbm>> -> memref<200x128xf32, #tpu.memory_space<hbm>>
        %dma_start3A_24 = arith.constant 0 : i32
        %dma_start3A_25 = tpu.memref_slice %arg5[%add3A_11, %dma_start3A_24] : memref<128000x128xf32, #tpu.memory_space<hbm>> -> memref<200x128xf32, #tpu.memory_space<hbm>>
        tpu.enqueue_dma source(%arg9 : memref<200x128xf32, #tpu.memory_space<vmem>>) target(%dma_start3A_25 : memref<200x128xf32, #tpu.memory_space<hbm>>) target_semaphore(%run_scoped3A : memref<!tpu.dma_semaphore, #tpu.memory_space<semaphore_mem>>)
        %dma_wait3A_26 = arith.constant 0 : i32
        %dma_wait3A_27 = tpu.memref_slice %arg5[%add3A_11, %dma_wait3A_26] : memref<128000x128xf32, #tpu.memory_space<hbm>> -> memref<200x128xf32, #tpu.memory_space<hbm>>
        %dma_wait3A_28 = arith.constant 0 : i32
        %dma_wait3A_29 = tpu.memref_slice %arg5[%add3A_11, %dma_wait3A_28] : memref<128000x128xf32, #tpu.memory_space<hbm>> -> memref<200x128xf32, #tpu.memory_space<hbm>>
        tpu.wait_dma2 semaphore(%run_scoped3A : memref<!tpu.dma_semaphore, #tpu.memory_space<semaphore_mem>>) src(%arg9 : memref<200x128xf32, #tpu.memory_space<vmem>>) dst(%dma_wait3A_29 : memref<200x128xf32, #tpu.memory_space<hbm>>)
        tpu.yield
      }) : () -> ()
      "tpu.region"() ({
        %run_scoped3A = tpu.sem_alloc : memref<!tpu.dma_semaphore, #tpu.memory_space<semaphore_mem>>
        %dma_start3A_22 = arith.constant 0 : i32
        %dma_start3A_23 = tpu.memref_slice %arg6[%add3A_11, %dma_start3A_22] : memref<128000x128xf32, #tpu.memory_space<hbm>> -> memref<200x128xf32, #tpu.memory_space<hbm>>
        %dma_start3A_24 = arith.constant 0 : i32
        %dma_start3A_25 = tpu.memref_slice %arg6[%add3A_11, %dma_start3A_24] : memref<128000x128xf32, #tpu.memory_space<hbm>> -> memref<200x128xf32, #tpu.memory_space<hbm>>
        tpu.enqueue_dma source(%arg10 : memref<200x128xf32, #tpu.memory_space<vmem>>) target(%dma_start3A_25 : memref<200x128xf32, #tpu.memory_space<hbm>>) target_semaphore(%run_scoped3A : memref<!tpu.dma_semaphore, #tpu.memory_space<semaphore_mem>>)
        %dma_wait3A_26 = arith.constant 0 : i32
        %dma_wait3A_27 = tpu.memref_slice %arg6[%add3A_11, %dma_wait3A_26] : memref<128000x128xf32, #tpu.memory_space<hbm>> -> memref<200x128xf32, #tpu.memory_space<hbm>>
        %dma_wait3A_28 = arith.constant 0 : i32
        %dma_wait3A_29 = tpu.memref_slice %arg6[%add3A_11, %dma_wait3A_28] : memref<128000x128xf32, #tpu.memory_space<hbm>> -> memref<200x128xf32, #tpu.memory_space<hbm>>
        tpu.wait_dma2 semaphore(%run_scoped3A : memref<!tpu.dma_semaphore, #tpu.memory_space<semaphore_mem>>) src(%arg10 : memref<200x128xf32, #tpu.memory_space<vmem>>) dst(%dma_wait3A_29 : memref<200x128xf32, #tpu.memory_space<hbm>>)
        tpu.yield
      }) : () -> ()
    }
    %scan3A_7 = arith.constant 20 : i32
    return
  }
}

#map = affine_map<(d0, d1) -> (0, 0)>
#map1 = affine_map<(d0, d1) -> (0)>
#map2 = affine_map<(d0, d1) -> (0, 0, 0)>
module attributes {stable_mosaic.version = 14 : i64} {
  func.func @k(%arg0: i32, %arg1: i32, %arg2: memref<128000x128xf32, #tpu.memory_space<hbm>>, %arg3: memref<128000x16xf32, #tpu.memory_space<hbm>>, %arg4: memref<128000xi32, #tpu.memory_space<hbm>>, %arg5: memref<10000x128xf32, #tpu.memory_space<hbm>>, %arg6: memref<10000x16xf32, #tpu.memory_space<hbm>>, %arg7: memref<2x10000x128xf32, #tpu.memory_space<hbm>>, %arg8: memref<2x10000x16xf32, #tpu.memory_space<hbm>>, %arg9: memref<200xi32, #tpu.memory_space<vmem>>, %arg10: memref<200x128xf32, #tpu.memory_space<vmem>>, %arg11: memref<200x16xf32, #tpu.memory_space<vmem>>, %arg12: memref<10000x128xf32, #tpu.memory_space<vmem_shared>>, %arg13: memref<10000x16xf32, #tpu.memory_space<vmem_shared>>) attributes {dimension_semantics = [#tpu.dimension_semantics<core_parallel>, #tpu.dimension_semantics<subcore_parallel>], iteration_bounds = array<i64: 2, 16>, scalar_prefetch = 0 : i64, scratch_operands = 5 : i64, tpu.core_type = #tpu.core_type<sc_vector_subcore>, window_params = [{transform_indices = #map}, {transform_indices = #map}, {transform_indices = #map1}, {transform_indices = #map}, {transform_indices = #map}, {transform_indices = #map2}, {transform_indices = #map2}]} {
    %mul3A = arith.constant 625 : i32
    %mul3A_0 = arith.muli %arg1, %mul3A : i32
    "tpu.region"() ({
      %run_scoped3A = tpu.sem_alloc : memref<!tpu.dma_semaphore, #tpu.memory_space<semaphore_mem>>
      %dma_start3A = arith.constant 0 : i32
      %dma_start3A_11 = tpu.memref_slice %arg12[%mul3A_0, %dma_start3A] : memref<10000x128xf32, #tpu.memory_space<vmem_shared>> -> memref<625x128xf32, #tpu.memory_space<vmem_shared>>
      %dma_start3A_12 = arith.constant 0 : i32
      %dma_start3A_13 = tpu.memref_slice %arg5[%mul3A_0, %dma_start3A_12] : memref<10000x128xf32, #tpu.memory_space<hbm>> -> memref<625x128xf32, #tpu.memory_space<hbm>>
      tpu.enqueue_dma source(%dma_start3A_13 : memref<625x128xf32, #tpu.memory_space<hbm>>) target(%dma_start3A_11 : memref<625x128xf32, #tpu.memory_space<vmem_shared>>) target_semaphore(%run_scoped3A : memref<!tpu.dma_semaphore, #tpu.memory_space<semaphore_mem>>)
      %dma_wait3A = arith.constant 0 : i32
      %dma_wait3A_14 = tpu.memref_slice %arg12[%mul3A_0, %dma_wait3A] : memref<10000x128xf32, #tpu.memory_space<vmem_shared>> -> memref<625x128xf32, #tpu.memory_space<vmem_shared>>
      %dma_wait3A_15 = arith.constant 0 : i32
      %dma_wait3A_16 = tpu.memref_slice %arg5[%mul3A_0, %dma_wait3A_15] : memref<10000x128xf32, #tpu.memory_space<hbm>> -> memref<625x128xf32, #tpu.memory_space<hbm>>
      tpu.wait_dma2 semaphore(%run_scoped3A : memref<!tpu.dma_semaphore, #tpu.memory_space<semaphore_mem>>) src(%dma_wait3A_16 : memref<625x128xf32, #tpu.memory_space<hbm>>) dst(%dma_wait3A_14 : memref<625x128xf32, #tpu.memory_space<vmem_shared>>)
      tpu.yield
    }) : () -> ()
    "tpu.region"() ({
      %run_scoped3A = tpu.sem_alloc : memref<!tpu.dma_semaphore, #tpu.memory_space<semaphore_mem>>
      %dma_start3A = arith.constant 0 : i32
      %dma_start3A_11 = tpu.memref_slice %arg13[%mul3A_0, %dma_start3A] : memref<10000x16xf32, #tpu.memory_space<vmem_shared>> -> memref<625x16xf32, #tpu.memory_space<vmem_shared>>
      %dma_start3A_12 = arith.constant 0 : i32
      %dma_start3A_13 = tpu.memref_slice %arg6[%mul3A_0, %dma_start3A_12] : memref<10000x16xf32, #tpu.memory_space<hbm>> -> memref<625x16xf32, #tpu.memory_space<hbm>>
      tpu.enqueue_dma source(%dma_start3A_13 : memref<625x16xf32, #tpu.memory_space<hbm>>) target(%dma_start3A_11 : memref<625x16xf32, #tpu.memory_space<vmem_shared>>) target_semaphore(%run_scoped3A : memref<!tpu.dma_semaphore, #tpu.memory_space<semaphore_mem>>)
      %dma_wait3A = arith.constant 0 : i32
      %dma_wait3A_14 = tpu.memref_slice %arg13[%mul3A_0, %dma_wait3A] : memref<10000x16xf32, #tpu.memory_space<vmem_shared>> -> memref<625x16xf32, #tpu.memory_space<vmem_shared>>
      %dma_wait3A_15 = arith.constant 0 : i32
      %dma_wait3A_16 = tpu.memref_slice %arg6[%mul3A_0, %dma_wait3A_15] : memref<10000x16xf32, #tpu.memory_space<hbm>> -> memref<625x16xf32, #tpu.memory_space<hbm>>
      tpu.wait_dma2 semaphore(%run_scoped3A : memref<!tpu.dma_semaphore, #tpu.memory_space<semaphore_mem>>) src(%dma_wait3A_16 : memref<625x16xf32, #tpu.memory_space<hbm>>) dst(%dma_wait3A_14 : memref<625x16xf32, #tpu.memory_space<vmem_shared>>)
      tpu.yield
    }) : () -> ()
    %barrier3A = arith.constant 0 : index
    tpu.barrier barrier_id(%barrier3A)
    %mul3A_1 = arith.constant 16 : i32
    %mul3A_2 = arith.muli %arg0, %mul3A_1 : i32
    %add3A = arith.addi %mul3A_2, %arg1 : i32
    %mul3A_3 = arith.constant 4000 : i32
    %mul3A_4 = arith.muli %add3A, %mul3A_3 : i32
    %scan3A = arith.constant 0 : i32
    %scan3A_5 = arith.constant 0 : i32
    %scan3A_6 = arith.constant 20 : i32
    %scan3A_7 = arith.addi %scan3A_5, %scan3A_6 : i32
    %scan3A_8 = arith.constant 1 : i32
    scf.for %scan3A_11 = %scan3A_5 to %scan3A_7 step %scan3A_8  : i32 {
      %mul3A_12 = arith.constant 200 : i32
      %mul3A_13 = arith.muli %scan3A_11, %mul3A_12 : i32
      %add3A_14 = arith.addi %mul3A_4, %mul3A_13 : i32
      "tpu.region"() ({
        %run_scoped3A = tpu.sem_alloc : memref<!tpu.dma_semaphore, #tpu.memory_space<semaphore_mem>>
        %dma_start3A = tpu.memref_slice %arg4[%add3A_14] : memref<128000xi32, #tpu.memory_space<hbm>> -> memref<200xi32, #tpu.memory_space<hbm>>
        %dma_start3A_15 = tpu.memref_slice %arg4[%add3A_14] : memref<128000xi32, #tpu.memory_space<hbm>> -> memref<200xi32, #tpu.memory_space<hbm>>
        tpu.enqueue_dma source(%dma_start3A_15 : memref<200xi32, #tpu.memory_space<hbm>>) target(%arg9 : memref<200xi32, #tpu.memory_space<vmem>>) target_semaphore(%run_scoped3A : memref<!tpu.dma_semaphore, #tpu.memory_space<semaphore_mem>>)
        %dma_wait3A = tpu.memref_slice %arg4[%add3A_14] : memref<128000xi32, #tpu.memory_space<hbm>> -> memref<200xi32, #tpu.memory_space<hbm>>
        %dma_wait3A_16 = tpu.memref_slice %arg4[%add3A_14] : memref<128000xi32, #tpu.memory_space<hbm>> -> memref<200xi32, #tpu.memory_space<hbm>>
        tpu.wait_dma2 semaphore(%run_scoped3A : memref<!tpu.dma_semaphore, #tpu.memory_space<semaphore_mem>>) src(%dma_wait3A_16 : memref<200xi32, #tpu.memory_space<hbm>>) dst(%arg9 : memref<200xi32, #tpu.memory_space<vmem>>)
        tpu.yield
      }) : () -> ()
      "tpu.region"() ({
        %run_scoped3A = tpu.sem_alloc : memref<!tpu.dma_semaphore, #tpu.memory_space<semaphore_mem>>
        %dma_start3A = arith.constant 0 : i32
        %dma_start3A_15 = tpu.memref_slice %arg2[%add3A_14, %dma_start3A] : memref<128000x128xf32, #tpu.memory_space<hbm>> -> memref<200x128xf32, #tpu.memory_space<hbm>>
        %dma_start3A_16 = arith.constant 0 : i32
        %dma_start3A_17 = tpu.memref_slice %arg2[%add3A_14, %dma_start3A_16] : memref<128000x128xf32, #tpu.memory_space<hbm>> -> memref<200x128xf32, #tpu.memory_space<hbm>>
        tpu.enqueue_dma source(%dma_start3A_17 : memref<200x128xf32, #tpu.memory_space<hbm>>) target(%arg10 : memref<200x128xf32, #tpu.memory_space<vmem>>) target_semaphore(%run_scoped3A : memref<!tpu.dma_semaphore, #tpu.memory_space<semaphore_mem>>)
        %dma_wait3A = arith.constant 0 : i32
        %dma_wait3A_18 = tpu.memref_slice %arg2[%add3A_14, %dma_wait3A] : memref<128000x128xf32, #tpu.memory_space<hbm>> -> memref<200x128xf32, #tpu.memory_space<hbm>>
        %dma_wait3A_19 = arith.constant 0 : i32
        %dma_wait3A_20 = tpu.memref_slice %arg2[%add3A_14, %dma_wait3A_19] : memref<128000x128xf32, #tpu.memory_space<hbm>> -> memref<200x128xf32, #tpu.memory_space<hbm>>
        tpu.wait_dma2 semaphore(%run_scoped3A : memref<!tpu.dma_semaphore, #tpu.memory_space<semaphore_mem>>) src(%dma_wait3A_20 : memref<200x128xf32, #tpu.memory_space<hbm>>) dst(%arg10 : memref<200x128xf32, #tpu.memory_space<vmem>>)
        tpu.yield
      }) : () -> ()
      "tpu.region"() ({
        %run_scoped3A = tpu.sem_alloc : memref<!tpu.dma_semaphore, #tpu.memory_space<semaphore_mem>>
        %dma_start3A = arith.constant 0 : i32
        %dma_start3A_15 = tpu.memref_slice %arg3[%add3A_14, %dma_start3A] : memref<128000x16xf32, #tpu.memory_space<hbm>> -> memref<200x16xf32, #tpu.memory_space<hbm>>
        %dma_start3A_16 = arith.constant 0 : i32
        %dma_start3A_17 = tpu.memref_slice %arg3[%add3A_14, %dma_start3A_16] : memref<128000x16xf32, #tpu.memory_space<hbm>> -> memref<200x16xf32, #tpu.memory_space<hbm>>
        tpu.enqueue_dma source(%dma_start3A_17 : memref<200x16xf32, #tpu.memory_space<hbm>>) target(%arg11 : memref<200x16xf32, #tpu.memory_space<vmem>>) target_semaphore(%run_scoped3A : memref<!tpu.dma_semaphore, #tpu.memory_space<semaphore_mem>>)
        %dma_wait3A = arith.constant 0 : i32
        %dma_wait3A_18 = tpu.memref_slice %arg3[%add3A_14, %dma_wait3A] : memref<128000x16xf32, #tpu.memory_space<hbm>> -> memref<200x16xf32, #tpu.memory_space<hbm>>
        %dma_wait3A_19 = arith.constant 0 : i32
        %dma_wait3A_20 = tpu.memref_slice %arg3[%add3A_14, %dma_wait3A_19] : memref<128000x16xf32, #tpu.memory_space<hbm>> -> memref<200x16xf32, #tpu.memory_space<hbm>>
        tpu.wait_dma2 semaphore(%run_scoped3A : memref<!tpu.dma_semaphore, #tpu.memory_space<semaphore_mem>>) src(%dma_wait3A_20 : memref<200x16xf32, #tpu.memory_space<hbm>>) dst(%arg11 : memref<200x16xf32, #tpu.memory_space<vmem>>)
        tpu.yield
      }) : () -> ()
      "tpu.region"() ({
        %run_scoped3A = tpu.sem_alloc : memref<!tpu.dma_semaphore, #tpu.memory_space<semaphore_mem>>
        %dma_start3A = arith.constant 0 : i32
        %dma_start3A_15 = arith.constant 0 : i32
        %dma_start3A_16 = tpu.memref_slice %arg12[%dma_start3A, %dma_start3A_15] : memref<10000x128xf32, #tpu.memory_space<vmem_shared>> -> memref<10000x128xf32, #tpu.memory_space<vmem_shared>>
        tpu.enqueue_indirect_dma source(%arg10 : memref<200x128xf32, #tpu.memory_space<vmem>>) target(%dma_start3A_16 : memref<10000x128xf32, #tpu.memory_space<vmem_shared>>) offsets(%arg9 : memref<200xi32, #tpu.memory_space<vmem>>) semaphore(%run_scoped3A : memref<!tpu.dma_semaphore, #tpu.memory_space<semaphore_mem>>) {add = true}
        %dma_wait3A = arith.constant 0 : i32
        %dma_wait3A_17 = arith.constant 0 : i32
        %dma_wait3A_18 = tpu.memref_slice %arg12[%dma_wait3A, %dma_wait3A_17] : memref<10000x128xf32, #tpu.memory_space<vmem_shared>> -> memref<10000x128xf32, #tpu.memory_space<vmem_shared>>
        tpu.wait_indirect_dma semaphore(%run_scoped3A : memref<!tpu.dma_semaphore, #tpu.memory_space<semaphore_mem>>) src(%arg10 : memref<200x128xf32, #tpu.memory_space<vmem>>) dst(%dma_wait3A_18 : memref<10000x128xf32, #tpu.memory_space<vmem_shared>>)
        tpu.yield
      }) : () -> ()
      "tpu.region"() ({
        %run_scoped3A = tpu.sem_alloc : memref<!tpu.dma_semaphore, #tpu.memory_space<semaphore_mem>>
        %dma_start3A = arith.constant 0 : i32
        %dma_start3A_15 = arith.constant 0 : i32
        %dma_start3A_16 = tpu.memref_slice %arg13[%dma_start3A, %dma_start3A_15] : memref<10000x16xf32, #tpu.memory_space<vmem_shared>> -> memref<10000x16xf32, #tpu.memory_space<vmem_shared>>
        tpu.enqueue_indirect_dma source(%arg11 : memref<200x16xf32, #tpu.memory_space<vmem>>) target(%dma_start3A_16 : memref<10000x16xf32, #tpu.memory_space<vmem_shared>>) offsets(%arg9 : memref<200xi32, #tpu.memory_space<vmem>>) semaphore(%run_scoped3A : memref<!tpu.dma_semaphore, #tpu.memory_space<semaphore_mem>>) {add = true}
        %dma_wait3A = arith.constant 0 : i32
        %dma_wait3A_17 = arith.constant 0 : i32
        %dma_wait3A_18 = tpu.memref_slice %arg13[%dma_wait3A, %dma_wait3A_17] : memref<10000x16xf32, #tpu.memory_space<vmem_shared>> -> memref<10000x16xf32, #tpu.memory_space<vmem_shared>>
        tpu.wait_indirect_dma semaphore(%run_scoped3A : memref<!tpu.dma_semaphore, #tpu.memory_space<semaphore_mem>>) src(%arg11 : memref<200x16xf32, #tpu.memory_space<vmem>>) dst(%dma_wait3A_18 : memref<10000x16xf32, #tpu.memory_space<vmem_shared>>)
        tpu.yield
      }) : () -> ()
    }
    %scan3A_9 = arith.constant 20 : i32
    %barrier3A_10 = arith.constant 0 : index
    tpu.barrier barrier_id(%barrier3A_10)
    "tpu.region"() ({
      %run_scoped3A = tpu.sem_alloc : memref<!tpu.dma_semaphore, #tpu.memory_space<semaphore_mem>>
      %dma_start3A = arith.constant 0 : i32
      %dma_start3A_11 = tpu.memref_slice %arg7[%arg0, %mul3A_0, %dma_start3A] : memref<2x10000x128xf32, #tpu.memory_space<hbm>> -> memref<1x625x128xf32, #tpu.memory_space<hbm>>
      %dma_start3A_12 = tpu.memref_squeeze %dma_start3A_11 : memref<1x625x128xf32, #tpu.memory_space<hbm>> -> memref<625x128xf32, #tpu.memory_space<hbm>>
      %dma_start3A_13 = arith.constant 0 : i32
      %dma_start3A_14 = tpu.memref_slice %arg12[%mul3A_0, %dma_start3A_13] : memref<10000x128xf32, #tpu.memory_space<vmem_shared>> -> memref<625x128xf32, #tpu.memory_space<vmem_shared>>
      tpu.enqueue_dma source(%dma_start3A_14 : memref<625x128xf32, #tpu.memory_space<vmem_shared>>) target(%dma_start3A_12 : memref<625x128xf32, #tpu.memory_space<hbm>>) target_semaphore(%run_scoped3A : memref<!tpu.dma_semaphore, #tpu.memory_space<semaphore_mem>>)
      %dma_wait3A = arith.constant 0 : i32
      %dma_wait3A_15 = tpu.memref_slice %arg7[%arg0, %mul3A_0, %dma_wait3A] : memref<2x10000x128xf32, #tpu.memory_space<hbm>> -> memref<1x625x128xf32, #tpu.memory_space<hbm>>
      %dma_wait3A_16 = tpu.memref_squeeze %dma_wait3A_15 : memref<1x625x128xf32, #tpu.memory_space<hbm>> -> memref<625x128xf32, #tpu.memory_space<hbm>>
      %dma_wait3A_17 = arith.constant 0 : i32
      %dma_wait3A_18 = tpu.memref_slice %arg12[%mul3A_0, %dma_wait3A_17] : memref<10000x128xf32, #tpu.memory_space<vmem_shared>> -> memref<625x128xf32, #tpu.memory_space<vmem_shared>>
      tpu.wait_dma2 semaphore(%run_scoped3A : memref<!tpu.dma_semaphore, #tpu.memory_space<semaphore_mem>>) src(%dma_wait3A_18 : memref<625x128xf32, #tpu.memory_space<vmem_shared>>) dst(%dma_wait3A_16 : memref<625x128xf32, #tpu.memory_space<hbm>>)
      tpu.yield
    }) : () -> ()
    "tpu.region"() ({
      %run_scoped3A = tpu.sem_alloc : memref<!tpu.dma_semaphore, #tpu.memory_space<semaphore_mem>>
      %dma_start3A = arith.constant 0 : i32
      %dma_start3A_11 = tpu.memref_slice %arg8[%arg0, %mul3A_0, %dma_start3A] : memref<2x10000x16xf32, #tpu.memory_space<hbm>> -> memref<1x625x16xf32, #tpu.memory_space<hbm>>
      %dma_start3A_12 = tpu.memref_squeeze %dma_start3A_11 : memref<1x625x16xf32, #tpu.memory_space<hbm>> -> memref<625x16xf32, #tpu.memory_space<hbm>>
      %dma_start3A_13 = arith.constant 0 : i32
      %dma_start3A_14 = tpu.memref_slice %arg13[%mul3A_0, %dma_start3A_13] : memref<10000x16xf32, #tpu.memory_space<vmem_shared>> -> memref<625x16xf32, #tpu.memory_space<vmem_shared>>
      tpu.enqueue_dma source(%dma_start3A_14 : memref<625x16xf32, #tpu.memory_space<vmem_shared>>) target(%dma_start3A_12 : memref<625x16xf32, #tpu.memory_space<hbm>>) target_semaphore(%run_scoped3A : memref<!tpu.dma_semaphore, #tpu.memory_space<semaphore_mem>>)
      %dma_wait3A = arith.constant 0 : i32
      %dma_wait3A_15 = tpu.memref_slice %arg8[%arg0, %mul3A_0, %dma_wait3A] : memref<2x10000x16xf32, #tpu.memory_space<hbm>> -> memref<1x625x16xf32, #tpu.memory_space<hbm>>
      %dma_wait3A_16 = tpu.memref_squeeze %dma_wait3A_15 : memref<1x625x16xf32, #tpu.memory_space<hbm>> -> memref<625x16xf32, #tpu.memory_space<hbm>>
      %dma_wait3A_17 = arith.constant 0 : i32
      %dma_wait3A_18 = tpu.memref_slice %arg13[%mul3A_0, %dma_wait3A_17] : memref<10000x16xf32, #tpu.memory_space<vmem_shared>> -> memref<625x16xf32, #tpu.memory_space<vmem_shared>>
      tpu.wait_dma2 semaphore(%run_scoped3A : memref<!tpu.dma_semaphore, #tpu.memory_space<semaphore_mem>>) src(%dma_wait3A_18 : memref<625x16xf32, #tpu.memory_space<vmem_shared>>) dst(%dma_wait3A_16 : memref<625x16xf32, #tpu.memory_space<hbm>>)
      tpu.yield
    }) : () -> ()
    return
  }
}

#map = affine_map<(d0, d1) -> (0, 0)>
#map1 = affine_map<(d0, d1) -> (0)>
#map2 = affine_map<(d0, d1) -> (0, 0, 0)>
module attributes {stable_mosaic.version = 14 : i64} {
  func.func @k(%arg0: i32, %arg1: i32, %arg2: memref<64000x128xf32, #tpu.memory_space<hbm>>, %arg3: memref<64000x16xf32, #tpu.memory_space<hbm>>, %arg4: memref<64000xi32, #tpu.memory_space<hbm>>, %arg5: memref<10000x128xf32, #tpu.memory_space<hbm>>, %arg6: memref<10000x16xf32, #tpu.memory_space<hbm>>, %arg7: memref<2x10000x128xf32, #tpu.memory_space<hbm>>, %arg8: memref<2x10000x16xf32, #tpu.memory_space<hbm>>, %arg9: memref<200xi32, #tpu.memory_space<vmem>>, %arg10: memref<200x128xf32, #tpu.memory_space<vmem>>, %arg11: memref<200x16xf32, #tpu.memory_space<vmem>>, %arg12: memref<10000x128xf32, #tpu.memory_space<vmem_shared>>, %arg13: memref<10000x16xf32, #tpu.memory_space<vmem_shared>>) attributes {dimension_semantics = [#tpu.dimension_semantics<core_parallel>, #tpu.dimension_semantics<subcore_parallel>], iteration_bounds = array<i64: 2, 16>, scalar_prefetch = 0 : i64, scratch_operands = 5 : i64, tpu.core_type = #tpu.core_type<sc_vector_subcore>, window_params = [{transform_indices = #map}, {transform_indices = #map}, {transform_indices = #map1}, {transform_indices = #map}, {transform_indices = #map}, {transform_indices = #map2}, {transform_indices = #map2}]} {
    %mul3A = arith.constant 625 : i32
    %mul3A_0 = arith.muli %arg1, %mul3A : i32
    "tpu.region"() ({
      %run_scoped3A = tpu.sem_alloc : memref<!tpu.dma_semaphore, #tpu.memory_space<semaphore_mem>>
      %dma_start3A = arith.constant 0 : i32
      %dma_start3A_11 = tpu.memref_slice %arg12[%mul3A_0, %dma_start3A] : memref<10000x128xf32, #tpu.memory_space<vmem_shared>> -> memref<625x128xf32, #tpu.memory_space<vmem_shared>>
      %dma_start3A_12 = arith.constant 0 : i32
      %dma_start3A_13 = tpu.memref_slice %arg5[%mul3A_0, %dma_start3A_12] : memref<10000x128xf32, #tpu.memory_space<hbm>> -> memref<625x128xf32, #tpu.memory_space<hbm>>
      tpu.enqueue_dma source(%dma_start3A_13 : memref<625x128xf32, #tpu.memory_space<hbm>>) target(%dma_start3A_11 : memref<625x128xf32, #tpu.memory_space<vmem_shared>>) target_semaphore(%run_scoped3A : memref<!tpu.dma_semaphore, #tpu.memory_space<semaphore_mem>>)
      %dma_wait3A = arith.constant 0 : i32
      %dma_wait3A_14 = tpu.memref_slice %arg12[%mul3A_0, %dma_wait3A] : memref<10000x128xf32, #tpu.memory_space<vmem_shared>> -> memref<625x128xf32, #tpu.memory_space<vmem_shared>>
      %dma_wait3A_15 = arith.constant 0 : i32
      %dma_wait3A_16 = tpu.memref_slice %arg5[%mul3A_0, %dma_wait3A_15] : memref<10000x128xf32, #tpu.memory_space<hbm>> -> memref<625x128xf32, #tpu.memory_space<hbm>>
      tpu.wait_dma2 semaphore(%run_scoped3A : memref<!tpu.dma_semaphore, #tpu.memory_space<semaphore_mem>>) src(%dma_wait3A_16 : memref<625x128xf32, #tpu.memory_space<hbm>>) dst(%dma_wait3A_14 : memref<625x128xf32, #tpu.memory_space<vmem_shared>>)
      tpu.yield
    }) : () -> ()
    "tpu.region"() ({
      %run_scoped3A = tpu.sem_alloc : memref<!tpu.dma_semaphore, #tpu.memory_space<semaphore_mem>>
      %dma_start3A = arith.constant 0 : i32
      %dma_start3A_11 = tpu.memref_slice %arg13[%mul3A_0, %dma_start3A] : memref<10000x16xf32, #tpu.memory_space<vmem_shared>> -> memref<625x16xf32, #tpu.memory_space<vmem_shared>>
      %dma_start3A_12 = arith.constant 0 : i32
      %dma_start3A_13 = tpu.memref_slice %arg6[%mul3A_0, %dma_start3A_12] : memref<10000x16xf32, #tpu.memory_space<hbm>> -> memref<625x16xf32, #tpu.memory_space<hbm>>
      tpu.enqueue_dma source(%dma_start3A_13 : memref<625x16xf32, #tpu.memory_space<hbm>>) target(%dma_start3A_11 : memref<625x16xf32, #tpu.memory_space<vmem_shared>>) target_semaphore(%run_scoped3A : memref<!tpu.dma_semaphore, #tpu.memory_space<semaphore_mem>>)
      %dma_wait3A = arith.constant 0 : i32
      %dma_wait3A_14 = tpu.memref_slice %arg13[%mul3A_0, %dma_wait3A] : memref<10000x16xf32, #tpu.memory_space<vmem_shared>> -> memref<625x16xf32, #tpu.memory_space<vmem_shared>>
      %dma_wait3A_15 = arith.constant 0 : i32
      %dma_wait3A_16 = tpu.memref_slice %arg6[%mul3A_0, %dma_wait3A_15] : memref<10000x16xf32, #tpu.memory_space<hbm>> -> memref<625x16xf32, #tpu.memory_space<hbm>>
      tpu.wait_dma2 semaphore(%run_scoped3A : memref<!tpu.dma_semaphore, #tpu.memory_space<semaphore_mem>>) src(%dma_wait3A_16 : memref<625x16xf32, #tpu.memory_space<hbm>>) dst(%dma_wait3A_14 : memref<625x16xf32, #tpu.memory_space<vmem_shared>>)
      tpu.yield
    }) : () -> ()
    %barrier3A = arith.constant 0 : index
    tpu.barrier barrier_id(%barrier3A)
    %mul3A_1 = arith.constant 16 : i32
    %mul3A_2 = arith.muli %arg0, %mul3A_1 : i32
    %add3A = arith.addi %mul3A_2, %arg1 : i32
    %mul3A_3 = arith.constant 2000 : i32
    %mul3A_4 = arith.muli %add3A, %mul3A_3 : i32
    %scan3A = arith.constant 0 : i32
    %scan3A_5 = arith.constant 0 : i32
    %scan3A_6 = arith.constant 10 : i32
    %scan3A_7 = arith.addi %scan3A_5, %scan3A_6 : i32
    %scan3A_8 = arith.constant 1 : i32
    scf.for %scan3A_11 = %scan3A_5 to %scan3A_7 step %scan3A_8  : i32 {
      %mul3A_12 = arith.constant 200 : i32
      %mul3A_13 = arith.muli %scan3A_11, %mul3A_12 : i32
      %add3A_14 = arith.addi %mul3A_4, %mul3A_13 : i32
      "tpu.region"() ({
        %run_scoped3A = tpu.sem_alloc : memref<!tpu.dma_semaphore, #tpu.memory_space<semaphore_mem>>
        %dma_start3A = tpu.memref_slice %arg4[%add3A_14] : memref<64000xi32, #tpu.memory_space<hbm>> -> memref<200xi32, #tpu.memory_space<hbm>>
        %dma_start3A_15 = tpu.memref_slice %arg4[%add3A_14] : memref<64000xi32, #tpu.memory_space<hbm>> -> memref<200xi32, #tpu.memory_space<hbm>>
        tpu.enqueue_dma source(%dma_start3A_15 : memref<200xi32, #tpu.memory_space<hbm>>) target(%arg9 : memref<200xi32, #tpu.memory_space<vmem>>) target_semaphore(%run_scoped3A : memref<!tpu.dma_semaphore, #tpu.memory_space<semaphore_mem>>)
        %dma_wait3A = tpu.memref_slice %arg4[%add3A_14] : memref<64000xi32, #tpu.memory_space<hbm>> -> memref<200xi32, #tpu.memory_space<hbm>>
        %dma_wait3A_16 = tpu.memref_slice %arg4[%add3A_14] : memref<64000xi32, #tpu.memory_space<hbm>> -> memref<200xi32, #tpu.memory_space<hbm>>
        tpu.wait_dma2 semaphore(%run_scoped3A : memref<!tpu.dma_semaphore, #tpu.memory_space<semaphore_mem>>) src(%dma_wait3A_16 : memref<200xi32, #tpu.memory_space<hbm>>) dst(%arg9 : memref<200xi32, #tpu.memory_space<vmem>>)
        tpu.yield
      }) : () -> ()
      "tpu.region"() ({
        %run_scoped3A = tpu.sem_alloc : memref<!tpu.dma_semaphore, #tpu.memory_space<semaphore_mem>>
        %dma_start3A = arith.constant 0 : i32
        %dma_start3A_15 = tpu.memref_slice %arg2[%add3A_14, %dma_start3A] : memref<64000x128xf32, #tpu.memory_space<hbm>> -> memref<200x128xf32, #tpu.memory_space<hbm>>
        %dma_start3A_16 = arith.constant 0 : i32
        %dma_start3A_17 = tpu.memref_slice %arg2[%add3A_14, %dma_start3A_16] : memref<64000x128xf32, #tpu.memory_space<hbm>> -> memref<200x128xf32, #tpu.memory_space<hbm>>
        tpu.enqueue_dma source(%dma_start3A_17 : memref<200x128xf32, #tpu.memory_space<hbm>>) target(%arg10 : memref<200x128xf32, #tpu.memory_space<vmem>>) target_semaphore(%run_scoped3A : memref<!tpu.dma_semaphore, #tpu.memory_space<semaphore_mem>>)
        %dma_wait3A = arith.constant 0 : i32
        %dma_wait3A_18 = tpu.memref_slice %arg2[%add3A_14, %dma_wait3A] : memref<64000x128xf32, #tpu.memory_space<hbm>> -> memref<200x128xf32, #tpu.memory_space<hbm>>
        %dma_wait3A_19 = arith.constant 0 : i32
        %dma_wait3A_20 = tpu.memref_slice %arg2[%add3A_14, %dma_wait3A_19] : memref<64000x128xf32, #tpu.memory_space<hbm>> -> memref<200x128xf32, #tpu.memory_space<hbm>>
        tpu.wait_dma2 semaphore(%run_scoped3A : memref<!tpu.dma_semaphore, #tpu.memory_space<semaphore_mem>>) src(%dma_wait3A_20 : memref<200x128xf32, #tpu.memory_space<hbm>>) dst(%arg10 : memref<200x128xf32, #tpu.memory_space<vmem>>)
        tpu.yield
      }) : () -> ()
      "tpu.region"() ({
        %run_scoped3A = tpu.sem_alloc : memref<!tpu.dma_semaphore, #tpu.memory_space<semaphore_mem>>
        %dma_start3A = arith.constant 0 : i32
        %dma_start3A_15 = tpu.memref_slice %arg3[%add3A_14, %dma_start3A] : memref<64000x16xf32, #tpu.memory_space<hbm>> -> memref<200x16xf32, #tpu.memory_space<hbm>>
        %dma_start3A_16 = arith.constant 0 : i32
        %dma_start3A_17 = tpu.memref_slice %arg3[%add3A_14, %dma_start3A_16] : memref<64000x16xf32, #tpu.memory_space<hbm>> -> memref<200x16xf32, #tpu.memory_space<hbm>>
        tpu.enqueue_dma source(%dma_start3A_17 : memref<200x16xf32, #tpu.memory_space<hbm>>) target(%arg11 : memref<200x16xf32, #tpu.memory_space<vmem>>) target_semaphore(%run_scoped3A : memref<!tpu.dma_semaphore, #tpu.memory_space<semaphore_mem>>)
        %dma_wait3A = arith.constant 0 : i32
        %dma_wait3A_18 = tpu.memref_slice %arg3[%add3A_14, %dma_wait3A] : memref<64000x16xf32, #tpu.memory_space<hbm>> -> memref<200x16xf32, #tpu.memory_space<hbm>>
        %dma_wait3A_19 = arith.constant 0 : i32
        %dma_wait3A_20 = tpu.memref_slice %arg3[%add3A_14, %dma_wait3A_19] : memref<64000x16xf32, #tpu.memory_space<hbm>> -> memref<200x16xf32, #tpu.memory_space<hbm>>
        tpu.wait_dma2 semaphore(%run_scoped3A : memref<!tpu.dma_semaphore, #tpu.memory_space<semaphore_mem>>) src(%dma_wait3A_20 : memref<200x16xf32, #tpu.memory_space<hbm>>) dst(%arg11 : memref<200x16xf32, #tpu.memory_space<vmem>>)
        tpu.yield
      }) : () -> ()
      "tpu.region"() ({
        %run_scoped3A = tpu.sem_alloc : memref<!tpu.dma_semaphore, #tpu.memory_space<semaphore_mem>>
        %dma_start3A = arith.constant 0 : i32
        %dma_start3A_15 = arith.constant 0 : i32
        %dma_start3A_16 = tpu.memref_slice %arg12[%dma_start3A, %dma_start3A_15] : memref<10000x128xf32, #tpu.memory_space<vmem_shared>> -> memref<10000x128xf32, #tpu.memory_space<vmem_shared>>
        tpu.enqueue_indirect_dma source(%arg10 : memref<200x128xf32, #tpu.memory_space<vmem>>) target(%dma_start3A_16 : memref<10000x128xf32, #tpu.memory_space<vmem_shared>>) offsets(%arg9 : memref<200xi32, #tpu.memory_space<vmem>>) semaphore(%run_scoped3A : memref<!tpu.dma_semaphore, #tpu.memory_space<semaphore_mem>>) {add = true}
        %dma_wait3A = arith.constant 0 : i32
        %dma_wait3A_17 = arith.constant 0 : i32
        %dma_wait3A_18 = tpu.memref_slice %arg12[%dma_wait3A, %dma_wait3A_17] : memref<10000x128xf32, #tpu.memory_space<vmem_shared>> -> memref<10000x128xf32, #tpu.memory_space<vmem_shared>>
        tpu.wait_indirect_dma semaphore(%run_scoped3A : memref<!tpu.dma_semaphore, #tpu.memory_space<semaphore_mem>>) src(%arg10 : memref<200x128xf32, #tpu.memory_space<vmem>>) dst(%dma_wait3A_18 : memref<10000x128xf32, #tpu.memory_space<vmem_shared>>)
        tpu.yield
      }) : () -> ()
      "tpu.region"() ({
        %run_scoped3A = tpu.sem_alloc : memref<!tpu.dma_semaphore, #tpu.memory_space<semaphore_mem>>
        %dma_start3A = arith.constant 0 : i32
        %dma_start3A_15 = arith.constant 0 : i32
        %dma_start3A_16 = tpu.memref_slice %arg13[%dma_start3A, %dma_start3A_15] : memref<10000x16xf32, #tpu.memory_space<vmem_shared>> -> memref<10000x16xf32, #tpu.memory_space<vmem_shared>>
        tpu.enqueue_indirect_dma source(%arg11 : memref<200x16xf32, #tpu.memory_space<vmem>>) target(%dma_start3A_16 : memref<10000x16xf32, #tpu.memory_space<vmem_shared>>) offsets(%arg9 : memref<200xi32, #tpu.memory_space<vmem>>) semaphore(%run_scoped3A : memref<!tpu.dma_semaphore, #tpu.memory_space<semaphore_mem>>) {add = true}
        %dma_wait3A = arith.constant 0 : i32
        %dma_wait3A_17 = arith.constant 0 : i32
        %dma_wait3A_18 = tpu.memref_slice %arg13[%dma_wait3A, %dma_wait3A_17] : memref<10000x16xf32, #tpu.memory_space<vmem_shared>> -> memref<10000x16xf32, #tpu.memory_space<vmem_shared>>
        tpu.wait_indirect_dma semaphore(%run_scoped3A : memref<!tpu.dma_semaphore, #tpu.memory_space<semaphore_mem>>) src(%arg11 : memref<200x16xf32, #tpu.memory_space<vmem>>) dst(%dma_wait3A_18 : memref<10000x16xf32, #tpu.memory_space<vmem_shared>>)
        tpu.yield
      }) : () -> ()
    }
    %scan3A_9 = arith.constant 10 : i32
    %barrier3A_10 = arith.constant 0 : index
    tpu.barrier barrier_id(%barrier3A_10)
    "tpu.region"() ({
      %run_scoped3A = tpu.sem_alloc : memref<!tpu.dma_semaphore, #tpu.memory_space<semaphore_mem>>
      %dma_start3A = arith.constant 0 : i32
      %dma_start3A_11 = tpu.memref_slice %arg7[%arg0, %mul3A_0, %dma_start3A] : memref<2x10000x128xf32, #tpu.memory_space<hbm>> -> memref<1x625x128xf32, #tpu.memory_space<hbm>>
      %dma_start3A_12 = tpu.memref_squeeze %dma_start3A_11 : memref<1x625x128xf32, #tpu.memory_space<hbm>> -> memref<625x128xf32, #tpu.memory_space<hbm>>
      %dma_start3A_13 = arith.constant 0 : i32
      %dma_start3A_14 = tpu.memref_slice %arg12[%mul3A_0, %dma_start3A_13] : memref<10000x128xf32, #tpu.memory_space<vmem_shared>> -> memref<625x128xf32, #tpu.memory_space<vmem_shared>>
      tpu.enqueue_dma source(%dma_start3A_14 : memref<625x128xf32, #tpu.memory_space<vmem_shared>>) target(%dma_start3A_12 : memref<625x128xf32, #tpu.memory_space<hbm>>) target_semaphore(%run_scoped3A : memref<!tpu.dma_semaphore, #tpu.memory_space<semaphore_mem>>)
      %dma_wait3A = arith.constant 0 : i32
      %dma_wait3A_15 = tpu.memref_slice %arg7[%arg0, %mul3A_0, %dma_wait3A] : memref<2x10000x128xf32, #tpu.memory_space<hbm>> -> memref<1x625x128xf32, #tpu.memory_space<hbm>>
      %dma_wait3A_16 = tpu.memref_squeeze %dma_wait3A_15 : memref<1x625x128xf32, #tpu.memory_space<hbm>> -> memref<625x128xf32, #tpu.memory_space<hbm>>
      %dma_wait3A_17 = arith.constant 0 : i32
      %dma_wait3A_18 = tpu.memref_slice %arg12[%mul3A_0, %dma_wait3A_17] : memref<10000x128xf32, #tpu.memory_space<vmem_shared>> -> memref<625x128xf32, #tpu.memory_space<vmem_shared>>
      tpu.wait_dma2 semaphore(%run_scoped3A : memref<!tpu.dma_semaphore, #tpu.memory_space<semaphore_mem>>) src(%dma_wait3A_18 : memref<625x128xf32, #tpu.memory_space<vmem_shared>>) dst(%dma_wait3A_16 : memref<625x128xf32, #tpu.memory_space<hbm>>)
      tpu.yield
    }) : () -> ()
    "tpu.region"() ({
      %run_scoped3A = tpu.sem_alloc : memref<!tpu.dma_semaphore, #tpu.memory_space<semaphore_mem>>
      %dma_start3A = arith.constant 0 : i32
      %dma_start3A_11 = tpu.memref_slice %arg8[%arg0, %mul3A_0, %dma_start3A] : memref<2x10000x16xf32, #tpu.memory_space<hbm>> -> memref<1x625x16xf32, #tpu.memory_space<hbm>>
      %dma_start3A_12 = tpu.memref_squeeze %dma_start3A_11 : memref<1x625x16xf32, #tpu.memory_space<hbm>> -> memref<625x16xf32, #tpu.memory_space<hbm>>
      %dma_start3A_13 = arith.constant 0 : i32
      %dma_start3A_14 = tpu.memref_slice %arg13[%mul3A_0, %dma_start3A_13] : memref<10000x16xf32, #tpu.memory_space<vmem_shared>> -> memref<625x16xf32, #tpu.memory_space<vmem_shared>>
      tpu.enqueue_dma source(%dma_start3A_14 : memref<625x16xf32, #tpu.memory_space<vmem_shared>>) target(%dma_start3A_12 : memref<625x16xf32, #tpu.memory_space<hbm>>) target_semaphore(%run_scoped3A : memref<!tpu.dma_semaphore, #tpu.memory_space<semaphore_mem>>)
      %dma_wait3A = arith.constant 0 : i32
      %dma_wait3A_15 = tpu.memref_slice %arg8[%arg0, %mul3A_0, %dma_wait3A] : memref<2x10000x16xf32, #tpu.memory_space<hbm>> -> memref<1x625x16xf32, #tpu.memory_space<hbm>>
      %dma_wait3A_16 = tpu.memref_squeeze %dma_wait3A_15 : memref<1x625x16xf32, #tpu.memory_space<hbm>> -> memref<625x16xf32, #tpu.memory_space<hbm>>
      %dma_wait3A_17 = arith.constant 0 : i32
      %dma_wait3A_18 = tpu.memref_slice %arg13[%mul3A_0, %dma_wait3A_17] : memref<10000x16xf32, #tpu.memory_space<vmem_shared>> -> memref<625x16xf32, #tpu.memory_space<vmem_shared>>
      tpu.wait_dma2 semaphore(%run_scoped3A : memref<!tpu.dma_semaphore, #tpu.memory_space<semaphore_mem>>) src(%dma_wait3A_18 : memref<625x16xf32, #tpu.memory_space<vmem_shared>>) dst(%dma_wait3A_16 : memref<625x16xf32, #tpu.memory_space<hbm>>)
      tpu.yield
    }) : () -> ()
    return
  }
}

module attributes {stable_mosaic.version = 14 : i64} {
  func.func @_proj_body(%arg0: i32, %arg1: memref<1000x128xf32, #tpu.memory_space<vmem>>, %arg2: memref<128x128xf32, #tpu.memory_space<vmem>>, %arg3: memref<1x128xf32, #tpu.memory_space<vmem>>, %arg4: memref<1000x128xf32, #tpu.memory_space<vmem>>) attributes {dimension_semantics = [#tpu.dimension_semantics<arbitrary>], iteration_bounds = array<i64: 10>, scalar_prefetch = 0 : i64, scratch_operands = 0 : i64, tpu.core_type = #tpu.core_type<tc>, window_params = [{transform_indices = @transform_0, window_bounds = array<i64: 1000, 128>}, {pipeline_mode = #tpu.pipeline_mode<synchronous>, transform_indices = @transform_1, window_bounds = array<i64: 128, 128>}, {pipeline_mode = #tpu.pipeline_mode<synchronous>, transform_indices = @transform_2, window_bounds = array<i64: 1, 128>}, {transform_indices = @transform_3, window_bounds = array<i64: 1000, 128>}]} {
    %get3A = arith.constant 0 : index
    %get3A_0 = arith.constant 0 : index
    %get3A_1 = vector.load %arg1[%get3A, %get3A_0] : memref<1000x128xf32, #tpu.memory_space<vmem>>, vector<1000x128xf32>
    %get3A_2 = arith.constant 0 : index
    %get3A_3 = arith.constant 0 : index
    %get3A_4 = vector.load %arg2[%get3A_2, %get3A_3] : memref<128x128xf32, #tpu.memory_space<vmem>>, vector<128x128xf32>
    %dot_general3A = arith.constant dense<0.000000e+00> : vector<1000x128xf32>
    %dot_general3A_5 = tpu.matmul %get3A_1, %get3A_4, %dot_general3A {dimension_numbers = #tpu.dot_dimension_numbers<[1], [0], [0], [1], [0, 0, 1, 1], [], []>, transpose_lhs_hint = false} : vector<1000x128xf32>, vector<128x128xf32>, vector<1000x128xf32> -> vector<1000x128xf32>
    %get3A_6 = arith.constant 0 : index
    %get3A_7 = arith.constant 0 : index
    %get3A_8 = vector.load %arg3[%get3A_6, %get3A_7] : memref<1x128xf32, #tpu.memory_space<vmem>>, vector<1x128xf32>
    %add3A = vector.broadcast %get3A_8 : vector<1x128xf32> to vector<1000x128xf32>
    %add3A_9 = arith.addf %dot_general3A_5, %add3A : vector<1000x128xf32>
    %swap3A = arith.constant 0 : index
    %swap3A_10 = arith.constant 0 : index
    %swap3A_11 = vector.load %arg4[%swap3A, %swap3A_10] : memref<1000x128xf32, #tpu.memory_space<vmem>>, vector<1000x128xf32>
    tpu.vector_store %arg4[%swap3A, %swap3A_10], %add3A_9 {strides = array<i32>} : memref<1000x128xf32, #tpu.memory_space<vmem>>, vector<1000x128xf32>,
    return
  }
  func.func @transform_0(%arg0: i32) -> (i32, i32) {
    %c0_i32 = arith.constant 0 : i32
    %c0_i32_0 = arith.constant 0 : i32
    return %arg0, %c0_i32 : i32, i32
  }
  func.func @transform_1(%arg0: i32) -> (i32, i32) {
    %c0_i32 = arith.constant 0 : i32
    %c0_i32_0 = arith.constant 0 : i32
    %c0_i32_1 = arith.constant 0 : i32
    return %c0_i32, %c0_i32_0 : i32, i32
  }
  func.func @transform_2(%arg0: i32) -> (i32, i32) {
    %c0_i32 = arith.constant 0 : i32
    %c0_i32_0 = arith.constant 0 : i32
    %c0_i32_1 = arith.constant 0 : i32
    return %c0_i32, %c0_i32_0 : i32, i32
  }
  func.func @transform_3(%arg0: i32) -> (i32, i32) {
    %c0_i32 = arith.constant 0 : i32
    %c0_i32_0 = arith.constant 0 : i32
    return %arg0, %c0_i32 : i32, i32
  }
}

module attributes {stable_mosaic.version = 14 : i64} {
  func.func @_edge_body(%arg0: i32, %arg1: memref<2000x128xf32, #tpu.memory_space<vmem>>, %arg2: memref<2000x128xf32, #tpu.memory_space<vmem>>, %arg3: memref<2000x16xf32, #tpu.memory_space<vmem>>, %arg4: memref<16x128xf32, #tpu.memory_space<vmem>>, %arg5: memref<1x128xf32, #tpu.memory_space<vmem>>, %arg6: memref<128x8xf32, #tpu.memory_space<vmem>>, %arg7: memref<2000x128xf32, #tpu.memory_space<vmem>>, %arg8: memref<2000x16xf32, #tpu.memory_space<vmem>>) attributes {dimension_semantics = [#tpu.dimension_semantics<arbitrary>], iteration_bounds = array<i64: 64>, scalar_prefetch = 0 : i64, scratch_operands = 0 : i64, tpu.core_type = #tpu.core_type<tc>, window_params = [{transform_indices = @transform_0, window_bounds = array<i64: 2000, 128>}, {transform_indices = @transform_1, window_bounds = array<i64: 2000, 128>}, {transform_indices = @transform_2, window_bounds = array<i64: 2000, 16>}, {pipeline_mode = #tpu.pipeline_mode<synchronous>, transform_indices = @transform_3, window_bounds = array<i64: 16, 128>}, {pipeline_mode = #tpu.pipeline_mode<synchronous>, transform_indices = @transform_4, window_bounds = array<i64: 1, 128>}, {pipeline_mode = #tpu.pipeline_mode<synchronous>, transform_indices = @transform_5, window_bounds = array<i64: 128, 8>}, {transform_indices = @transform_6, window_bounds = array<i64: 2000, 128>}, {transform_indices = @transform_7, window_bounds = array<i64: 2000, 16>}]} {
    %get3A = arith.constant 0 : index
    %get3A_0 = arith.constant 0 : index
    %get3A_1 = vector.load %arg1[%get3A, %get3A_0] : memref<2000x128xf32, #tpu.memory_space<vmem>>, vector<2000x128xf32>
    %get3A_2 = arith.constant 0 : index
    %get3A_3 = arith.constant 0 : index
    %get3A_4 = vector.load %arg2[%get3A_2, %get3A_3] : memref<2000x128xf32, #tpu.memory_space<vmem>>, vector<2000x128xf32>
    %add3A = arith.addf %get3A_1, %get3A_4 : vector<2000x128xf32>
    %get3A_5 = arith.constant 0 : index
    %get3A_6 = arith.constant 0 : index
    %get3A_7 = vector.load %arg5[%get3A_5, %get3A_6] : memref<1x128xf32, #tpu.memory_space<vmem>>, vector<1x128xf32>
    %add3A_8 = vector.broadcast %get3A_7 : vector<1x128xf32> to vector<2000x128xf32>
    %add3A_9 = arith.addf %add3A, %add3A_8 : vector<2000x128xf32>
    %get3A_10 = arith.constant 0 : index
    %get3A_11 = arith.constant 0 : index
    %get3A_12 = vector.load %arg3[%get3A_10, %get3A_11] : memref<2000x16xf32, #tpu.memory_space<vmem>>, vector<2000x16xf32>
    %get3A_13 = arith.constant 0 : index
    %get3A_14 = arith.constant 0 : index
    %get3A_15 = vector.load %arg4[%get3A_13, %get3A_14] : memref<16x128xf32, #tpu.memory_space<vmem>>, vector<16x128xf32>
    %dot_general3A = arith.constant dense<0.000000e+00> : vector<2000x128xf32>
    %dot_general3A_16 = tpu.matmul %get3A_12, %get3A_15, %dot_general3A {dimension_numbers = #tpu.dot_dimension_numbers<[1], [0], [0], [1], [0, 0, 1, 1], [], []>, transpose_lhs_hint = false} : vector<2000x16xf32>, vector<16x128xf32>, vector<2000x128xf32> -> vector<2000x128xf32>
    %add3A_17 = arith.addf %add3A_9, %dot_general3A_16 : vector<2000x128xf32>
    %min3A = arith.constant 2.000000e+01 : f32
    %min3A_18 = vector.broadcast %min3A : f32 to vector<2000x128xf32>
    %min3A_19 = arith.minimumf %add3A_17, %min3A_18 : vector<2000x128xf32>
    %exp3A = math.exp %min3A_19 : vector<2000x128xf32>
    %add3A_20 = arith.constant 1.000000e+00 : f32
    %add3A_21 = vector.broadcast %add3A_20 : f32 to vector<2000x128xf32>
    %add3A_22 = arith.addf %exp3A, %add3A_21 : vector<2000x128xf32>
    %mul3A = arith.mulf %add3A_22, %add3A_22 : vector<2000x128xf32>
    %sub3A = arith.constant 1.000000e+00 : f32
    %sub3A_23 = vector.broadcast %sub3A : f32 to vector<2000x128xf32>
    %sub3A_24 = arith.subf %mul3A, %sub3A_23 : vector<2000x128xf32>
    %add3A_25 = arith.constant 1.000000e+00 : f32
    %add3A_26 = vector.broadcast %add3A_25 : f32 to vector<2000x128xf32>
    %add3A_27 = arith.addf %mul3A, %add3A_26 : vector<2000x128xf32>
    %div3A = arith.divf %sub3A_24, %add3A_27 : vector<2000x128xf32>
    %mul3A_28 = arith.mulf %add3A_17, %div3A : vector<2000x128xf32>
    %get3A_29 = arith.constant 0 : index
    %get3A_30 = arith.constant 0 : index
    %get3A_31 = vector.load %arg6[%get3A_29, %get3A_30] : memref<128x8xf32, #tpu.memory_space<vmem>>, vector<128x8xf32>
    %dot_general3A_32 = arith.constant dense<0.000000e+00> : vector<2000x8xf32>
    %dot_general3A_33 = tpu.matmul %mul3A_28, %get3A_31, %dot_general3A_32 {dimension_numbers = #tpu.dot_dimension_numbers<[1], [0], [0], [1], [0, 0, 1, 1], [], []>, transpose_lhs_hint = false} : vector<2000x128xf32>, vector<128x8xf32>, vector<2000x8xf32> -> vector<2000x8xf32>
    %min3A_34 = arith.constant 6.000000e+01 : f32
    %min3A_35 = vector.broadcast %min3A_34 : f32 to vector<2000x8xf32>
    %min3A_36 = arith.minimumf %dot_general3A_33, %min3A_35 : vector<2000x8xf32>
    %exp3A_37 = math.exp %min3A_36 : vector<2000x8xf32>
    %iota3A = tpu.iota {dimensions = array<i32: 1>} : vector<8x128xi32>
    %jit3A = arith.constant 16 : i32
    %div3A_38 = vector.broadcast %jit3A : i32 to vector<8x128xi32>
    %div3A_39 = arith.divsi %iota3A, %div3A_38 : vector<8x128xi32>
    %sign3A = arith.constant 0 : i32
    %sign3A_40 = vector.broadcast %sign3A : i32 to vector<8x128xi32>
    %sign3A_41 = arith.cmpi sgt, %iota3A, %sign3A_40 : vector<8x128xi32>
    %sign3A_42 = arith.extui %sign3A_41 : vector<8x128xi1> to vector<8x128xi32>
    %sign3A_43 = arith.constant 0 : i32
    %sign3A_44 = vector.broadcast %sign3A_43 : i32 to vector<8x128xi32>
    %sign3A_45 = arith.cmpi slt, %iota3A, %sign3A_44 : vector<8x128xi32>
    %sign3A_46 = arith.extui %sign3A_45 : vector<8x128xi1> to vector<8x128xi32>
    %sign3A_47 = arith.subi %sign3A_42, %sign3A_46 : vector<8x128xi32>
    %sign3A_48 = arith.constant 0 : i32
    %sign3A_49 = arith.cmpi sgt, %jit3A, %sign3A_48 : i32
    %sign3A_50 = arith.extui %sign3A_49 : i1 to i32
    %sign3A_51 = arith.constant 0 : i32
    %sign3A_52 = arith.cmpi slt, %jit3A, %sign3A_51 : i32
    %sign3A_53 = arith.extui %sign3A_52 : i1 to i32
    %sign3A_54 = arith.subi %sign3A_50, %sign3A_53 : i32
    %ne3A = vector.broadcast %sign3A_54 : i32 to vector<8x128xi32>
    %ne3A_55 = arith.cmpi ne, %sign3A_47, %ne3A : vector<8x128xi32>
    %rem3A = vector.broadcast %jit3A : i32 to vector<8x128xi32>
    %rem3A_56 = arith.remsi %iota3A, %rem3A : vector<8x128xi32>
    %ne3A_57 = arith.constant 0 : i32
    %ne3A_58 = vector.broadcast %ne3A_57 : i32 to vector<8x128xi32>
    %ne3A_59 = arith.cmpi ne, %rem3A_56, %ne3A_58 : vector<8x128xi32>
    %and3A = arith.andi %ne3A_55, %ne3A_59 : vector<8x128xi1>
    %sub3A_60 = arith.constant 1 : i32
    %sub3A_61 = vector.broadcast %sub3A_60 : i32 to vector<8x128xi32>
    %sub3A_62 = arith.subi %div3A_39, %sub3A_61 : vector<8x128xi32>
    %select_n3A = arith.select %and3A, %sub3A_62, %div3A_39 : vector<8x128xi1>, vector<8x128xi32>
    %iota3A_63 = tpu.iota {dimensions = array<i32: 0>} : vector<8x128xi32>
    %eq3A = arith.cmpi eq, %select_n3A, %iota3A_63 : vector<8x128xi32>
    %convert_element_type3A = arith.extui %eq3A : vector<8x128xi1> to vector<8x128xi32>
    %convert_element_type3A_64 = arith.sitofp %convert_element_type3A : vector<8x128xi32> to vector<8x128xf32>
    %dot_general3A_65 = arith.constant dense<0.000000e+00> : vector<2000x128xf32>
    %dot_general3A_66 = tpu.matmul %exp3A_37, %convert_element_type3A_64, %dot_general3A_65 {dimension_numbers = #tpu.dot_dimension_numbers<[1], [0], [0], [1], [0, 0, 1, 1], [], []>, transpose_lhs_hint = false} : vector<2000x8xf32>, vector<8x128xf32>, vector<2000x128xf32> -> vector<2000x128xf32>
    %mul3A_67 = arith.mulf %dot_general3A_66, %get3A_1 : vector<2000x128xf32>
    %swap3A = arith.constant 0 : index
    %swap3A_68 = arith.constant 0 : index
    %swap3A_69 = vector.load %arg7[%swap3A, %swap3A_68] : memref<2000x128xf32, #tpu.memory_space<vmem>>, vector<2000x128xf32>
    tpu.vector_store %arg7[%swap3A, %swap3A_68], %mul3A_67 {strides = array<i32>} : memref<2000x128xf32, #tpu.memory_space<vmem>>, vector<2000x128xf32>,
    %broadcast_in_dim3A = arith.constant 0.000000e+00 : f32
    %broadcast_in_dim3A_70 = vector.broadcast %broadcast_in_dim3A : f32 to vector<2000x8xf32>
    %concatenate3A = tpu.concatenate %exp3A_37, %broadcast_in_dim3A_70 in 1 : vector<2000x8xf32>, vector<2000x8xf32> -> vector<2000x16xf32>
    %swap3A_71 = arith.constant 0 : index
    %swap3A_72 = arith.constant 0 : index
    %swap3A_73 = vector.load %arg8[%swap3A_71, %swap3A_72] : memref<2000x16xf32, #tpu.memory_space<vmem>>, vector<2000x16xf32>
    tpu.vector_store %arg8[%swap3A_71, %swap3A_72], %concatenate3A {strides = array<i32>} : memref<2000x16xf32, #tpu.memory_space<vmem>>, vector<2000x16xf32>,
    return
  }
  func.func @transform_0(%arg0: i32) -> (i32, i32) {
    %c0_i32 = arith.constant 0 : i32
    %c0_i32_0 = arith.constant 0 : i32
    return %arg0, %c0_i32 : i32, i32
  }
  func.func @transform_1(%arg0: i32) -> (i32, i32) {
    %c0_i32 = arith.constant 0 : i32
    %c0_i32_0 = arith.constant 0 : i32
    return %arg0, %c0_i32 : i32, i32
  }
  func.func @transform_2(%arg0: i32) -> (i32, i32) {
    %add3A = arith.constant 64 : i32
    %add3A_0 = arith.addi %arg0, %add3A : i32
    %c0_i32 = arith.constant 0 : i32
    %c0_i32_1 = arith.constant 0 : i32
    return %add3A_0, %c0_i32 : i32, i32
  }
  func.func @transform_3(%arg0: i32) -> (i32, i32) {
    %c0_i32 = arith.constant 0 : i32
    %c0_i32_0 = arith.constant 0 : i32
    %c0_i32_1 = arith.constant 0 : i32
    return %c0_i32, %c0_i32_0 : i32, i32
  }
  func.func @transform_4(%arg0: i32) -> (i32, i32) {
    %c0_i32 = arith.constant 0 : i32
    %c0_i32_0 = arith.constant 0 : i32
    %c0_i32_1 = arith.constant 0 : i32
    return %c0_i32, %c0_i32_0 : i32, i32
  }
  func.func @transform_5(%arg0: i32) -> (i32, i32) {
    %c0_i32 = arith.constant 0 : i32
    %c0_i32_0 = arith.constant 0 : i32
    %c0_i32_1 = arith.constant 0 : i32
    return %c0_i32, %c0_i32_0 : i32, i32
  }
  func.func @transform_6(%arg0: i32) -> (i32, i32) {
    %c0_i32 = arith.constant 0 : i32
    %c0_i32_0 = arith.constant 0 : i32
    return %arg0, %c0_i32 : i32, i32
  }
  func.func @transform_7(%arg0: i32) -> (i32, i32) {
    %c0_i32 = arith.constant 0 : i32
    %c0_i32_0 = arith.constant 0 : i32
    return %arg0, %c0_i32 : i32, i32
  }
}

module attributes {stable_mosaic.version = 14 : i64} {
  func.func @_edge_body(%arg0: i32, %arg1: memref<2000x128xf32, #tpu.memory_space<vmem>>, %arg2: memref<2000x128xf32, #tpu.memory_space<vmem>>, %arg3: memref<2000x16xf32, #tpu.memory_space<vmem>>, %arg4: memref<16x128xf32, #tpu.memory_space<vmem>>, %arg5: memref<1x128xf32, #tpu.memory_space<vmem>>, %arg6: memref<128x8xf32, #tpu.memory_space<vmem>>, %arg7: memref<2000x128xf32, #tpu.memory_space<vmem>>, %arg8: memref<2000x16xf32, #tpu.memory_space<vmem>>) attributes {dimension_semantics = [#tpu.dimension_semantics<arbitrary>], iteration_bounds = array<i64: 64>, scalar_prefetch = 0 : i64, scratch_operands = 0 : i64, tpu.core_type = #tpu.core_type<tc>, window_params = [{transform_indices = @transform_0, window_bounds = array<i64: 2000, 128>}, {transform_indices = @transform_1, window_bounds = array<i64: 2000, 128>}, {transform_indices = @transform_2, window_bounds = array<i64: 2000, 16>}, {pipeline_mode = #tpu.pipeline_mode<synchronous>, transform_indices = @transform_3, window_bounds = array<i64: 16, 128>}, {pipeline_mode = #tpu.pipeline_mode<synchronous>, transform_indices = @transform_4, window_bounds = array<i64: 1, 128>}, {pipeline_mode = #tpu.pipeline_mode<synchronous>, transform_indices = @transform_5, window_bounds = array<i64: 128, 8>}, {transform_indices = @transform_6, window_bounds = array<i64: 2000, 128>}, {transform_indices = @transform_7, window_bounds = array<i64: 2000, 16>}]} {
    %get3A = arith.constant 0 : index
    %get3A_0 = arith.constant 0 : index
    %get3A_1 = vector.load %arg1[%get3A, %get3A_0] : memref<2000x128xf32, #tpu.memory_space<vmem>>, vector<2000x128xf32>
    %get3A_2 = arith.constant 0 : index
    %get3A_3 = arith.constant 0 : index
    %get3A_4 = vector.load %arg2[%get3A_2, %get3A_3] : memref<2000x128xf32, #tpu.memory_space<vmem>>, vector<2000x128xf32>
    %add3A = arith.addf %get3A_1, %get3A_4 : vector<2000x128xf32>
    %get3A_5 = arith.constant 0 : index
    %get3A_6 = arith.constant 0 : index
    %get3A_7 = vector.load %arg5[%get3A_5, %get3A_6] : memref<1x128xf32, #tpu.memory_space<vmem>>, vector<1x128xf32>
    %add3A_8 = vector.broadcast %get3A_7 : vector<1x128xf32> to vector<2000x128xf32>
    %add3A_9 = arith.addf %add3A, %add3A_8 : vector<2000x128xf32>
    %get3A_10 = arith.constant 0 : index
    %get3A_11 = arith.constant 0 : index
    %get3A_12 = vector.load %arg3[%get3A_10, %get3A_11] : memref<2000x16xf32, #tpu.memory_space<vmem>>, vector<2000x16xf32>
    %get3A_13 = arith.constant 0 : index
    %get3A_14 = arith.constant 0 : index
    %get3A_15 = vector.load %arg4[%get3A_13, %get3A_14] : memref<16x128xf32, #tpu.memory_space<vmem>>, vector<16x128xf32>
    %dot_general3A = arith.constant dense<0.000000e+00> : vector<2000x128xf32>
    %dot_general3A_16 = tpu.matmul %get3A_12, %get3A_15, %dot_general3A {dimension_numbers = #tpu.dot_dimension_numbers<[1], [0], [0], [1], [0, 0, 1, 1], [], []>, transpose_lhs_hint = false} : vector<2000x16xf32>, vector<16x128xf32>, vector<2000x128xf32> -> vector<2000x128xf32>
    %add3A_17 = arith.addf %add3A_9, %dot_general3A_16 : vector<2000x128xf32>
    %min3A = arith.constant 2.000000e+01 : f32
    %min3A_18 = vector.broadcast %min3A : f32 to vector<2000x128xf32>
    %min3A_19 = arith.minimumf %add3A_17, %min3A_18 : vector<2000x128xf32>
    %exp3A = math.exp %min3A_19 : vector<2000x128xf32>
    %add3A_20 = arith.constant 1.000000e+00 : f32
    %add3A_21 = vector.broadcast %add3A_20 : f32 to vector<2000x128xf32>
    %add3A_22 = arith.addf %exp3A, %add3A_21 : vector<2000x128xf32>
    %mul3A = arith.mulf %add3A_22, %add3A_22 : vector<2000x128xf32>
    %sub3A = arith.constant 1.000000e+00 : f32
    %sub3A_23 = vector.broadcast %sub3A : f32 to vector<2000x128xf32>
    %sub3A_24 = arith.subf %mul3A, %sub3A_23 : vector<2000x128xf32>
    %add3A_25 = arith.constant 1.000000e+00 : f32
    %add3A_26 = vector.broadcast %add3A_25 : f32 to vector<2000x128xf32>
    %add3A_27 = arith.addf %mul3A, %add3A_26 : vector<2000x128xf32>
    %div3A = arith.divf %sub3A_24, %add3A_27 : vector<2000x128xf32>
    %mul3A_28 = arith.mulf %add3A_17, %div3A : vector<2000x128xf32>
    %get3A_29 = arith.constant 0 : index
    %get3A_30 = arith.constant 0 : index
    %get3A_31 = vector.load %arg6[%get3A_29, %get3A_30] : memref<128x8xf32, #tpu.memory_space<vmem>>, vector<128x8xf32>
    %dot_general3A_32 = arith.constant dense<0.000000e+00> : vector<2000x8xf32>
    %dot_general3A_33 = tpu.matmul %mul3A_28, %get3A_31, %dot_general3A_32 {dimension_numbers = #tpu.dot_dimension_numbers<[1], [0], [0], [1], [0, 0, 1, 1], [], []>, transpose_lhs_hint = false} : vector<2000x128xf32>, vector<128x8xf32>, vector<2000x8xf32> -> vector<2000x8xf32>
    %min3A_34 = arith.constant 6.000000e+01 : f32
    %min3A_35 = vector.broadcast %min3A_34 : f32 to vector<2000x8xf32>
    %min3A_36 = arith.minimumf %dot_general3A_33, %min3A_35 : vector<2000x8xf32>
    %exp3A_37 = math.exp %min3A_36 : vector<2000x8xf32>
    %iota3A = tpu.iota {dimensions = array<i32: 1>} : vector<8x128xi32>
    %jit3A = arith.constant 16 : i32
    %div3A_38 = vector.broadcast %jit3A : i32 to vector<8x128xi32>
    %div3A_39 = arith.divsi %iota3A, %div3A_38 : vector<8x128xi32>
    %sign3A = arith.constant 0 : i32
    %sign3A_40 = vector.broadcast %sign3A : i32 to vector<8x128xi32>
    %sign3A_41 = arith.cmpi sgt, %iota3A, %sign3A_40 : vector<8x128xi32>
    %sign3A_42 = arith.extui %sign3A_41 : vector<8x128xi1> to vector<8x128xi32>
    %sign3A_43 = arith.constant 0 : i32
    %sign3A_44 = vector.broadcast %sign3A_43 : i32 to vector<8x128xi32>
    %sign3A_45 = arith.cmpi slt, %iota3A, %sign3A_44 : vector<8x128xi32>
    %sign3A_46 = arith.extui %sign3A_45 : vector<8x128xi1> to vector<8x128xi32>
    %sign3A_47 = arith.subi %sign3A_42, %sign3A_46 : vector<8x128xi32>
    %sign3A_48 = arith.constant 0 : i32
    %sign3A_49 = arith.cmpi sgt, %jit3A, %sign3A_48 : i32
    %sign3A_50 = arith.extui %sign3A_49 : i1 to i32
    %sign3A_51 = arith.constant 0 : i32
    %sign3A_52 = arith.cmpi slt, %jit3A, %sign3A_51 : i32
    %sign3A_53 = arith.extui %sign3A_52 : i1 to i32
    %sign3A_54 = arith.subi %sign3A_50, %sign3A_53 : i32
    %ne3A = vector.broadcast %sign3A_54 : i32 to vector<8x128xi32>
    %ne3A_55 = arith.cmpi ne, %sign3A_47, %ne3A : vector<8x128xi32>
    %rem3A = vector.broadcast %jit3A : i32 to vector<8x128xi32>
    %rem3A_56 = arith.remsi %iota3A, %rem3A : vector<8x128xi32>
    %ne3A_57 = arith.constant 0 : i32
    %ne3A_58 = vector.broadcast %ne3A_57 : i32 to vector<8x128xi32>
    %ne3A_59 = arith.cmpi ne, %rem3A_56, %ne3A_58 : vector<8x128xi32>
    %and3A = arith.andi %ne3A_55, %ne3A_59 : vector<8x128xi1>
    %sub3A_60 = arith.constant 1 : i32
    %sub3A_61 = vector.broadcast %sub3A_60 : i32 to vector<8x128xi32>
    %sub3A_62 = arith.subi %div3A_39, %sub3A_61 : vector<8x128xi32>
    %select_n3A = arith.select %and3A, %sub3A_62, %div3A_39 : vector<8x128xi1>, vector<8x128xi32>
    %iota3A_63 = tpu.iota {dimensions = array<i32: 0>} : vector<8x128xi32>
    %eq3A = arith.cmpi eq, %select_n3A, %iota3A_63 : vector<8x128xi32>
    %convert_element_type3A = arith.extui %eq3A : vector<8x128xi1> to vector<8x128xi32>
    %convert_element_type3A_64 = arith.sitofp %convert_element_type3A : vector<8x128xi32> to vector<8x128xf32>
    %dot_general3A_65 = arith.constant dense<0.000000e+00> : vector<2000x128xf32>
    %dot_general3A_66 = tpu.matmul %exp3A_37, %convert_element_type3A_64, %dot_general3A_65 {dimension_numbers = #tpu.dot_dimension_numbers<[1], [0], [0], [1], [0, 0, 1, 1], [], []>, transpose_lhs_hint = false} : vector<2000x8xf32>, vector<8x128xf32>, vector<2000x128xf32> -> vector<2000x128xf32>
    %mul3A_67 = arith.mulf %dot_general3A_66, %get3A_1 : vector<2000x128xf32>
    %swap3A = arith.constant 0 : index
    %swap3A_68 = arith.constant 0 : index
    %swap3A_69 = vector.load %arg7[%swap3A, %swap3A_68] : memref<2000x128xf32, #tpu.memory_space<vmem>>, vector<2000x128xf32>
    tpu.vector_store %arg7[%swap3A, %swap3A_68], %mul3A_67 {strides = array<i32>} : memref<2000x128xf32, #tpu.memory_space<vmem>>, vector<2000x128xf32>,
    %broadcast_in_dim3A = arith.constant 0.000000e+00 : f32
    %broadcast_in_dim3A_70 = vector.broadcast %broadcast_in_dim3A : f32 to vector<2000x8xf32>
    %concatenate3A = tpu.concatenate %exp3A_37, %broadcast_in_dim3A_70 in 1 : vector<2000x8xf32>, vector<2000x8xf32> -> vector<2000x16xf32>
    %swap3A_71 = arith.constant 0 : index
    %swap3A_72 = arith.constant 0 : index
    %swap3A_73 = vector.load %arg8[%swap3A_71, %swap3A_72] : memref<2000x16xf32, #tpu.memory_space<vmem>>, vector<2000x16xf32>
    tpu.vector_store %arg8[%swap3A_71, %swap3A_72], %concatenate3A {strides = array<i32>} : memref<2000x16xf32, #tpu.memory_space<vmem>>, vector<2000x16xf32>,
    return
  }
  func.func @transform_0(%arg0: i32) -> (i32, i32) {
    %c0_i32 = arith.constant 0 : i32
    %c0_i32_0 = arith.constant 0 : i32
    return %arg0, %c0_i32 : i32, i32
  }
  func.func @transform_1(%arg0: i32) -> (i32, i32) {
    %c0_i32 = arith.constant 0 : i32
    %c0_i32_0 = arith.constant 0 : i32
    return %arg0, %c0_i32 : i32, i32
  }
  func.func @transform_2(%arg0: i32) -> (i32, i32) {
    %add3A = arith.constant 0 : i32
    %add3A_0 = arith.addi %arg0, %add3A : i32
    %c0_i32 = arith.constant 0 : i32
    %c0_i32_1 = arith.constant 0 : i32
    return %add3A_0, %c0_i32 : i32, i32
  }
  func.func @transform_3(%arg0: i32) -> (i32, i32) {
    %c0_i32 = arith.constant 0 : i32
    %c0_i32_0 = arith.constant 0 : i32
    %c0_i32_1 = arith.constant 0 : i32
    return %c0_i32, %c0_i32_0 : i32, i32
  }
  func.func @transform_4(%arg0: i32) -> (i32, i32) {
    %c0_i32 = arith.constant 0 : i32
    %c0_i32_0 = arith.constant 0 : i32
    %c0_i32_1 = arith.constant 0 : i32
    return %c0_i32, %c0_i32_0 : i32, i32
  }
  func.func @transform_5(%arg0: i32) -> (i32, i32) {
    %c0_i32 = arith.constant 0 : i32
    %c0_i32_0 = arith.constant 0 : i32
    %c0_i32_1 = arith.constant 0 : i32
    return %c0_i32, %c0_i32_0 : i32, i32
  }
  func.func @transform_6(%arg0: i32) -> (i32, i32) {
    %c0_i32 = arith.constant 0 : i32
    %c0_i32_0 = arith.constant 0 : i32
    return %arg0, %c0_i32 : i32, i32
  }
  func.func @transform_7(%arg0: i32) -> (i32, i32) {
    %c0_i32 = arith.constant 0 : i32
    %c0_i32_0 = arith.constant 0 : i32
    return %arg0, %c0_i32 : i32, i32
  }
}

module attributes {stable_mosaic.version = 14 : i64} {
  func.func @_edge_body(%arg0: i32, %arg1: memref<2000x128xf32, #tpu.memory_space<vmem>>, %arg2: memref<2000x128xf32, #tpu.memory_space<vmem>>, %arg3: memref<2000x16xf32, #tpu.memory_space<vmem>>, %arg4: memref<16x128xf32, #tpu.memory_space<vmem>>, %arg5: memref<1x128xf32, #tpu.memory_space<vmem>>, %arg6: memref<128x8xf32, #tpu.memory_space<vmem>>, %arg7: memref<2000x128xf32, #tpu.memory_space<vmem>>, %arg8: memref<2000x16xf32, #tpu.memory_space<vmem>>) attributes {dimension_semantics = [#tpu.dimension_semantics<arbitrary>], iteration_bounds = array<i64: 32>, scalar_prefetch = 0 : i64, scratch_operands = 0 : i64, tpu.core_type = #tpu.core_type<tc>, window_params = [{transform_indices = @transform_0, window_bounds = array<i64: 2000, 128>}, {transform_indices = @transform_1, window_bounds = array<i64: 2000, 128>}, {transform_indices = @transform_2, window_bounds = array<i64: 2000, 16>}, {pipeline_mode = #tpu.pipeline_mode<synchronous>, transform_indices = @transform_3, window_bounds = array<i64: 16, 128>}, {pipeline_mode = #tpu.pipeline_mode<synchronous>, transform_indices = @transform_4, window_bounds = array<i64: 1, 128>}, {pipeline_mode = #tpu.pipeline_mode<synchronous>, transform_indices = @transform_5, window_bounds = array<i64: 128, 8>}, {transform_indices = @transform_6, window_bounds = array<i64: 2000, 128>}, {transform_indices = @transform_7, window_bounds = array<i64: 2000, 16>}]} {
    %get3A = arith.constant 0 : index
    %get3A_0 = arith.constant 0 : index
    %get3A_1 = vector.load %arg1[%get3A, %get3A_0] : memref<2000x128xf32, #tpu.memory_space<vmem>>, vector<2000x128xf32>
    %get3A_2 = arith.constant 0 : index
    %get3A_3 = arith.constant 0 : index
    %get3A_4 = vector.load %arg2[%get3A_2, %get3A_3] : memref<2000x128xf32, #tpu.memory_space<vmem>>, vector<2000x128xf32>
    %add3A = arith.addf %get3A_1, %get3A_4 : vector<2000x128xf32>
    %get3A_5 = arith.constant 0 : index
    %get3A_6 = arith.constant 0 : index
    %get3A_7 = vector.load %arg5[%get3A_5, %get3A_6] : memref<1x128xf32, #tpu.memory_space<vmem>>, vector<1x128xf32>
    %add3A_8 = vector.broadcast %get3A_7 : vector<1x128xf32> to vector<2000x128xf32>
    %add3A_9 = arith.addf %add3A, %add3A_8 : vector<2000x128xf32>
    %get3A_10 = arith.constant 0 : index
    %get3A_11 = arith.constant 0 : index
    %get3A_12 = vector.load %arg3[%get3A_10, %get3A_11] : memref<2000x16xf32, #tpu.memory_space<vmem>>, vector<2000x16xf32>
    %get3A_13 = arith.constant 0 : index
    %get3A_14 = arith.constant 0 : index
    %get3A_15 = vector.load %arg4[%get3A_13, %get3A_14] : memref<16x128xf32, #tpu.memory_space<vmem>>, vector<16x128xf32>
    %dot_general3A = arith.constant dense<0.000000e+00> : vector<2000x128xf32>
    %dot_general3A_16 = tpu.matmul %get3A_12, %get3A_15, %dot_general3A {dimension_numbers = #tpu.dot_dimension_numbers<[1], [0], [0], [1], [0, 0, 1, 1], [], []>, transpose_lhs_hint = false} : vector<2000x16xf32>, vector<16x128xf32>, vector<2000x128xf32> -> vector<2000x128xf32>
    %add3A_17 = arith.addf %add3A_9, %dot_general3A_16 : vector<2000x128xf32>
    %min3A = arith.constant 2.000000e+01 : f32
    %min3A_18 = vector.broadcast %min3A : f32 to vector<2000x128xf32>
    %min3A_19 = arith.minimumf %add3A_17, %min3A_18 : vector<2000x128xf32>
    %exp3A = math.exp %min3A_19 : vector<2000x128xf32>
    %add3A_20 = arith.constant 1.000000e+00 : f32
    %add3A_21 = vector.broadcast %add3A_20 : f32 to vector<2000x128xf32>
    %add3A_22 = arith.addf %exp3A, %add3A_21 : vector<2000x128xf32>
    %mul3A = arith.mulf %add3A_22, %add3A_22 : vector<2000x128xf32>
    %sub3A = arith.constant 1.000000e+00 : f32
    %sub3A_23 = vector.broadcast %sub3A : f32 to vector<2000x128xf32>
    %sub3A_24 = arith.subf %mul3A, %sub3A_23 : vector<2000x128xf32>
    %add3A_25 = arith.constant 1.000000e+00 : f32
    %add3A_26 = vector.broadcast %add3A_25 : f32 to vector<2000x128xf32>
    %add3A_27 = arith.addf %mul3A, %add3A_26 : vector<2000x128xf32>
    %div3A = arith.divf %sub3A_24, %add3A_27 : vector<2000x128xf32>
    %mul3A_28 = arith.mulf %add3A_17, %div3A : vector<2000x128xf32>
    %get3A_29 = arith.constant 0 : index
    %get3A_30 = arith.constant 0 : index
    %get3A_31 = vector.load %arg6[%get3A_29, %get3A_30] : memref<128x8xf32, #tpu.memory_space<vmem>>, vector<128x8xf32>
    %dot_general3A_32 = arith.constant dense<0.000000e+00> : vector<2000x8xf32>
    %dot_general3A_33 = tpu.matmul %mul3A_28, %get3A_31, %dot_general3A_32 {dimension_numbers = #tpu.dot_dimension_numbers<[1], [0], [0], [1], [0, 0, 1, 1], [], []>, transpose_lhs_hint = false} : vector<2000x128xf32>, vector<128x8xf32>, vector<2000x8xf32> -> vector<2000x8xf32>
    %min3A_34 = arith.constant 6.000000e+01 : f32
    %min3A_35 = vector.broadcast %min3A_34 : f32 to vector<2000x8xf32>
    %min3A_36 = arith.minimumf %dot_general3A_33, %min3A_35 : vector<2000x8xf32>
    %exp3A_37 = math.exp %min3A_36 : vector<2000x8xf32>
    %iota3A = tpu.iota {dimensions = array<i32: 1>} : vector<8x128xi32>
    %jit3A = arith.constant 16 : i32
    %div3A_38 = vector.broadcast %jit3A : i32 to vector<8x128xi32>
    %div3A_39 = arith.divsi %iota3A, %div3A_38 : vector<8x128xi32>
    %sign3A = arith.constant 0 : i32
    %sign3A_40 = vector.broadcast %sign3A : i32 to vector<8x128xi32>
    %sign3A_41 = arith.cmpi sgt, %iota3A, %sign3A_40 : vector<8x128xi32>
    %sign3A_42 = arith.extui %sign3A_41 : vector<8x128xi1> to vector<8x128xi32>
    %sign3A_43 = arith.constant 0 : i32
    %sign3A_44 = vector.broadcast %sign3A_43 : i32 to vector<8x128xi32>
    %sign3A_45 = arith.cmpi slt, %iota3A, %sign3A_44 : vector<8x128xi32>
    %sign3A_46 = arith.extui %sign3A_45 : vector<8x128xi1> to vector<8x128xi32>
    %sign3A_47 = arith.subi %sign3A_42, %sign3A_46 : vector<8x128xi32>
    %sign3A_48 = arith.constant 0 : i32
    %sign3A_49 = arith.cmpi sgt, %jit3A, %sign3A_48 : i32
    %sign3A_50 = arith.extui %sign3A_49 : i1 to i32
    %sign3A_51 = arith.constant 0 : i32
    %sign3A_52 = arith.cmpi slt, %jit3A, %sign3A_51 : i32
    %sign3A_53 = arith.extui %sign3A_52 : i1 to i32
    %sign3A_54 = arith.subi %sign3A_50, %sign3A_53 : i32
    %ne3A = vector.broadcast %sign3A_54 : i32 to vector<8x128xi32>
    %ne3A_55 = arith.cmpi ne, %sign3A_47, %ne3A : vector<8x128xi32>
    %rem3A = vector.broadcast %jit3A : i32 to vector<8x128xi32>
    %rem3A_56 = arith.remsi %iota3A, %rem3A : vector<8x128xi32>
    %ne3A_57 = arith.constant 0 : i32
    %ne3A_58 = vector.broadcast %ne3A_57 : i32 to vector<8x128xi32>
    %ne3A_59 = arith.cmpi ne, %rem3A_56, %ne3A_58 : vector<8x128xi32>
    %and3A = arith.andi %ne3A_55, %ne3A_59 : vector<8x128xi1>
    %sub3A_60 = arith.constant 1 : i32
    %sub3A_61 = vector.broadcast %sub3A_60 : i32 to vector<8x128xi32>
    %sub3A_62 = arith.subi %div3A_39, %sub3A_61 : vector<8x128xi32>
    %select_n3A = arith.select %and3A, %sub3A_62, %div3A_39 : vector<8x128xi1>, vector<8x128xi32>
    %iota3A_63 = tpu.iota {dimensions = array<i32: 0>} : vector<8x128xi32>
    %eq3A = arith.cmpi eq, %select_n3A, %iota3A_63 : vector<8x128xi32>
    %convert_element_type3A = arith.extui %eq3A : vector<8x128xi1> to vector<8x128xi32>
    %convert_element_type3A_64 = arith.sitofp %convert_element_type3A : vector<8x128xi32> to vector<8x128xf32>
    %dot_general3A_65 = arith.constant dense<0.000000e+00> : vector<2000x128xf32>
    %dot_general3A_66 = tpu.matmul %exp3A_37, %convert_element_type3A_64, %dot_general3A_65 {dimension_numbers = #tpu.dot_dimension_numbers<[1], [0], [0], [1], [0, 0, 1, 1], [], []>, transpose_lhs_hint = false} : vector<2000x8xf32>, vector<8x128xf32>, vector<2000x128xf32> -> vector<2000x128xf32>
    %mul3A_67 = arith.mulf %dot_general3A_66, %get3A_1 : vector<2000x128xf32>
    %swap3A = arith.constant 0 : index
    %swap3A_68 = arith.constant 0 : index
    %swap3A_69 = vector.load %arg7[%swap3A, %swap3A_68] : memref<2000x128xf32, #tpu.memory_space<vmem>>, vector<2000x128xf32>
    tpu.vector_store %arg7[%swap3A, %swap3A_68], %mul3A_67 {strides = array<i32>} : memref<2000x128xf32, #tpu.memory_space<vmem>>, vector<2000x128xf32>,
    %broadcast_in_dim3A = arith.constant 0.000000e+00 : f32
    %broadcast_in_dim3A_70 = vector.broadcast %broadcast_in_dim3A : f32 to vector<2000x8xf32>
    %concatenate3A = tpu.concatenate %exp3A_37, %broadcast_in_dim3A_70 in 1 : vector<2000x8xf32>, vector<2000x8xf32> -> vector<2000x16xf32>
    %swap3A_71 = arith.constant 0 : index
    %swap3A_72 = arith.constant 0 : index
    %swap3A_73 = vector.load %arg8[%swap3A_71, %swap3A_72] : memref<2000x16xf32, #tpu.memory_space<vmem>>, vector<2000x16xf32>
    tpu.vector_store %arg8[%swap3A_71, %swap3A_72], %concatenate3A {strides = array<i32>} : memref<2000x16xf32, #tpu.memory_space<vmem>>, vector<2000x16xf32>,
    return
  }
  func.func @transform_0(%arg0: i32) -> (i32, i32) {
    %c0_i32 = arith.constant 0 : i32
    %c0_i32_0 = arith.constant 0 : i32
    return %arg0, %c0_i32 : i32, i32
  }
  func.func @transform_1(%arg0: i32) -> (i32, i32) {
    %c0_i32 = arith.constant 0 : i32
    %c0_i32_0 = arith.constant 0 : i32
    return %arg0, %c0_i32 : i32, i32
  }
  func.func @transform_2(%arg0: i32) -> (i32, i32) {
    %add3A = arith.constant 128 : i32
    %add3A_0 = arith.addi %arg0, %add3A : i32
    %c0_i32 = arith.constant 0 : i32
    %c0_i32_1 = arith.constant 0 : i32
    return %add3A_0, %c0_i32 : i32, i32
  }
  func.func @transform_3(%arg0: i32) -> (i32, i32) {
    %c0_i32 = arith.constant 0 : i32
    %c0_i32_0 = arith.constant 0 : i32
    %c0_i32_1 = arith.constant 0 : i32
    return %c0_i32, %c0_i32_0 : i32, i32
  }
  func.func @transform_4(%arg0: i32) -> (i32, i32) {
    %c0_i32 = arith.constant 0 : i32
    %c0_i32_0 = arith.constant 0 : i32
    %c0_i32_1 = arith.constant 0 : i32
    return %c0_i32, %c0_i32_0 : i32, i32
  }
  func.func @transform_5(%arg0: i32) -> (i32, i32) {
    %c0_i32 = arith.constant 0 : i32
    %c0_i32_0 = arith.constant 0 : i32
    %c0_i32_1 = arith.constant 0 : i32
    return %c0_i32, %c0_i32_0 : i32, i32
  }
  func.func @transform_6(%arg0: i32) -> (i32, i32) {
    %c0_i32 = arith.constant 0 : i32
    %c0_i32_0 = arith.constant 0 : i32
    return %arg0, %c0_i32 : i32, i32
  }
  func.func @transform_7(%arg0: i32) -> (i32, i32) {
    %c0_i32 = arith.constant 0 : i32
    %c0_i32_0 = arith.constant 0 : i32
    return %arg0, %c0_i32 : i32, i32
  }
}

module attributes {stable_mosaic.version = 14 : i64} {
  func.func @_combine_body(%arg0: i32, %arg1: memref<2x1000x128xf32, #tpu.memory_space<vmem>>, %arg2: memref<2x1000x128xf32, #tpu.memory_space<vmem>>, %arg3: memref<2x1000x128xf32, #tpu.memory_space<vmem>>, %arg4: memref<2x1000x16xf32, #tpu.memory_space<vmem>>, %arg5: memref<2x1000x16xf32, #tpu.memory_space<vmem>>, %arg6: memref<2x1000x16xf32, #tpu.memory_space<vmem>>, %arg7: memref<1000x128xf32, #tpu.memory_space<vmem>>) attributes {dimension_semantics = [#tpu.dimension_semantics<arbitrary>], iteration_bounds = array<i64: 10>, scalar_prefetch = 0 : i64, scratch_operands = 0 : i64, tpu.core_type = #tpu.core_type<tc>, window_params = [{transform_indices = @transform_0, window_bounds = array<i64: 2, 1000, 128>}, {transform_indices = @transform_1, window_bounds = array<i64: 2, 1000, 128>}, {transform_indices = @transform_2, window_bounds = array<i64: 2, 1000, 128>}, {transform_indices = @transform_3, window_bounds = array<i64: 2, 1000, 16>}, {transform_indices = @transform_4, window_bounds = array<i64: 2, 1000, 16>}, {transform_indices = @transform_5, window_bounds = array<i64: 2, 1000, 16>}, {transform_indices = @transform_6, window_bounds = array<i64: 1000, 128>}]} {
    %get3A = arith.constant 0 : index
    %get3A_0 = arith.constant 0 : index
    %get3A_1 = arith.constant 0 : index
    %get3A_2 = vector.load %arg1[%get3A, %get3A_0, %get3A_1] : memref<2x1000x128xf32, #tpu.memory_space<vmem>>, vector<1x1000x128xf32>
    %get3A_3 = vector.shape_cast %get3A_2 : vector<1x1000x128xf32> to vector<1000x128xf32>
    %get3A_4 = arith.constant 1 : index
    %get3A_5 = arith.constant 0 : index
    %get3A_6 = arith.constant 0 : index
    %get3A_7 = vector.load %arg1[%get3A_4, %get3A_5, %get3A_6] : memref<2x1000x128xf32, #tpu.memory_space<vmem>>, vector<1x1000x128xf32>
    %get3A_8 = vector.shape_cast %get3A_7 : vector<1x1000x128xf32> to vector<1000x128xf32>
    %add3A = arith.addf %get3A_3, %get3A_8 : vector<1000x128xf32>
    %add3A_9 = arith.constant 0.000000e+00 : f32
    %add3A_10 = vector.broadcast %add3A_9 : f32 to vector<1000x128xf32>
    %add3A_11 = arith.addf %add3A_10, %add3A : vector<1000x128xf32>
    %get3A_12 = arith.constant 0 : index
    %get3A_13 = arith.constant 0 : index
    %get3A_14 = arith.constant 0 : index
    %get3A_15 = vector.load %arg2[%get3A_12, %get3A_13, %get3A_14] : memref<2x1000x128xf32, #tpu.memory_space<vmem>>, vector<1x1000x128xf32>
    %get3A_16 = vector.shape_cast %get3A_15 : vector<1x1000x128xf32> to vector<1000x128xf32>
    %get3A_17 = arith.constant 1 : index
    %get3A_18 = arith.constant 0 : index
    %get3A_19 = arith.constant 0 : index
    %get3A_20 = vector.load %arg2[%get3A_17, %get3A_18, %get3A_19] : memref<2x1000x128xf32, #tpu.memory_space<vmem>>, vector<1x1000x128xf32>
    %get3A_21 = vector.shape_cast %get3A_20 : vector<1x1000x128xf32> to vector<1000x128xf32>
    %add3A_22 = arith.addf %get3A_16, %get3A_21 : vector<1000x128xf32>
    %add3A_23 = arith.addf %add3A_11, %add3A_22 : vector<1000x128xf32>
    %get3A_24 = arith.constant 0 : index
    %get3A_25 = arith.constant 0 : index
    %get3A_26 = arith.constant 0 : index
    %get3A_27 = vector.load %arg3[%get3A_24, %get3A_25, %get3A_26] : memref<2x1000x128xf32, #tpu.memory_space<vmem>>, vector<1x1000x128xf32>
    %get3A_28 = vector.shape_cast %get3A_27 : vector<1x1000x128xf32> to vector<1000x128xf32>
    %get3A_29 = arith.constant 1 : index
    %get3A_30 = arith.constant 0 : index
    %get3A_31 = arith.constant 0 : index
    %get3A_32 = vector.load %arg3[%get3A_29, %get3A_30, %get3A_31] : memref<2x1000x128xf32, #tpu.memory_space<vmem>>, vector<1x1000x128xf32>
    %get3A_33 = vector.shape_cast %get3A_32 : vector<1x1000x128xf32> to vector<1000x128xf32>
    %add3A_34 = arith.addf %get3A_28, %get3A_33 : vector<1000x128xf32>
    %add3A_35 = arith.addf %add3A_23, %add3A_34 : vector<1000x128xf32>
    %get3A_36 = arith.constant 0 : index
    %get3A_37 = arith.constant 0 : index
    %get3A_38 = arith.constant 0 : index
    %get3A_39 = vector.load %arg4[%get3A_36, %get3A_37, %get3A_38] : memref<2x1000x16xf32, #tpu.memory_space<vmem>>, vector<1x1000x16xf32>
    %get3A_40 = vector.shape_cast %get3A_39 : vector<1x1000x16xf32> to vector<1000x16xf32>
    %get3A_41 = arith.constant 1 : index
    %get3A_42 = arith.constant 0 : index
    %get3A_43 = arith.constant 0 : index
    %get3A_44 = vector.load %arg4[%get3A_41, %get3A_42, %get3A_43] : memref<2x1000x16xf32, #tpu.memory_space<vmem>>, vector<1x1000x16xf32>
    %get3A_45 = vector.shape_cast %get3A_44 : vector<1x1000x16xf32> to vector<1000x16xf32>
    %add3A_46 = arith.addf %get3A_40, %get3A_45 : vector<1000x16xf32>
    %add3A_47 = arith.constant 0.000000e+00 : f32
    %add3A_48 = vector.broadcast %add3A_47 : f32 to vector<1000x16xf32>
    %add3A_49 = arith.addf %add3A_48, %add3A_46 : vector<1000x16xf32>
    %get3A_50 = arith.constant 0 : index
    %get3A_51 = arith.constant 0 : index
    %get3A_52 = arith.constant 0 : index
    %get3A_53 = vector.load %arg5[%get3A_50, %get3A_51, %get3A_52] : memref<2x1000x16xf32, #tpu.memory_space<vmem>>, vector<1x1000x16xf32>
    %get3A_54 = vector.shape_cast %get3A_53 : vector<1x1000x16xf32> to vector<1000x16xf32>
    %get3A_55 = arith.constant 1 : index
    %get3A_56 = arith.constant 0 : index
    %get3A_57 = arith.constant 0 : index
    %get3A_58 = vector.load %arg5[%get3A_55, %get3A_56, %get3A_57] : memref<2x1000x16xf32, #tpu.memory_space<vmem>>, vector<1x1000x16xf32>
    %get3A_59 = vector.shape_cast %get3A_58 : vector<1x1000x16xf32> to vector<1000x16xf32>
    %add3A_60 = arith.addf %get3A_54, %get3A_59 : vector<1000x16xf32>
    %add3A_61 = arith.addf %add3A_49, %add3A_60 : vector<1000x16xf32>
    %get3A_62 = arith.constant 0 : index
    %get3A_63 = arith.constant 0 : index
    %get3A_64 = arith.constant 0 : index
    %get3A_65 = vector.load %arg6[%get3A_62, %get3A_63, %get3A_64] : memref<2x1000x16xf32, #tpu.memory_space<vmem>>, vector<1x1000x16xf32>
    %get3A_66 = vector.shape_cast %get3A_65 : vector<1x1000x16xf32> to vector<1000x16xf32>
    %get3A_67 = arith.constant 1 : index
    %get3A_68 = arith.constant 0 : index
    %get3A_69 = arith.constant 0 : index
    %get3A_70 = vector.load %arg6[%get3A_67, %get3A_68, %get3A_69] : memref<2x1000x16xf32, #tpu.memory_space<vmem>>, vector<1x1000x16xf32>
    %get3A_71 = vector.shape_cast %get3A_70 : vector<1x1000x16xf32> to vector<1000x16xf32>
    %add3A_72 = arith.addf %get3A_66, %get3A_71 : vector<1000x16xf32>
    %add3A_73 = arith.addf %add3A_61, %add3A_72 : vector<1000x16xf32>
    %slice3A = vector.extract_strided_slice %add3A_73 {offsets = [0, 0], sizes = [1000, 8], strides = [1, 1]} : vector<1000x16xf32> to vector<1000x8xf32>
    %iota3A = tpu.iota {dimensions = array<i32: 1>} : vector<8x128xi32>
    %jit3A = arith.constant 16 : i32
    %div3A = vector.broadcast %jit3A : i32 to vector<8x128xi32>
    %div3A_74 = arith.divsi %iota3A, %div3A : vector<8x128xi32>
    %sign3A = arith.constant 0 : i32
    %sign3A_75 = vector.broadcast %sign3A : i32 to vector<8x128xi32>
    %sign3A_76 = arith.cmpi sgt, %iota3A, %sign3A_75 : vector<8x128xi32>
    %sign3A_77 = arith.extui %sign3A_76 : vector<8x128xi1> to vector<8x128xi32>
    %sign3A_78 = arith.constant 0 : i32
    %sign3A_79 = vector.broadcast %sign3A_78 : i32 to vector<8x128xi32>
    %sign3A_80 = arith.cmpi slt, %iota3A, %sign3A_79 : vector<8x128xi32>
    %sign3A_81 = arith.extui %sign3A_80 : vector<8x128xi1> to vector<8x128xi32>
    %sign3A_82 = arith.subi %sign3A_77, %sign3A_81 : vector<8x128xi32>
    %sign3A_83 = arith.constant 0 : i32
    %sign3A_84 = arith.cmpi sgt, %jit3A, %sign3A_83 : i32
    %sign3A_85 = arith.extui %sign3A_84 : i1 to i32
    %sign3A_86 = arith.constant 0 : i32
    %sign3A_87 = arith.cmpi slt, %jit3A, %sign3A_86 : i32
    %sign3A_88 = arith.extui %sign3A_87 : i1 to i32
    %sign3A_89 = arith.subi %sign3A_85, %sign3A_88 : i32
    %ne3A = vector.broadcast %sign3A_89 : i32 to vector<8x128xi32>
    %ne3A_90 = arith.cmpi ne, %sign3A_82, %ne3A : vector<8x128xi32>
    %rem3A = vector.broadcast %jit3A : i32 to vector<8x128xi32>
    %rem3A_91 = arith.remsi %iota3A, %rem3A : vector<8x128xi32>
    %ne3A_92 = arith.constant 0 : i32
    %ne3A_93 = vector.broadcast %ne3A_92 : i32 to vector<8x128xi32>
    %ne3A_94 = arith.cmpi ne, %rem3A_91, %ne3A_93 : vector<8x128xi32>
    %and3A = arith.andi %ne3A_90, %ne3A_94 : vector<8x128xi1>
    %sub3A = arith.constant 1 : i32
    %sub3A_95 = vector.broadcast %sub3A : i32 to vector<8x128xi32>
    %sub3A_96 = arith.subi %div3A_74, %sub3A_95 : vector<8x128xi32>
    %select_n3A = arith.select %and3A, %sub3A_96, %div3A_74 : vector<8x128xi1>, vector<8x128xi32>
    %iota3A_97 = tpu.iota {dimensions = array<i32: 0>} : vector<8x128xi32>
    %eq3A = arith.cmpi eq, %select_n3A, %iota3A_97 : vector<8x128xi32>
    %convert_element_type3A = arith.extui %eq3A : vector<8x128xi1> to vector<8x128xi32>
    %convert_element_type3A_98 = arith.sitofp %convert_element_type3A : vector<8x128xi32> to vector<8x128xf32>
    %dot_general3A = arith.constant dense<0.000000e+00> : vector<1000x128xf32>
    %dot_general3A_99 = tpu.matmul %slice3A, %convert_element_type3A_98, %dot_general3A {dimension_numbers = #tpu.dot_dimension_numbers<[1], [0], [0], [1], [0, 0, 1, 1], [], []>, transpose_lhs_hint = false} : vector<1000x8xf32>, vector<8x128xf32>, vector<1000x128xf32> -> vector<1000x128xf32>
    %gt3A = arith.constant 0.000000e+00 : f32
    %gt3A_100 = vector.broadcast %gt3A : f32 to vector<1000x128xf32>
    %gt3A_101 = arith.cmpf ogt, %dot_general3A_99, %gt3A_100 : vector<1000x128xf32>
    %div3A_102 = arith.divf %add3A_35, %dot_general3A_99 : vector<1000x128xf32>
    %jit3A_103 = arith.constant 0.000000e+00 : f32
    %broadcast_in_dim3A = vector.broadcast %jit3A_103 : f32 to vector<1000x128xf32>
    %select_n3A_104 = arith.select %gt3A_101, %div3A_102, %broadcast_in_dim3A : vector<1000x128xi1>, vector<1000x128xf32>
    %swap3A = arith.constant 0 : index
    %swap3A_105 = arith.constant 0 : index
    %swap3A_106 = vector.load %arg7[%swap3A, %swap3A_105] : memref<1000x128xf32, #tpu.memory_space<vmem>>, vector<1000x128xf32>
    tpu.vector_store %arg7[%swap3A, %swap3A_105], %select_n3A_104 {strides = array<i32>} : memref<1000x128xf32, #tpu.memory_space<vmem>>, vector<1000x128xf32>,
    return
  }
  func.func @transform_0(%arg0: i32) -> (i32, i32, i32) {
    %c0_i32 = arith.constant 0 : i32
    %c0_i32_0 = arith.constant 0 : i32
    %c0_i32_1 = arith.constant 0 : i32
    return %c0_i32, %arg0, %c0_i32_0 : i32, i32, i32
  }
  func.func @transform_1(%arg0: i32) -> (i32, i32, i32) {
    %c0_i32 = arith.constant 0 : i32
    %c0_i32_0 = arith.constant 0 : i32
    %c0_i32_1 = arith.constant 0 : i32
    return %c0_i32, %arg0, %c0_i32_0 : i32, i32, i32
  }
  func.func @transform_2(%arg0: i32) -> (i32, i32, i32) {
    %c0_i32 = arith.constant 0 : i32
    %c0_i32_0 = arith.constant 0 : i32
    %c0_i32_1 = arith.constant 0 : i32
    return %c0_i32, %arg0, %c0_i32_0 : i32, i32, i32
  }
  func.func @transform_3(%arg0: i32) -> (i32, i32, i32) {
    %c0_i32 = arith.constant 0 : i32
    %c0_i32_0 = arith.constant 0 : i32
    %c0_i32_1 = arith.constant 0 : i32
    return %c0_i32, %arg0, %c0_i32_0 : i32, i32, i32
  }
  func.func @transform_4(%arg0: i32) -> (i32, i32, i32) {
    %c0_i32 = arith.constant 0 : i32
    %c0_i32_0 = arith.constant 0 : i32
    %c0_i32_1 = arith.constant 0 : i32
    return %c0_i32, %arg0, %c0_i32_0 : i32, i32, i32
  }
  func.func @transform_5(%arg0: i32) -> (i32, i32, i32) {
    %c0_i32 = arith.constant 0 : i32
    %c0_i32_0 = arith.constant 0 : i32
    %c0_i32_1 = arith.constant 0 : i32
    return %c0_i32, %arg0, %c0_i32_0 : i32, i32, i32
  }
  func.func @transform_6(%arg0: i32) -> (i32, i32) {
    %c0_i32 = arith.constant 0 : i32
    %c0_i32_0 = arith.constant 0 : i32
    return %arg0, %c0_i32 : i32, i32
  }
}

</mosaic_0001>

<sc_bundles>
// kernel: kernel.13.cloned.1.call-start
scs
__scs_entry_jumppad:
0x0: {  	(pc) =	sbr.rel $0x88, $3  }
0x1: {  	(tag) =	ssettag $0x0;
	lr =	simm.s32 $0x1  }
0x2: {  	[smem:$0x3F98] =	sst lr;
	_ =	strace $0xD0000000  }
0x3: {  	_ = 	snop  }
0x4: {  	_ = 	snop  }
0x5: {  	_ = 	snop  }
0x6: {  	_ = 	snop  }
0x7: {  	_ = 	snop  }
__scs_overlays_trampoline_lowered:
0x8: {  	[smem:$0x3FA7] =	sst s0  }
0x9: {  	[smem:$0x3FA8] =	sst s1  }
0xa: {  	[smem:$0x3FA9] =	sst s2  }
0xb: {  	[smem:$0x3FAA] =	sst s3  }
0xc: {  	[smem:$0x3FAB] =	sst s4  }
0xd: {  	[smem:$0x3FAC] =	sst s5  }
0xe: {  	[smem:$0x3FAD] =	sst s6  }
0xf: {  	[smem:$0x3FAE] =	sst s7  }
0x10: {  	[smem:$0x3FAF] =	sst s8  }
0x11: {  	[smem:$0x3FB0] =	sst s9;
	s0 =	simm.s32 @!p0 $0x0  }
0x12: {  	s1 =	sld [smem:$0x3F96];
	s0 =	simm.s32 @p0 $0x1  }
0x13: {  	[smem:$0x3FB1] =	sst s0;
	s0 =	simm.s32 @!p1 $0x0  }
0x14: {  	s2 =	sld [smem:$0x3F95];
	s0 =	simm.s32 @p1 $0x1  }
0x15: {  	[smem:$0x3FB2] =	sst s0;
	s0 =	simm.s32 @!p2 $0x0  }
0x16: {  	s3 =	sld [smem:$0x3FDB];
	s0 =	simm.s32 @p2 $0x1  }
0x17: {  	s4 =	simm.s32 $0x1BF5;
	[smem:$0x3FB4] =	sst s0  }
0x18: {  	s0 =	sld [smem:$0x3F97];
	_ =	swait.ge [sflag:s4], $0x0  }
0x19: {  	s7 =	sld [smem:$0x3F98]  }
0x1a: {  	s8 =	sadd.s32 $0xFFFFE003, lr  }
0x1b: {  	s9 =	sadd.s32 $0xFFFFFEF7, lr;
	s5 =	simm.s32 $0xFFFFFFFF;
	p2 =	slt.u32 s8, $0xFFFFF086  }
0x1c: {  	p1 =	slt.u32 s9, $0xF7A;
	s5 =	simm.s32 @!p2 $0x0  }
0x1d: {  	s5 =	simm.s32 @p1 $0x1;
	p0 =	seq.s32 s7, s2  }
0x1e: {  	s7 =	smul.u32 @!p0 $0xF7A, s2;
	p2 =	seq.s32 @!p0 s5, $0x0  }
0x1f: {  	s9 =	smul.u32 $0xF7A, s1;
	s8 =	simm.s32 @!p0 $0x1BF5;
	p2 =	por !p2, p0  }
0x20: {  	[sflag:s8] =	ssyncset.s32 @!p0 $0xFFFFF086;
	s6 =	sadd.s32 @!p0 s3, s7;
	s7 =	simm.s32 @!p0 $0x108  }
0x21: {  	s3 =	sadd.s32 s3, s9;
	s6 =	sadd.s32 @!p0 $0x88, s6;
	s7 =	simm.s32 @p2 $0x1082  }
0x22: {  	[simem:s7], [sflag:s8] =	dma.local @!p0 [hbm:s6], $0xF7A  }
0x23: {  	s9 =	sor.u32 $0xD0000000, s2;
	s6 =	simm.s32 $0x108;
	_ =	swait.ge @!p0 [sflag:s8], $0x0  }
0x24: {  	s3 =	sadd.s32 $0x88, s3;
	s6 =	simm.s32 @!p1 $0x1082;
	[sflag:s4] =	ssyncset.s32 $0xFFFFF086  }
0x25: {  	[simem:s6], [sflag:s4] =	dma.local [hbm:s3], $0xF7A  }
0x26: {  	[smem:$0x3F98] =	sst s1;
	(tag) =	ssettag s2;
	_ =	strace s9  }
0x27: {  	s1 =	sld [smem:$0x3FA8]  }
0x28: {  	s2 =	sld [smem:$0x3FA9]  }
0x29: {  	s4 =	sld [smem:$0x3FAB]  }
0x2a: {  	p0 =	seq.s32 s5, $0x0;
	s5 =	sld [smem:$0x3FAC]  }
0x2b: {  	s6 =	sld [smem:$0x3FAD]  }
0x2c: {  	s7 =	sld [smem:$0x3FAE]  }
0x2d: {  	s3 =	simm.s32 $0x108;
	s8 =	sld [smem:$0x3FAF]  }
0x2e: {  	s3 =	simm.s32 @!p0 $0x1082;
	s9 =	sld [smem:$0x3FB0]  }
0x2f: {  	lr =	sadd.s32 s0, s3;
	s0 =	sld [smem:$0x3FA7]  }
0x30: {  	s3 =	sld [smem:$0x3FAA]  }
0x31: {  	[smem:$0x3FB3] =	sst s10  }
0x32: {  	s10 =	sld [smem:$0x3FB1];
	_ =	sdelay $0x3  }
0x33: {  	p0 =	seq.s32 s10, $0x1;
	s10 =	sld [smem:$0x3FB3];
	_ =	sdelay $0x3  }
0x34: {  	[smem:$0x3FB3] =	sst s10  }
0x35: {  	s10 =	sld [smem:$0x3FB2];
	_ =	sdelay $0x3  }
0x36: {  	p1 =	seq.s32 s10, $0x1;
	s10 =	sld [smem:$0x3FB3];
	_ =	sdelay $0x3  }
0x37: {  	[smem:$0x3FB3] =	sst s10  }
0x38: {  	s10 =	sld [smem:$0x3FB4]  }
0x39: {  	_ = 	snop;
	(pc) =	sbr.ind lr, $3  }
0x3a: {  	_ = 	snop  }
0x3b: {  	_ = 	snop  }
0x3c: {  	p2 =	seq.s32 s10, $0x1;
	s10 =	sld [smem:$0x3FB3]  }
0x3d: {  	_ =	shalt  }
0x3e: {  	_ =	shalt  }
0x3f: {  	_ =	shalt  }
0x40: {  	_ =	shalt  }
0x41: {  	_ =	shalt  }
0x42: {  	_ =	shalt  }
0x43: {  	_ =	shalt  }
0x44: {  	_ =	shalt  }
0x45: {  	_ =	shalt  }
0x46: {  	_ =	shalt  }
0x47: {  	_ =	shalt  }
0x48: {  	_ =	shalt  }
0x49: {  	_ =	shalt  }
0x4a: {  	_ =	shalt  }
0x4b: {  	_ =	shalt  }
0x4c: {  	_ =	shalt  }
0x4d: {  	_ =	shalt  }
0x4e: {  	_ =	shalt  }
0x4f: {  	_ =	shalt  }
0x50: {  	_ =	shalt  }
0x51: {  	_ =	shalt  }
0x52: {  	_ =	shalt  }
0x53: {  	_ =	shalt  }
0x54: {  	_ =	shalt  }
0x55: {  	_ =	shalt  }
0x56: {  	_ =	shalt  }
0x57: {  	_ =	shalt  }
0x58: {  	_ =	shalt  }
0x59: {  	_ =	shalt  }
0x5a: {  	_ =	shalt  }
0x5b: {  	_ =	shalt  }
0x5c: {  	_ =	shalt  }
0x5d: {  	_ =	shalt  }
0x5e: {  	_ =	shalt  }
0x5f: {  	_ =	shalt  }
0x60: {  	_ =	shalt  }
0x61: {  	_ =	shalt  }
0x62: {  	_ =	shalt  }
0x63: {  	_ =	shalt  }
0x64: {  	_ =	shalt  }
0x65: {  	_ =	shalt  }
0x66: {  	_ =	shalt  }
0x67: {  	_ =	shalt  }
0x68: {  	_ =	shalt  }
0x69: {  	_ =	shalt  }
0x6a: {  	_ =	shalt  }
0x6b: {  	_ =	shalt  }
0x6c: {  	_ =	shalt  }
0x6d: {  	_ =	shalt  }
0x6e: {  	_ =	shalt  }
0x6f: {  	_ =	shalt  }
0x70: {  	_ =	shalt  }
0x71: {  	_ =	shalt  }
0x72: {  	_ =	shalt  }
0x73: {  	_ =	shalt  }
0x74: {  	_ =	shalt  }
0x75: {  	_ =	shalt  }
0x76: {  	_ =	shalt  }
0x77: {  	_ =	shalt  }
0x78: {  	_ =	shalt  }
0x79: {  	_ =	shalt  }
0x7a: {  	_ =	shalt  }
0x7b: {  	_ =	shalt  }
0x7c: {  	_ =	shalt  }
0x7d: {  	_ =	shalt  }
0x7e: {  	_ =	shalt  }
0x7f: {  	_ =	shalt  }
0x80: {  	_ =	shalt  }
0x81: {  	_ =	shalt  }
0x82: {  	_ =	shalt  }
0x83: {  	_ =	shalt  }
0x84: {  	_ =	shalt  }
0x85: {  	_ =	shalt  }
0x86: {  	_ =	shalt  }
0x87: {  	_ =	shalt  }
.Lfunc_end0:
.L_simem_size_0:
called_computation_lowered:
.L_overlay_start_0:
0x88: {  	s2 =	sld [smem:$0x3FD9]  }
0x89: {  	s3 =	sld [smem:$0x3FFE];
	_ =	sdelay $0x1  }
0x8a: {  	s1 =	srdreg.scid  }
0x8b: {  	s0 =	sand.u32 $0x1, s1  }
0x8c: {  	s17 =	sshll.u32 s0, $0xA;
	s2 =	sadd.s32 s3, s2  }
0x8d: {  	s2 =	sadd.s32 s2, s17  }
0x8e: {  	[smem:$0x3FBF] =	sst s2  }
0x8f: {  	_ = 	snop  }
0x90: {  	s2 =	sld [smem:$0x3FD0];
	(tm) =	ssettm $0x1  }
0x91: {  	s18 =	sld [smem:$0x3FFB];
	_ =	sdelay $0x3  }
0x92: {  	_ =	strace s18  }
0x93: {  	s3 =	sld [smem:$0x3FFC];
	_ =	sdelay $0x3  }
0x94: {  	_ =	strace s3  }
0x95: {  	s3 =	sld [smem:$0x3FFD];
	_ =	sdelay $0x3  }
0x96: {  	_ =	strace s3  }
0x97: {  	_ =	strace $0x8FFFFFFF  }
0x98: {  	s19 =	sld [smem:$0x3FDB];
	_ =	sdelay $0x1  }
0x99: {  	s4 =	simm.s32 $_scs_section_size  }
0x9a: {  	s5 =	simm.s32 $_size__tile_overlayer_lowered;
	s6 =	simm.s32 $_tile_overlayer_lowered  }
0x9b: {  	s22 =	simm.s32 $0x1BFF;
	s21 =	sshll.u32 s6, $0x1;
	s3 =	sadd.s32 s4, s19  }
0x9c: {  	s7 =	simm.s32 $0x0;
	s20 =	sshll.u32 s5, $0x1;
	s5 =	sadd.s32 s21, s3  }
0x9d: {  	[timem:s7], [sflag:s22] =	dma.local [hbm:s5], s20  }
0x9e: {  	_ =	swait.ge [sflag:s22], s20  }
0x9f: {  	s4 =	ssub.s32 $0x0, s20;
	[sflag:s22] =	ssyncset.done $0x0  }
0xa0: {  	[sflag:s22] =	ssyncadd.s32 s4;
	_ =	sdelay $0x1  }
0xa1: {  	s23 =	simm.s32 $0x1B8B  }
0xa2: {  	_ =	swait.ge [sflag:s23], $0x1  }
0xa3: {  	[sflag:s23] =	ssyncset.done $0x0  }
0xa4: {  	s25 =	simm.s32 $0x1B8E;
	s24 =	sld [smem:$0x3FFE];
	[sflag:s23] =	ssyncadd.s32 $0xFFFFFFFF  }
0xa5: {  	s26 =	simm.s32 $execute0_lowered;
	[smem:$0x3FD2] =	sst s25  }
0xa6: {  	s5 =	sshll.u32 s26, $0x1;
	_ =	strace $0x80000046;
	[dreg:$0x1] =	wrdreg $0xFFFFFFFF  }
0xa7: {  	s28 =	simm.s32 $_size_execute0_lowered;
	s3 =	sadd.s32 s3, s5;
	[dreg:$0x0] =	wrdreg $0x0  }
0xa8: {  	s5 =	sshll.u32 s28, $0x1;
	[dreg:$0x2] =	wrdreg s3  }
0xa9: {  	[dreg:$0x3] =	wrdreg s5  }
0xaa: {  	[dreg:$0x4] =	wrdreg $0xC0  }
0xab: {  	_ =	task [dreg:s7], $0x5FFFF  }
0xac: {  	[dreg:$0x1] =	wrdreg $0xFFFFFFFF  }
0xad: {  	[dreg:$0x0] =	wrdreg $0x60  }
0xae: {  	[dreg:$0x2] =	wrdreg s2  }
0xaf: {  	[dreg:$0x3] =	wrdreg s24  }
0xb0: {  	[dreg:$0x4] =	wrdreg $0xA  }
0xb1: {  	_ =	task.clear_ibuf [dreg:s7], $0x5FFFF;
	_ =	strace $0x90000046  }
0xb2: {  	s29 =	simm.s32 $0xA;
	_ =	strace $0x80000048  }
0xb3: {  	_ =	swait.ge [sflag:s29], $0x1  }
0xb4: {  	[sflag:s29] =	ssyncadd.s32 $0xFFFFFFFF  }
0xb5: {  	_ =	strace $0x90000048  }
0xb6: {  	_ =	sfence  }
0xb7: {  	s30 =	sld [smem:$0x0];
	_ =	sdelay $0x2  }
0xb8: {  	s31 =	sshll.u32 s1, $0xD;
	s1 =	sshrl.u32 s1, $0x2  }
0xb9: {  	s3 =	sand.u32 $0x4000, s31;
	s1 =	sadd.s32 s1, s30  }
0xba: {  	s0 =	sor.u32 s3, s0;
	s1 =	sshll.u32 s1, $0x11  }
0xbb: {  	s0 =	sor.u32 s1, s0  }
0xbc: {  	s0 =	sadd.s32 $0x8F2B, s0  }
0xbd: {  	[sflag:s0] =	ssyncadd.remote.s32 $0x1  }
0xbe: {  	_ =	sfence.sel $0xFFFF  }
0xbf: {  	[dreg:$0x0] =	wrdreg $0xFFFFFFFF;
	(pc) =	sbr.abs _section_cstart, $3  }
0xc0: {  	[dreg:$0x1] =	wrdreg $0xFFFFFFFF  }
0xc1: {  	_ =	task.clear_ibuf [dreg:s7], $0x2FFFF;
	_ =	strace $0x9FFFFFFF  }
0xc2: {  	(tm) =	ssettm $0x7FFFFFFF  }
0xc3: {  	_ =	shalt  }
tec
execute0_lowered:
.L_overlay_start_1:
0x0: {  	(tag) =	ssettag $0x1  }
0x1: {  	s1 =	rddreg [dreg:$0x0]  }
0x2: {  	s4 =	rddreg [dreg:$0x1];
	s2 =	srdreg.scid  }
0x3: {  	s0 =	rddreg [dreg:$0x2];
	s3 =	simm.s32 $0x0;
	s11 =	simm.s32 $0x190  }
0x4: {  	s12 =	simm.s32 $0x6590;
	s13 =	simm.s32 $0x1;
	s5 =	sand.u32 $0x1, s2  }
0x5: {  	s14 =	simm.s32 $0x2;
	s2 =	stileid.u32;
	s6 =	smul.u32 $0xFA00, s5  }
0x6: {  	s15 =	simm.s32 $0x0;
	[smem:$0x7FF] =	sst s3;
	s7 =	smul.u32 $0xFA0, s2  }
0x7: {  	_ =	strace $0x80000047;
	s8 =	smul.u32 $0xFA000, s5;
	s5 =	ssub.s32 $0x2, s5  }
0x8: {  	s29 =	smul.u32 $0xFA00, s2;
	s9 =	sshrl.u32 s5, $0x1;
	s6 =	sadd.s32 s7, s6  }
0x9: {  	s8 =	sadd.s32 s8, s4;
	s30 =	ssub.s32 s5, s9;
	s6 =	sshrl.u32 s6, $0x3  }
0xa: {  	s9 =	simm.s32 $0x3;
	s31 =	sadd.s32 s29, s8;
	s10 =	sadd.s32 s6, s4  }
0xb: {  	s4 =	smax.u32 s30, $0x1;
	s5 =	sadd.s32 $0x20A000, s31;
	s6 =	sadd.s32 $0x16000, s31  }
0xc: {  	s7 =	sadd.s32 $0xE000, s10;
	s8 =	sadd.s32 $0x6000, s10;
	s10 =	simm.s32 $0xC8  }
.LBB2_1:
0xd: {  	s16 =	sadd.s32 $0x0, s8  }
0xe: {  	[tilespmem:s3], [sflag:$0x3] =	stream.linear.gather [hbm4b:s16+s3], $0xC8, $0x38;
	[tilespmem:$0xC990] =	vst v63  }
0xf: {  	_ =	swait.ge [sflag:s9], $0xC8  }
0x10: {  	[sflag:s9] =	ssyncset.done $0x0  }
0x11: {  	s31 =	sadd.s32 $0x0, s7;
	[sflag:s9] =	ssyncadd.s32 $0xFFFFFF38  }
0x12: {  	[tilespmem:s10], [sflag:$0x3] =	stream.linear.gather [hbm4b:s31+s3], $0xC8, $0x38;
	[tilespmem:$0xC990] =	vst v63  }
0x13: {  	_ =	swait.ge [sflag:s9], $0xC8  }
0x14: {  	[sflag:s9] =	ssyncset.done $0x0  }
0x15: {  	[sflag:s9] =	ssyncadd.s32 $0xFFFFFF38  }
0x16: {  	[tilespmem:s11], [sflag:$0x1] =	stream.indirect.gather [hbm4b:s1+s10], $0x80, s3, s10, $0xb8;
	[tilespmem:$0xC990] =	vst v63  }
0x17: {  	_ = 	snop  }
0x18: {  	[tilespmem:s12], [sflag:$0x2] =	stream.indirect.gather [hbm4b:s1+s10], $0x80, s10, s10, $0xb8;
	[tilespmem:$0xC990] =	vst v63  }
0x19: {  	_ =	swait.ge [sflag:s13], $0x6400  }
0x1a: {  	[sflag:s13] =	ssyncset.done $0x0  }
0x1b: {  	[sflag:s13] =	ssyncadd.s32 $0xFFFF9C00  }
0x1c: {  	_ =	swait.ge [sflag:s14], $0x6400  }
0x1d: {  	[sflag:s14] =	ssyncset.done $0x0  }
0x1e: {  	[sflag:s14] =	ssyncadd.s32 $0xFFFF9C00  }
0x1f: {  	[hbm4b:s6+s3] =	stream.linear.scatter [tilespmem:s11], [sflag:$0x3], $0x6400, $0x38;
	[tilespmem:$0xC990] =	vst v63  }
0x20: {  	_ =	swait.ge [sflag:s9], $0x6400  }
0x21: {  	[sflag:s9] =	ssyncset.done $0x0  }
0x22: {  	[sflag:s9] =	ssyncadd.s32 $0xFFFF9C00  }
0x23: {  	[hbm4b:s5+s3] =	stream.linear.scatter [tilespmem:s12], [sflag:$0x3], $0x6400, $0x38;
	[tilespmem:$0xC990] =	vst v63  }
0x24: {  	s18 =	simm.s32 $0x19;
	s19 =	simm.s32 $0x32;
	_ =	swait.ge [sflag:s9], $0x6400  }
0x25: {  	s17 =	sadd.s32 $0xC80, s6;
	s16 =	sadd.s32 $0xC80, s5;
	[sflag:s9] =	ssyncset.done $0x0  }
.LBB2_2:
0x26: {  	s20 =	sadd.s32 s18, s8  }
0x27: {  	[sflag:s9] =	ssyncadd.s32 $0xFFFF9C00;
	s21 =	smov.u32 s19;
	s22 =	sadd.s32 $0x19, s19  }
0x28: {  	[tilespmem:s3], [sflag:$0x3] =	stream.linear.gather [hbm4b:s20+s3], $0xC8, $0x38;
	[tilespmem:$0xC990] =	vst v63  }
0x29: {  	p0 =	sne.s32 s19, $0x1DB;
	_ =	swait.ge [sflag:s9], $0xC8  }
0x2a: {  	[sflag:s9] =	ssyncset.done $0x0  }
0x2b: {  	s19 =	sadd.s32 s18, s7;
	s18 =	smov.u32 s21;
	[sflag:s9] =	ssyncadd.s32 $0xFFFFFF38  }
0x2c: {  	[tilespmem:s10], [sflag:$0x3] =	stream.linear.gather [hbm4b:s19+s3], $0xC8, $0x38;
	[tilespmem:$0xC990] =	vst v63  }
0x2d: {  	_ =	swait.ge [sflag:s9], $0xC8  }
0x2e: {  	[sflag:s9] =	ssyncset.done $0x0  }
0x2f: {  	[sflag:s9] =	ssyncadd.s32 $0xFFFFFF38  }
0x30: {  	[tilespmem:s11], [sflag:$0x1] =	stream.indirect.gather [hbm4b:s1+s10], $0x80, s3, s10, $0xb8;
	[tilespmem:$0xC990] =	vst v63  }
0x31: {  	_ = 	snop  }
0x32: {  	[tilespmem:s12], [sflag:$0x2] =	stream.indirect.gather [hbm4b:s1+s10], $0x80, s10, s10, $0xb8;
	[tilespmem:$0xC990] =	vst v63  }
0x33: {  	_ =	swait.ge [sflag:s13], $0x6400  }
0x34: {  	[sflag:s13] =	ssyncset.done $0x0  }
0x35: {  	[sflag:s13] =	ssyncadd.s32 $0xFFFF9C00  }
0x36: {  	_ =	swait.ge [sflag:s14], $0x6400  }
0x37: {  	[sflag:s14] =	ssyncset.done $0x0  }
0x38: {  	[sflag:s14] =	ssyncadd.s32 $0xFFFF9C00  }
0x39: {  	[hbm4b:s17+s3] =	stream.linear.scatter [tilespmem:s11], [sflag:$0x3], $0x6400, $0x38;
	[tilespmem:$0xC990] =	vst v63  }
0x3a: {  	_ =	swait.ge [sflag:s9], $0x6400  }
.Ltmp0:
0x3b: {  	[sflag:s9] =	ssyncset.done $0x0;
	(pc) =	sbr.rel @p0 .LBB2_2-.Ltmp0, $4  }
0x3c: {  	[sflag:s9] =	ssyncadd.s32 $0xFFFF9C00  }
0x3d: {  	[hbm4b:s16+s3] =	stream.linear.scatter [tilespmem:s12], [sflag:$0x3], $0x6400, $0x38;
	[tilespmem:$0xC990] =	vst v63  }
0x3e: {  	s19 =	smov.u32 s22;
	_ =	swait.ge [sflag:s9], $0x6400  }
0x3f: {  	s17 =	sadd.s32 $0xC80, s17;
	s16 =	sadd.s32 $0xC80, s16;
	[sflag:s9] =	ssyncset.done $0x0  }
0x40: {  	s19 =	sadd.s32 s18, s8;
	[sflag:s9] =	ssyncadd.s32 $0xFFFF9C00  }
0x41: {  	[tilespmem:s3], [sflag:$0x3] =	stream.linear.gather [hbm4b:s19+s3], $0xC8, $0x38;
	[tilespmem:$0xC990] =	vst v63  }
0x42: {  	_ =	swait.ge [sflag:s9], $0xC8  }
0x43: {  	[sflag:s9] =	ssyncset.done $0x0  }
0x44: {  	s31 =	sadd.s32 s18, s7;
	[sflag:s9] =	ssyncadd.s32 $0xFFFFFF38  }
0x45: {  	[tilespmem:s10], [sflag:$0x3] =	stream.linear.gather [hbm4b:s31+s3], $0xC8, $0x38;
	[tilespmem:$0xC990] =	vst v63  }
0x46: {  	_ =	swait.ge [sflag:s9], $0xC8  }
0x47: {  	[sflag:s9] =	ssyncset.done $0x0  }
0x48: {  	[sflag:s9] =	ssyncadd.s32 $0xFFFFFF38  }
0x49: {  	[tilespmem:s11], [sflag:$0x1] =	stream.indirect.gather [hbm4b:s1+s10], $0x80, s3, s10, $0xb8;
	[tilespmem:$0xC990] =	vst v63  }
0x4a: {  	_ = 	snop  }
0x4b: {  	[tilespmem:s12], [sflag:$0x2] =	stream.indirect.gather [hbm4b:s1+s10], $0x80, s10, s10, $0xb8;
	[tilespmem:$0xC990] =	vst v63  }
0x4c: {  	_ =	swait.ge [sflag:s13], $0x6400  }
0x4d: {  	[sflag:s13] =	ssyncset.done $0x0  }
0x4e: {  	[sflag:s13] =	ssyncadd.s32 $0xFFFF9C00  }
0x4f: {  	_ =	swait.ge [sflag:s14], $0x6400  }
0x50: {  	[sflag:s14] =	ssyncset.done $0x0  }
0x51: {  	[sflag:s14] =	ssyncadd.s32 $0xFFFF9C00  }
0x52: {  	[hbm4b:s17+s3] =	stream.linear.scatter [tilespmem:s11], [sflag:$0x3], $0x6400, $0x38;
	[tilespmem:$0xC990] =	vst v63  }
0x53: {  	s15 =	sadd.s32 $0x1, s15;
	_ =	swait.ge [sflag:s9], $0x6400  }
0x54: {  	p0 =	sne.s32 s15, s4;
	[sflag:s9] =	ssyncset.done $0x0  }
.Ltmp1:
0x55: {  	[sflag:s9] =	ssyncadd.s32 $0xFFFF9C00;
	(pc) =	sbr.rel @p0 .LBB2_1-.Ltmp1, $4  }
0x56: {  	[hbm4b:s16+s3] =	stream.linear.scatter [tilespmem:s12], [sflag:$0x3], $0x6400, $0x38;
	[tilespmem:$0xC990] =	vst v63  }
0x57: {  	_ =	swait.ge [sflag:s9], $0x6400  }
0x58: {  	[sflag:s9] =	ssyncset.done $0x0  }
0x59: {  	[sflag:s9] =	ssyncadd.s32 $0xFFFF9C00  }
0x5a: {  	_ =	sfence.sel $0x180000  }
0x5b: {  	[bflag:$0x0] =	sbarrier.arrive $0xFFFF  }
0x5c: {  	p0 =	sne.s32 s2, $0x0;
	_ =	strace $0x90000047  }
0x5d: {  	s0 =	sadd.s32 @!p0 $0x100000, s0;
	[bflag:$0x2] =	sbarrier.arrive $0xFFFF  }
0x5e: {  	[sflag:s0] =	ssyncadd.tile.s32 @!p0 $0x1;
	_ =	shalt  }
.Lfunc_end2:
_tile_overlayer_lowered:
.L_overlay_start_2:
0x5f: {  	(tag) =	ssettag $0x2  }
0x60: {  	s0 =	rddreg [dreg:$0x0];
	s2 =	stileid.u32  }
0x61: {  	s1 =	rddreg [dreg:$0x1];
	p0 =	sne.s32 s2, $0x0  }
0x62: {  	s3 =	rddreg [dreg:$0x2];
	[bflag:$0x3] =	sbarrier.arrive $0xFFFF;
	s2 =	simm.s32 @!p0 $0x1C03  }
0x63: {  	[timem:s3], [sflag:s2] =	dma.local @!p0 [hbm:s0], s1  }
0x64: {  	s0 =	simm.s32 @!p0 $0x3  }
0x65: {  	_ =	swait.ge @!p0 [sflag:s0], s1  }
0x66: {  	s1 =	ssub.s32 @!p0 $0x0, s1;
	[sflag:s0] =	ssyncset.done @!p0 $0x0  }
0x67: {  	[sflag:s0] =	ssyncadd.s32 @!p0 s1  }
0x68: {  	[bflag:$0x3] =	sbarrier.arrive $0xFFFF  }
0x69: {  	_ =	shalt  }

// kernel: kernel.16.cloned.1.call-start
scs
__scs_entry_jumppad:
0x0: {  	(pc) =	sbr.rel $0x88, $3  }
0x1: {  	(tag) =	ssettag $0x0;
	lr =	simm.s32 $0x1  }
0x2: {  	[smem:$0x3F98] =	sst lr;
	_ =	strace $0xD0000000  }
0x3: {  	_ = 	snop  }
0x4: {  	_ = 	snop  }
0x5: {  	_ = 	snop  }
0x6: {  	_ = 	snop  }
0x7: {  	_ = 	snop  }
__scs_overlays_trampoline_lowered:
0x8: {  	[smem:$0x3FA7] =	sst s0  }
0x9: {  	[smem:$0x3FA8] =	sst s1  }
0xa: {  	[smem:$0x3FA9] =	sst s2  }
0xb: {  	[smem:$0x3FAA] =	sst s3  }
0xc: {  	[smem:$0x3FAB] =	sst s4  }
0xd: {  	[smem:$0x3FAC] =	sst s5  }
0xe: {  	[smem:$0x3FAD] =	sst s6  }
0xf: {  	[smem:$0x3FAE] =	sst s7  }
0x10: {  	[smem:$0x3FAF] =	sst s8  }
0x11: {  	[smem:$0x3FB0] =	sst s9;
	s0 =	simm.s32 @!p0 $0x0  }
0x12: {  	s1 =	sld [smem:$0x3F96];
	s0 =	simm.s32 @p0 $0x1  }
0x13: {  	[smem:$0x3FB1] =	sst s0;
	s0 =	simm.s32 @!p1 $0x0  }
0x14: {  	s2 =	sld [smem:$0x3F95];
	s0 =	simm.s32 @p1 $0x1  }
0x15: {  	[smem:$0x3FB2] =	sst s0;
	s0 =	simm.s32 @!p2 $0x0  }
0x16: {  	s3 =	sld [smem:$0x3FDB];
	s0 =	simm.s32 @p2 $0x1  }
0x17: {  	s4 =	simm.s32 $0x1BF5;
	[smem:$0x3FB4] =	sst s0  }
0x18: {  	s0 =	sld [smem:$0x3F97];
	_ =	swait.ge [sflag:s4], $0x0  }
0x19: {  	s7 =	sld [smem:$0x3F98]  }
0x1a: {  	s8 =	sadd.s32 $0xFFFFE003, lr  }
0x1b: {  	s9 =	sadd.s32 $0xFFFFFEF7, lr;
	s5 =	simm.s32 $0xFFFFFFFF;
	p2 =	slt.u32 s8, $0xFFFFF086  }
0x1c: {  	p1 =	slt.u32 s9, $0xF7A;
	s5 =	simm.s32 @!p2 $0x0  }
0x1d: {  	s5 =	simm.s32 @p1 $0x1;
	p0 =	seq.s32 s7, s2  }
0x1e: {  	s7 =	smul.u32 @!p0 $0xF7A, s2;
	p2 =	seq.s32 @!p0 s5, $0x0  }
0x1f: {  	s9 =	smul.u32 $0xF7A, s1;
	s8 =	simm.s32 @!p0 $0x1BF5;
	p2 =	por !p2, p0  }
0x20: {  	[sflag:s8] =	ssyncset.s32 @!p0 $0xFFFFF086;
	s6 =	sadd.s32 @!p0 s3, s7;
	s7 =	simm.s32 @!p0 $0x108  }
0x21: {  	s3 =	sadd.s32 s3, s9;
	s6 =	sadd.s32 @!p0 $0x88, s6;
	s7 =	simm.s32 @p2 $0x1082  }
0x22: {  	[simem:s7], [sflag:s8] =	dma.local @!p0 [hbm:s6], $0xF7A  }
0x23: {  	s9 =	sor.u32 $0xD0000000, s2;
	s6 =	simm.s32 $0x108;
	_ =	swait.ge @!p0 [sflag:s8], $0x0  }
0x24: {  	s3 =	sadd.s32 $0x88, s3;
	s6 =	simm.s32 @!p1 $0x1082;
	[sflag:s4] =	ssyncset.s32 $0xFFFFF086  }
0x25: {  	[simem:s6], [sflag:s4] =	dma.local [hbm:s3], $0xF7A  }
0x26: {  	[smem:$0x3F98] =	sst s1;
	(tag) =	ssettag s2;
	_ =	strace s9  }
0x27: {  	s1 =	sld [smem:$0x3FA8]  }
0x28: {  	s2 =	sld [smem:$0x3FA9]  }
0x29: {  	s4 =	sld [smem:$0x3FAB]  }
0x2a: {  	p0 =	seq.s32 s5, $0x0;
	s5 =	sld [smem:$0x3FAC]  }
0x2b: {  	s6 =	sld [smem:$0x3FAD]  }
0x2c: {  	s7 =	sld [smem:$0x3FAE]  }
0x2d: {  	s3 =	simm.s32 $0x108;
	s8 =	sld [smem:$0x3FAF]  }
0x2e: {  	s3 =	simm.s32 @!p0 $0x1082;
	s9 =	sld [smem:$0x3FB0]  }
0x2f: {  	lr =	sadd.s32 s0, s3;
	s0 =	sld [smem:$0x3FA7]  }
0x30: {  	s3 =	sld [smem:$0x3FAA]  }
0x31: {  	[smem:$0x3FB3] =	sst s10  }
0x32: {  	s10 =	sld [smem:$0x3FB1];
	_ =	sdelay $0x3  }
0x33: {  	p0 =	seq.s32 s10, $0x1;
	s10 =	sld [smem:$0x3FB3];
	_ =	sdelay $0x3  }
0x34: {  	[smem:$0x3FB3] =	sst s10  }
0x35: {  	s10 =	sld [smem:$0x3FB2];
	_ =	sdelay $0x3  }
0x36: {  	p1 =	seq.s32 s10, $0x1;
	s10 =	sld [smem:$0x3FB3];
	_ =	sdelay $0x3  }
0x37: {  	[smem:$0x3FB3] =	sst s10  }
0x38: {  	s10 =	sld [smem:$0x3FB4]  }
0x39: {  	_ = 	snop;
	(pc) =	sbr.ind lr, $3  }
0x3a: {  	_ = 	snop  }
0x3b: {  	_ = 	snop  }
0x3c: {  	p2 =	seq.s32 s10, $0x1;
	s10 =	sld [smem:$0x3FB3]  }
0x3d: {  	_ =	shalt  }
0x3e: {  	_ =	shalt  }
0x3f: {  	_ =	shalt  }
0x40: {  	_ =	shalt  }
0x41: {  	_ =	shalt  }
0x42: {  	_ =	shalt  }
0x43: {  	_ =	shalt  }
0x44: {  	_ =	shalt  }
0x45: {  	_ =	shalt  }
0x46: {  	_ =	shalt  }
0x47: {  	_ =	shalt  }
0x48: {  	_ =	shalt  }
0x49: {  	_ =	shalt  }
0x4a: {  	_ =	shalt  }
0x4b: {  	_ =	shalt  }
0x4c: {  	_ =	shalt  }
0x4d: {  	_ =	shalt  }
0x4e: {  	_ =	shalt  }
0x4f: {  	_ =	shalt  }
0x50: {  	_ =	shalt  }
0x51: {  	_ =	shalt  }
0x52: {  	_ =	shalt  }
0x53: {  	_ =	shalt  }
0x54: {  	_ =	shalt  }
0x55: {  	_ =	shalt  }
0x56: {  	_ =	shalt  }
0x57: {  	_ =	shalt  }
0x58: {  	_ =	shalt  }
0x59: {  	_ =	shalt  }
0x5a: {  	_ =	shalt  }
0x5b: {  	_ =	shalt  }
0x5c: {  	_ =	shalt  }
0x5d: {  	_ =	shalt  }
0x5e: {  	_ =	shalt  }
0x5f: {  	_ =	shalt  }
0x60: {  	_ =	shalt  }
0x61: {  	_ =	shalt  }
0x62: {  	_ =	shalt  }
0x63: {  	_ =	shalt  }
0x64: {  	_ =	shalt  }
0x65: {  	_ =	shalt  }
0x66: {  	_ =	shalt  }
0x67: {  	_ =	shalt  }
0x68: {  	_ =	shalt  }
0x69: {  	_ =	shalt  }
0x6a: {  	_ =	shalt  }
0x6b: {  	_ =	shalt  }
0x6c: {  	_ =	shalt  }
0x6d: {  	_ =	shalt  }
0x6e: {  	_ =	shalt  }
0x6f: {  	_ =	shalt  }
0x70: {  	_ =	shalt  }
0x71: {  	_ =	shalt  }
0x72: {  	_ =	shalt  }
0x73: {  	_ =	shalt  }
0x74: {  	_ =	shalt  }
0x75: {  	_ =	shalt  }
0x76: {  	_ =	shalt  }
0x77: {  	_ =	shalt  }
0x78: {  	_ =	shalt  }
0x79: {  	_ =	shalt  }
0x7a: {  	_ =	shalt  }
0x7b: {  	_ =	shalt  }
0x7c: {  	_ =	shalt  }
0x7d: {  	_ =	shalt  }
0x7e: {  	_ =	shalt  }
0x7f: {  	_ =	shalt  }
0x80: {  	_ =	shalt  }
0x81: {  	_ =	shalt  }
0x82: {  	_ =	shalt  }
0x83: {  	_ =	shalt  }
0x84: {  	_ =	shalt  }
0x85: {  	_ =	shalt  }
0x86: {  	_ =	shalt  }
0x87: {  	_ =	shalt  }
.Lfunc_end0:
.L_simem_size_0:
called_computation.1_lowered:
.L_overlay_start_0:
0x88: {  	s2 =	sld [smem:$0x3FD9]  }
0x89: {  	s3 =	sld [smem:$0x3FFE];
	_ =	sdelay $0x1  }
0x8a: {  	s1 =	srdreg.scid  }
0x8b: {  	s0 =	sand.u32 $0x1, s1  }
0x8c: {  	s17 =	sshll.u32 s0, $0xA;
	s2 =	sadd.s32 s3, s2  }
0x8d: {  	s2 =	sadd.s32 s2, s17  }
0x8e: {  	[smem:$0x3FBF] =	sst s2  }
0x8f: {  	_ = 	snop  }
0x90: {  	s18 =	sld [smem:$0x3FD0];
	(tm) =	ssettm $0x1  }
0x91: {  	s19 =	sld [smem:$0x3FFB];
	_ =	sdelay $0x3  }
0x92: {  	_ =	strace s19  }
0x93: {  	s2 =	sld [smem:$0x3FFC];
	_ =	sdelay $0x3  }
0x94: {  	_ =	strace s2  }
0x95: {  	s2 =	sld [smem:$0x3FFD];
	_ =	sdelay $0x3  }
0x96: {  	_ =	strace s2  }
0x97: {  	_ =	strace $0x8FFFFFFF  }
0x98: {  	s20 =	sld [smem:$0x3FDB];
	_ =	sdelay $0x1  }
0x99: {  	s4 =	simm.s32 $_scs_section_size  }
0x9a: {  	s5 =	simm.s32 $_size__tile_overlayer_lowered;
	s6 =	simm.s32 $_tile_overlayer_lowered  }
0x9b: {  	s7 =	simm.s32 $0x1BFF;
	s21 =	sshll.u32 s6, $0x1;
	s4 =	sadd.s32 s4, s20  }
0x9c: {  	s22 =	simm.s32 $0x0;
	s5 =	sshll.u32 s5, $0x1;
	s6 =	sadd.s32 s21, s4  }
0x9d: {  	[timem:s22], [sflag:s7] =	dma.local [hbm:s6], s5  }
0x9e: {  	_ =	swait.ge [sflag:s7], s5  }
0x9f: {  	s5 =	ssub.s32 $0x0, s5;
	[sflag:s7] =	ssyncset.done $0x0  }
0xa0: {  	[sflag:s7] =	ssyncadd.s32 s5;
	_ =	sdelay $0x1  }
0xa1: {  	s23 =	simm.s32 $0x1B8B  }
0xa2: {  	_ =	swait.ge [sflag:s23], $0x1  }
0xa3: {  	[sflag:s23] =	ssyncset.done $0x0  }
0xa4: {  	[sflag:s23] =	ssyncadd.s32 $0xFFFFFFFF  }
0xa5: {  	s5 =	sld [smem:$0x0]  }
0xa6: {  	s6 =	sand.u32 $0xFFFFFFFE, s1  }
0xa7: {  	p0 =	sne.s32 s1, s6  }
0xa8: {  	s6 =	sshll.u32 @p0 s6, $0xE  }
0xa9: {  	s6 =	sadd.s32 @p0 $0x11B8D, s6;
	s7 =	sshll.u32 @p0 s5, $0x11  }
0xaa: {  	s6 =	sor.u32 @p0 s7, s6  }
0xab: {  	[sflag:s6] =	ssyncadd.remote.s32 @p0 $0x1;
	_ =	sdelay $0x1  }
0xac: {  	s6 =	simm.s32 @p0 $0x1B8D  }
0xad: {  	_ =	swait.eq @p0 [sflag:s6], $0x1  }
0xae: {  	[sflag:s6] =	ssyncadd.s32 @p0 $0xFFFFFFFF  }
0xaf: {  	s7 =	sshll.u32 @!p0 s1, $0xE  }
0xb0: {  	s7 =	sor.u32 @!p0 $0x4000, s7;
	s6 =	simm.s32 @!p0 $0x1B8D  }
0xb1: {  	s5 =	sshll.u32 @!p0 s5, $0x11;
	s7 =	sadd.s32 @!p0 $0x11B8D, s7;
	_ =	swait.eq @!p0 [sflag:s6], $0x1  }
0xb2: {  	s5 =	sor.u32 @!p0 s5, s7;
	[sflag:s6] =	ssyncadd.s32 @!p0 $0xFFFFFFFF  }
0xb3: {  	s25 =	simm.s32 $0x1B8E;
	s24 =	sld [smem:$0x3FFE];
	[sflag:s5] =	ssyncadd.remote.s32 @!p0 $0x1  }
0xb4: {  	s26 =	simm.s32 $execute0_lowered;
	[smem:$0x3FD2] =	sst s25  }
0xb5: {  	s6 =	sshll.u32 s26, $0x1;
	_ =	strace $0x80000049;
	[dreg:$0x1] =	wrdreg $0xFFFFFFFF  }
0xb6: {  	s28 =	simm.s32 $_size_execute0_lowered;
	s4 =	sadd.s32 s4, s6;
	[dreg:$0x0] =	wrdreg $0x0  }
0xb7: {  	s6 =	sshll.u32 s28, $0x1;
	[dreg:$0x2] =	wrdreg s4  }
0xb8: {  	[dreg:$0x3] =	wrdreg s6  }
0xb9: {  	[dreg:$0x4] =	wrdreg $0xC0  }
0xba: {  	_ =	task [dreg:s22], $0x5FFFF  }
0xbb: {  	[dreg:$0x1] =	wrdreg $0xFFFFFFFF  }
0xbc: {  	[dreg:$0x0] =	wrdreg $0x60  }
0xbd: {  	[dreg:$0x2] =	wrdreg s18  }
0xbe: {  	[dreg:$0x3] =	wrdreg s24  }
0xbf: {  	[dreg:$0x4] =	wrdreg $0xB  }
0xc0: {  	_ =	task.clear_ibuf [dreg:s22], $0x5FFFF;
	_ =	strace $0x90000049  }
0xc1: {  	s29 =	simm.s32 $0xB;
	_ =	strace $0x8000004B  }
0xc2: {  	_ =	swait.ge [sflag:s29], $0x1  }
0xc3: {  	[sflag:s29] =	ssyncadd.s32 $0xFFFFFFFF  }
0xc4: {  	_ =	strace $0x9000004B  }
0xc5: {  	_ =	sfence  }
0xc6: {  	s30 =	sld [smem:$0x0];
	_ =	sdelay $0x2  }
0xc7: {  	s31 =	sshll.u32 s1, $0xD;
	s1 =	sshrl.u32 s1, $0x2  }
0xc8: {  	s4 =	sand.u32 $0x4000, s31;
	s1 =	sadd.s32 s1, s30  }
0xc9: {  	s0 =	sor.u32 s4, s0;
	s1 =	sshll.u32 s1, $0x11  }
0xca: {  	s0 =	sor.u32 s1, s0  }
0xcb: {  	s0 =	sadd.s32 $0x8F2B, s0  }
0xcc: {  	[sflag:s0] =	ssyncadd.remote.s32 $0x1  }
0xcd: {  	_ =	sfence.sel $0xFFFF  }
0xce: {  	[dreg:$0x0] =	wrdreg $0xFFFFFFFF;
	(pc) =	sbr.abs _section_cstart, $3  }
0xcf: {  	[dreg:$0x1] =	wrdreg $0xFFFFFFFF  }
0xd0: {  	_ =	task.clear_ibuf [dreg:s22], $0x2FFFF;
	_ =	strace $0x9FFFFFFF  }
0xd1: {  	(tm) =	ssettm $0x7FFFFFFF  }
tec
execute0_lowered:
.L_overlay_start_1:
0x0: {  	(tag) =	ssettag $0x1  }
0x1: {  	s1 =	rddreg [dreg:$0x0]  }
0x2: {  	s4 =	rddreg [dreg:$0x1];
	s2 =	srdreg.scid  }
0x3: {  	s0 =	rddreg [dreg:$0x2];
	s3 =	simm.s32 $0x0;
	s11 =	simm.s32 $0x190  }
0x4: {  	s12 =	simm.s32 $0x6590;
	s13 =	simm.s32 $0x1;
	s5 =	sand.u32 $0x1, s2  }
0x5: {  	s14 =	simm.s32 $0x2;
	s2 =	stileid.u32;
	s6 =	smul.u32 $0xFA00, s5  }
0x6: {  	s15 =	simm.s32 $0x0;
	[smem:$0x7FF] =	sst s3;
	s7 =	smul.u32 $0xFA0, s2  }
0x7: {  	_ =	strace $0x8000004A;
	s8 =	smul.u32 $0xFA000, s5;
	s5 =	ssub.s32 $0x2, s5  }
0x8: {  	s29 =	smul.u32 $0xFA00, s2;
	s9 =	sshrl.u32 s5, $0x1;
	s6 =	sadd.s32 s7, s6  }
0x9: {  	s8 =	sadd.s32 s8, s4;
	s30 =	ssub.s32 s5, s9;
	s6 =	sshrl.u32 s6, $0x3  }
0xa: {  	s9 =	simm.s32 $0x3;
	s31 =	sadd.s32 s29, s8;
	s10 =	sadd.s32 s6, s4  }
0xb: {  	s4 =	smax.u32 s30, $0x1;
	s5 =	sadd.s32 $0x5F2000, s31;
	s6 =	sadd.s32 $0x3FE000, s31  }
0xc: {  	s7 =	sadd.s32 $0x12000, s10;
	s8 =	sadd.s32 $0xA000, s10;
	s10 =	simm.s32 $0xC8  }
.LBB2_1:
0xd: {  	s16 =	sadd.s32 $0x0, s8  }
0xe: {  	[tilespmem:s3], [sflag:$0x3] =	stream.linear.gather [hbm4b:s16+s3], $0xC8, $0x38;
	[tilespmem:$0xC990] =	vst v63  }
0xf: {  	_ =	swait.ge [sflag:s9], $0xC8  }
0x10: {  	[sflag:s9] =	ssyncset.done $0x0  }
0x11: {  	s31 =	sadd.s32 $0x0, s7;
	[sflag:s9] =	ssyncadd.s32 $0xFFFFFF38  }
0x12: {  	[tilespmem:s10], [sflag:$0x3] =	stream.linear.gather [hbm4b:s31+s3], $0xC8, $0x38;
	[tilespmem:$0xC990] =	vst v63  }
0x13: {  	_ =	swait.ge [sflag:s9], $0xC8  }
0x14: {  	[sflag:s9] =	ssyncset.done $0x0  }
0x15: {  	[sflag:s9] =	ssyncadd.s32 $0xFFFFFF38  }
0x16: {  	[tilespmem:s11], [sflag:$0x1] =	stream.indirect.gather [hbm4b:s1+s10], $0x80, s3, s10, $0xb8;
	[tilespmem:$0xC990] =	vst v63  }
0x17: {  	_ = 	snop  }
0x18: {  	[tilespmem:s12], [sflag:$0x2] =	stream.indirect.gather [hbm4b:s1+s10], $0x80, s10, s10, $0xb8;
	[tilespmem:$0xC990] =	vst v63  }
0x19: {  	_ =	swait.ge [sflag:s13], $0x6400  }
0x1a: {  	[sflag:s13] =	ssyncset.done $0x0  }
0x1b: {  	[sflag:s13] =	ssyncadd.s32 $0xFFFF9C00  }
0x1c: {  	_ =	swait.ge [sflag:s14], $0x6400  }
0x1d: {  	[sflag:s14] =	ssyncset.done $0x0  }
0x1e: {  	[sflag:s14] =	ssyncadd.s32 $0xFFFF9C00  }
0x1f: {  	[hbm4b:s6+s3] =	stream.linear.scatter [tilespmem:s11], [sflag:$0x3], $0x6400, $0x38;
	[tilespmem:$0xC990] =	vst v63  }
0x20: {  	_ =	swait.ge [sflag:s9], $0x6400  }
0x21: {  	[sflag:s9] =	ssyncset.done $0x0  }
0x22: {  	[sflag:s9] =	ssyncadd.s32 $0xFFFF9C00  }
0x23: {  	[hbm4b:s5+s3] =	stream.linear.scatter [tilespmem:s12], [sflag:$0x3], $0x6400, $0x38;
	[tilespmem:$0xC990] =	vst v63  }
0x24: {  	s18 =	simm.s32 $0x19;
	s19 =	simm.s32 $0x32;
	_ =	swait.ge [sflag:s9], $0x6400  }
0x25: {  	s17 =	sadd.s32 $0xC80, s6;
	s16 =	sadd.s32 $0xC80, s5;
	[sflag:s9] =	ssyncset.done $0x0  }
.LBB2_2:
0x26: {  	s20 =	sadd.s32 s18, s8  }
0x27: {  	[sflag:s9] =	ssyncadd.s32 $0xFFFF9C00;
	s21 =	smov.u32 s19;
	s22 =	sadd.s32 $0x19, s19  }
0x28: {  	[tilespmem:s3], [sflag:$0x3] =	stream.linear.gather [hbm4b:s20+s3], $0xC8, $0x38;
	[tilespmem:$0xC990] =	vst v63  }
0x29: {  	p0 =	sne.s32 s19, $0x1DB;
	_ =	swait.ge [sflag:s9], $0xC8  }
0x2a: {  	[sflag:s9] =	ssyncset.done $0x0  }
0x2b: {  	s19 =	sadd.s32 s18, s7;
	s18 =	smov.u32 s21;
	[sflag:s9] =	ssyncadd.s32 $0xFFFFFF38  }
0x2c: {  	[tilespmem:s10], [sflag:$0x3] =	stream.linear.gather [hbm4b:s19+s3], $0xC8, $0x38;
	[tilespmem:$0xC990] =	vst v63  }
0x2d: {  	_ =	swait.ge [sflag:s9], $0xC8  }
0x2e: {  	[sflag:s9] =	ssyncset.done $0x0  }
0x2f: {  	[sflag:s9] =	ssyncadd.s32 $0xFFFFFF38  }
0x30: {  	[tilespmem:s11], [sflag:$0x1] =	stream.indirect.gather [hbm4b:s1+s10], $0x80, s3, s10, $0xb8;
	[tilespmem:$0xC990] =	vst v63  }
0x31: {  	_ = 	snop  }
0x32: {  	[tilespmem:s12], [sflag:$0x2] =	stream.indirect.gather [hbm4b:s1+s10], $0x80, s10, s10, $0xb8;
	[tilespmem:$0xC990] =	vst v63  }
0x33: {  	_ =	swait.ge [sflag:s13], $0x6400  }
0x34: {  	[sflag:s13] =	ssyncset.done $0x0  }
0x35: {  	[sflag:s13] =	ssyncadd.s32 $0xFFFF9C00  }
0x36: {  	_ =	swait.ge [sflag:s14], $0x6400  }
0x37: {  	[sflag:s14] =	ssyncset.done $0x0  }
0x38: {  	[sflag:s14] =	ssyncadd.s32 $0xFFFF9C00  }
0x39: {  	[hbm4b:s17+s3] =	stream.linear.scatter [tilespmem:s11], [sflag:$0x3], $0x6400, $0x38;
	[tilespmem:$0xC990] =	vst v63  }
0x3a: {  	_ =	swait.ge [sflag:s9], $0x6400  }
.Ltmp0:
0x3b: {  	[sflag:s9] =	ssyncset.done $0x0;
	(pc) =	sbr.rel @p0 .LBB2_2-.Ltmp0, $4  }
0x3c: {  	[sflag:s9] =	ssyncadd.s32 $0xFFFF9C00  }
0x3d: {  	[hbm4b:s16+s3] =	stream.linear.scatter [tilespmem:s12], [sflag:$0x3], $0x6400, $0x38;
	[tilespmem:$0xC990] =	vst v63  }
0x3e: {  	s19 =	smov.u32 s22;
	_ =	swait.ge [sflag:s9], $0x6400  }
0x3f: {  	s17 =	sadd.s32 $0xC80, s17;
	s16 =	sadd.s32 $0xC80, s16;
	[sflag:s9] =	ssyncset.done $0x0  }
0x40: {  	s19 =	sadd.s32 s18, s8;
	[sflag:s9] =	ssyncadd.s32 $0xFFFF9C00  }
0x41: {  	[tilespmem:s3], [sflag:$0x3] =	stream.linear.gather [hbm4b:s19+s3], $0xC8, $0x38;
	[tilespmem:$0xC990] =	vst v63  }
0x42: {  	_ =	swait.ge [sflag:s9], $0xC8  }
0x43: {  	[sflag:s9] =	ssyncset.done $0x0  }
0x44: {  	s31 =	sadd.s32 s18, s7;
	[sflag:s9] =	ssyncadd.s32 $0xFFFFFF38  }
0x45: {  	[tilespmem:s10], [sflag:$0x3] =	stream.linear.gather [hbm4b:s31+s3], $0xC8, $0x38;
	[tilespmem:$0xC990] =	vst v63  }
0x46: {  	_ =	swait.ge [sflag:s9], $0xC8  }
0x47: {  	[sflag:s9] =	ssyncset.done $0x0  }
0x48: {  	[sflag:s9] =	ssyncadd.s32 $0xFFFFFF38  }
0x49: {  	[tilespmem:s11], [sflag:$0x1] =	stream.indirect.gather [hbm4b:s1+s10], $0x80, s3, s10, $0xb8;
	[tilespmem:$0xC990] =	vst v63  }
0x4a: {  	_ = 	snop  }
0x4b: {  	[tilespmem:s12], [sflag:$0x2] =	stream.indirect.gather [hbm4b:s1+s10], $0x80, s10, s10, $0xb8;
	[tilespmem:$0xC990] =	vst v63  }
0x4c: {  	_ =	swait.ge [sflag:s13], $0x6400  }
0x4d: {  	[sflag:s13] =	ssyncset.done $0x0  }
0x4e: {  	[sflag:s13] =	ssyncadd.s32 $0xFFFF9C00  }
0x4f: {  	_ =	swait.ge [sflag:s14], $0x6400  }
0x50: {  	[sflag:s14] =	ssyncset.done $0x0  }
0x51: {  	[sflag:s14] =	ssyncadd.s32 $0xFFFF9C00  }
0x52: {  	[hbm4b:s17+s3] =	stream.linear.scatter [tilespmem:s11], [sflag:$0x3], $0x6400, $0x38;
	[tilespmem:$0xC990] =	vst v63  }
0x53: {  	s15 =	sadd.s32 $0x1, s15;
	_ =	swait.ge [sflag:s9], $0x6400  }
0x54: {  	p0 =	sne.s32 s15, s4;
	[sflag:s9] =	ssyncset.done $0x0  }
.Ltmp1:
0x55: {  	[sflag:s9] =	ssyncadd.s32 $0xFFFF9C00;
	(pc) =	sbr.rel @p0 .LBB2_1-.Ltmp1, $4  }
0x56: {  	[hbm4b:s16+s3] =	stream.linear.scatter [tilespmem:s12], [sflag:$0x3], $0x6400, $0x38;
	[tilespmem:$0xC990] =	vst v63  }
0x57: {  	_ =	swait.ge [sflag:s9], $0x6400  }
0x58: {  	[sflag:s9] =	ssyncset.done $0x0  }
0x59: {  	[sflag:s9] =	ssyncadd.s32 $0xFFFF9C00  }
0x5a: {  	_ =	sfence.sel $0x180000  }
0x5b: {  	[bflag:$0x0] =	sbarrier.arrive $0xFFFF  }
0x5c: {  	p0 =	sne.s32 s2, $0x0;
	_ =	strace $0x9000004A  }
0x5d: {  	s0 =	sadd.s32 @!p0 $0x100000, s0;
	[bflag:$0x2] =	sbarrier.arrive $0xFFFF  }
0x5e: {  	[sflag:s0] =	ssyncadd.tile.s32 @!p0 $0x1;
	_ =	shalt  }
.Lfunc_end2:
_tile_overlayer_lowered:
.L_overlay_start_2:
0x5f: {  	(tag) =	ssettag $0x2  }
0x60: {  	s0 =	rddreg [dreg:$0x0];
	s2 =	stileid.u32  }
0x61: {  	s1 =	rddreg [dreg:$0x1];
	p0 =	sne.s32 s2, $0x0  }
0x62: {  	s3 =	rddreg [dreg:$0x2];
	[bflag:$0x3] =	sbarrier.arrive $0xFFFF;
	s2 =	simm.s32 @!p0 $0x1C03  }
0x63: {  	[timem:s3], [sflag:s2] =	dma.local @!p0 [hbm:s0], s1  }
0x64: {  	s0 =	simm.s32 @!p0 $0x3  }
0x65: {  	_ =	swait.ge @!p0 [sflag:s0], s1  }
0x66: {  	s1 =	ssub.s32 @!p0 $0x0, s1;
	[sflag:s0] =	ssyncset.done @!p0 $0x0  }
0x67: {  	[sflag:s0] =	ssyncadd.s32 @!p0 s1  }
0x68: {  	[bflag:$0x3] =	sbarrier.arrive $0xFFFF  }
0x69: {  	_ =	shalt  }

// kernel: kernel.19.cloned.1.call-start
scs
__scs_entry_jumppad:
0x0: {  	(pc) =	sbr.rel $0x88, $3  }
0x1: {  	(tag) =	ssettag $0x0;
	lr =	simm.s32 $0x1  }
0x2: {  	[smem:$0x3F98] =	sst lr;
	_ =	strace $0xD0000000  }
0x3: {  	_ = 	snop  }
0x4: {  	_ = 	snop  }
0x5: {  	_ = 	snop  }
0x6: {  	_ = 	snop  }
0x7: {  	_ = 	snop  }
__scs_overlays_trampoline_lowered:
0x8: {  	[smem:$0x3FA7] =	sst s0  }
0x9: {  	[smem:$0x3FA8] =	sst s1  }
0xa: {  	[smem:$0x3FA9] =	sst s2  }
0xb: {  	[smem:$0x3FAA] =	sst s3  }
0xc: {  	[smem:$0x3FAB] =	sst s4  }
0xd: {  	[smem:$0x3FAC] =	sst s5  }
0xe: {  	[smem:$0x3FAD] =	sst s6  }
0xf: {  	[smem:$0x3FAE] =	sst s7  }
0x10: {  	[smem:$0x3FAF] =	sst s8  }
0x11: {  	[smem:$0x3FB0] =	sst s9;
	s0 =	simm.s32 @!p0 $0x0  }
0x12: {  	s1 =	sld [smem:$0x3F96];
	s0 =	simm.s32 @p0 $0x1  }
0x13: {  	[smem:$0x3FB1] =	sst s0;
	s0 =	simm.s32 @!p1 $0x0  }
0x14: {  	s2 =	sld [smem:$0x3F95];
	s0 =	simm.s32 @p1 $0x1  }
0x15: {  	[smem:$0x3FB2] =	sst s0;
	s0 =	simm.s32 @!p2 $0x0  }
0x16: {  	s3 =	sld [smem:$0x3FDB];
	s0 =	simm.s32 @p2 $0x1  }
0x17: {  	s4 =	simm.s32 $0x1BF5;
	[smem:$0x3FB4] =	sst s0  }
0x18: {  	s0 =	sld [smem:$0x3F97];
	_ =	swait.ge [sflag:s4], $0x0  }
0x19: {  	s7 =	sld [smem:$0x3F98]  }
0x1a: {  	s8 =	sadd.s32 $0xFFFFE003, lr  }
0x1b: {  	s9 =	sadd.s32 $0xFFFFFEF7, lr;
	s5 =	simm.s32 $0xFFFFFFFF;
	p2 =	slt.u32 s8, $0xFFFFF086  }
0x1c: {  	p1 =	slt.u32 s9, $0xF7A;
	s5 =	simm.s32 @!p2 $0x0  }
0x1d: {  	s5 =	simm.s32 @p1 $0x1;
	p0 =	seq.s32 s7, s2  }
0x1e: {  	s7 =	smul.u32 @!p0 $0xF7A, s2;
	p2 =	seq.s32 @!p0 s5, $0x0  }
0x1f: {  	s9 =	smul.u32 $0xF7A, s1;
	s8 =	simm.s32 @!p0 $0x1BF5;
	p2 =	por !p2, p0  }
0x20: {  	[sflag:s8] =	ssyncset.s32 @!p0 $0xFFFFF086;
	s6 =	sadd.s32 @!p0 s3, s7;
	s7 =	simm.s32 @!p0 $0x108  }
0x21: {  	s3 =	sadd.s32 s3, s9;
	s6 =	sadd.s32 @!p0 $0x88, s6;
	s7 =	simm.s32 @p2 $0x1082  }
0x22: {  	[simem:s7], [sflag:s8] =	dma.local @!p0 [hbm:s6], $0xF7A  }
0x23: {  	s9 =	sor.u32 $0xD0000000, s2;
	s6 =	simm.s32 $0x108;
	_ =	swait.ge @!p0 [sflag:s8], $0x0  }
0x24: {  	s3 =	sadd.s32 $0x88, s3;
	s6 =	simm.s32 @!p1 $0x1082;
	[sflag:s4] =	ssyncset.s32 $0xFFFFF086  }
0x25: {  	[simem:s6], [sflag:s4] =	dma.local [hbm:s3], $0xF7A  }
0x26: {  	[smem:$0x3F98] =	sst s1;
	(tag) =	ssettag s2;
	_ =	strace s9  }
0x27: {  	s1 =	sld [smem:$0x3FA8]  }
0x28: {  	s2 =	sld [smem:$0x3FA9]  }
0x29: {  	s4 =	sld [smem:$0x3FAB]  }
0x2a: {  	p0 =	seq.s32 s5, $0x0;
	s5 =	sld [smem:$0x3FAC]  }
0x2b: {  	s6 =	sld [smem:$0x3FAD]  }
0x2c: {  	s7 =	sld [smem:$0x3FAE]  }
0x2d: {  	s3 =	simm.s32 $0x108;
	s8 =	sld [smem:$0x3FAF]  }
0x2e: {  	s3 =	simm.s32 @!p0 $0x1082;
	s9 =	sld [smem:$0x3FB0]  }
0x2f: {  	lr =	sadd.s32 s0, s3;
	s0 =	sld [smem:$0x3FA7]  }
0x30: {  	s3 =	sld [smem:$0x3FAA]  }
0x31: {  	[smem:$0x3FB3] =	sst s10  }
0x32: {  	s10 =	sld [smem:$0x3FB1];
	_ =	sdelay $0x3  }
0x33: {  	p0 =	seq.s32 s10, $0x1;
	s10 =	sld [smem:$0x3FB3];
	_ =	sdelay $0x3  }
0x34: {  	[smem:$0x3FB3] =	sst s10  }
0x35: {  	s10 =	sld [smem:$0x3FB2];
	_ =	sdelay $0x3  }
0x36: {  	p1 =	seq.s32 s10, $0x1;
	s10 =	sld [smem:$0x3FB3];
	_ =	sdelay $0x3  }
0x37: {  	[smem:$0x3FB3] =	sst s10  }
0x38: {  	s10 =	sld [smem:$0x3FB4]  }
0x39: {  	_ = 	snop;
	(pc) =	sbr.ind lr, $3  }
0x3a: {  	_ = 	snop  }
0x3b: {  	_ = 	snop  }
0x3c: {  	p2 =	seq.s32 s10, $0x1;
	s10 =	sld [smem:$0x3FB3]  }
0x3d: {  	_ =	shalt  }
0x3e: {  	_ =	shalt  }
0x3f: {  	_ =	shalt  }
0x40: {  	_ =	shalt  }
0x41: {  	_ =	shalt  }
0x42: {  	_ =	shalt  }
0x43: {  	_ =	shalt  }
0x44: {  	_ =	shalt  }
0x45: {  	_ =	shalt  }
0x46: {  	_ =	shalt  }
0x47: {  	_ =	shalt  }
0x48: {  	_ =	shalt  }
0x49: {  	_ =	shalt  }
0x4a: {  	_ =	shalt  }
0x4b: {  	_ =	shalt  }
0x4c: {  	_ =	shalt  }
0x4d: {  	_ =	shalt  }
0x4e: {  	_ =	shalt  }
0x4f: {  	_ =	shalt  }
0x50: {  	_ =	shalt  }
0x51: {  	_ =	shalt  }
0x52: {  	_ =	shalt  }
0x53: {  	_ =	shalt  }
0x54: {  	_ =	shalt  }
0x55: {  	_ =	shalt  }
0x56: {  	_ =	shalt  }
0x57: {  	_ =	shalt  }
0x58: {  	_ =	shalt  }
0x59: {  	_ =	shalt  }
0x5a: {  	_ =	shalt  }
0x5b: {  	_ =	shalt  }
0x5c: {  	_ =	shalt  }
0x5d: {  	_ =	shalt  }
0x5e: {  	_ =	shalt  }
0x5f: {  	_ =	shalt  }
0x60: {  	_ =	shalt  }
0x61: {  	_ =	shalt  }
0x62: {  	_ =	shalt  }
0x63: {  	_ =	shalt  }
0x64: {  	_ =	shalt  }
0x65: {  	_ =	shalt  }
0x66: {  	_ =	shalt  }
0x67: {  	_ =	shalt  }
0x68: {  	_ =	shalt  }
0x69: {  	_ =	shalt  }
0x6a: {  	_ =	shalt  }
0x6b: {  	_ =	shalt  }
0x6c: {  	_ =	shalt  }
0x6d: {  	_ =	shalt  }
0x6e: {  	_ =	shalt  }
0x6f: {  	_ =	shalt  }
0x70: {  	_ =	shalt  }
0x71: {  	_ =	shalt  }
0x72: {  	_ =	shalt  }
0x73: {  	_ =	shalt  }
0x74: {  	_ =	shalt  }
0x75: {  	_ =	shalt  }
0x76: {  	_ =	shalt  }
0x77: {  	_ =	shalt  }
0x78: {  	_ =	shalt  }
0x79: {  	_ =	shalt  }
0x7a: {  	_ =	shalt  }
0x7b: {  	_ =	shalt  }
0x7c: {  	_ =	shalt  }
0x7d: {  	_ =	shalt  }
0x7e: {  	_ =	shalt  }
0x7f: {  	_ =	shalt  }
0x80: {  	_ =	shalt  }
0x81: {  	_ =	shalt  }
0x82: {  	_ =	shalt  }
0x83: {  	_ =	shalt  }
0x84: {  	_ =	shalt  }
0x85: {  	_ =	shalt  }
0x86: {  	_ =	shalt  }
0x87: {  	_ =	shalt  }
.Lfunc_end0:
.L_simem_size_0:
called_computation.2_lowered:
.L_overlay_start_0:
0x88: {  	s2 =	sld [smem:$0x3FD9]  }
0x89: {  	s3 =	sld [smem:$0x3FFE];
	_ =	sdelay $0x1  }
0x8a: {  	s1 =	srdreg.scid  }
0x8b: {  	s0 =	sand.u32 $0x1, s1  }
0x8c: {  	s17 =	sshll.u32 s0, $0xA;
	s2 =	sadd.s32 s3, s2  }
0x8d: {  	s2 =	sadd.s32 s2, s17  }
0x8e: {  	[smem:$0x3FBF] =	sst s2  }
0x8f: {  	_ = 	snop  }
0x90: {  	s18 =	sld [smem:$0x3FD0];
	(tm) =	ssettm $0x1  }
0x91: {  	s19 =	sld [smem:$0x3FFB];
	_ =	sdelay $0x3  }
0x92: {  	_ =	strace s19  }
0x93: {  	s2 =	sld [smem:$0x3FFC];
	_ =	sdelay $0x3  }
0x94: {  	_ =	strace s2  }
0x95: {  	s2 =	sld [smem:$0x3FFD];
	_ =	sdelay $0x3  }
0x96: {  	_ =	strace s2  }
0x97: {  	_ =	strace $0x8FFFFFFF  }
0x98: {  	s20 =	sld [smem:$0x3FDB];
	_ =	sdelay $0x1  }
0x99: {  	s4 =	simm.s32 $_scs_section_size  }
0x9a: {  	s5 =	simm.s32 $_size__tile_overlayer_lowered;
	s6 =	simm.s32 $_tile_overlayer_lowered  }
0x9b: {  	s7 =	simm.s32 $0x1BFF;
	s21 =	sshll.u32 s6, $0x1;
	s4 =	sadd.s32 s4, s20  }
0x9c: {  	s22 =	simm.s32 $0x0;
	s5 =	sshll.u32 s5, $0x1;
	s6 =	sadd.s32 s21, s4  }
0x9d: {  	[timem:s22], [sflag:s7] =	dma.local [hbm:s6], s5  }
0x9e: {  	_ =	swait.ge [sflag:s7], s5  }
0x9f: {  	s5 =	ssub.s32 $0x0, s5;
	[sflag:s7] =	ssyncset.done $0x0  }
0xa0: {  	[sflag:s7] =	ssyncadd.s32 s5;
	_ =	sdelay $0x1  }
0xa1: {  	s23 =	simm.s32 $0x1B8B  }
0xa2: {  	_ =	swait.ge [sflag:s23], $0x1  }
0xa3: {  	[sflag:s23] =	ssyncset.done $0x0  }
0xa4: {  	[sflag:s23] =	ssyncadd.s32 $0xFFFFFFFF  }
0xa5: {  	s5 =	sld [smem:$0x0]  }
0xa6: {  	s6 =	sand.u32 $0xFFFFFFFE, s1  }
0xa7: {  	p0 =	sne.s32 s1, s6  }
0xa8: {  	s6 =	sshll.u32 @p0 s6, $0xE  }
0xa9: {  	s6 =	sadd.s32 @p0 $0x11B8D, s6;
	s7 =	sshll.u32 @p0 s5, $0x11  }
0xaa: {  	s6 =	sor.u32 @p0 s7, s6  }
0xab: {  	[sflag:s6] =	ssyncadd.remote.s32 @p0 $0x1;
	_ =	sdelay $0x1  }
0xac: {  	s6 =	simm.s32 @p0 $0x1B8D  }
0xad: {  	_ =	swait.eq @p0 [sflag:s6], $0x1  }
0xae: {  	[sflag:s6] =	ssyncadd.s32 @p0 $0xFFFFFFFF  }
0xaf: {  	s7 =	sshll.u32 @!p0 s1, $0xE  }
0xb0: {  	s7 =	sor.u32 @!p0 $0x4000, s7;
	s6 =	simm.s32 @!p0 $0x1B8D  }
0xb1: {  	s5 =	sshll.u32 @!p0 s5, $0x11;
	s7 =	sadd.s32 @!p0 $0x11B8D, s7;
	_ =	swait.eq @!p0 [sflag:s6], $0x1  }
0xb2: {  	s5 =	sor.u32 @!p0 s5, s7;
	[sflag:s6] =	ssyncadd.s32 @!p0 $0xFFFFFFFF  }
0xb3: {  	s25 =	simm.s32 $0x1B8E;
	s24 =	sld [smem:$0x3FFE];
	[sflag:s5] =	ssyncadd.remote.s32 @!p0 $0x1  }
0xb4: {  	s26 =	simm.s32 $execute0_lowered;
	[smem:$0x3FD2] =	sst s25  }
0xb5: {  	s6 =	sshll.u32 s26, $0x1;
	_ =	strace $0x8000004C;
	[dreg:$0x1] =	wrdreg $0xFFFFFFFF  }
0xb6: {  	s28 =	simm.s32 $_size_execute0_lowered;
	s4 =	sadd.s32 s4, s6;
	[dreg:$0x0] =	wrdreg $0x0  }
0xb7: {  	s6 =	sshll.u32 s28, $0x1;
	[dreg:$0x2] =	wrdreg s4  }
0xb8: {  	[dreg:$0x3] =	wrdreg s6  }
0xb9: {  	[dreg:$0x4] =	wrdreg $0xC0  }
0xba: {  	_ =	task [dreg:s22], $0x5FFFF  }
0xbb: {  	[dreg:$0x1] =	wrdreg $0xFFFFFFFF  }
0xbc: {  	[dreg:$0x0] =	wrdreg $0x60  }
0xbd: {  	[dreg:$0x2] =	wrdreg s18  }
0xbe: {  	[dreg:$0x3] =	wrdreg s24  }
0xbf: {  	[dreg:$0x4] =	wrdreg $0x9  }
0xc0: {  	_ =	task.clear_ibuf [dreg:s22], $0x5FFFF;
	_ =	strace $0x9000004C  }
0xc1: {  	s29 =	simm.s32 $0x9;
	_ =	strace $0x8000004E  }
0xc2: {  	_ =	swait.ge [sflag:s29], $0x1  }
0xc3: {  	[sflag:s29] =	ssyncadd.s32 $0xFFFFFFFF  }
0xc4: {  	_ =	strace $0x9000004E  }
0xc5: {  	_ =	sfence  }
0xc6: {  	s30 =	sld [smem:$0x0];
	_ =	sdelay $0x2  }
0xc7: {  	s31 =	sshll.u32 s1, $0xD;
	s1 =	sshrl.u32 s1, $0x2  }
0xc8: {  	s4 =	sand.u32 $0x4000, s31;
	s1 =	sadd.s32 s1, s30  }
0xc9: {  	s0 =	sor.u32 s4, s0;
	s1 =	sshll.u32 s1, $0x11  }
0xca: {  	s0 =	sor.u32 s1, s0  }
0xcb: {  	s0 =	sadd.s32 $0x8F2B, s0  }
0xcc: {  	[sflag:s0] =	ssyncadd.remote.s32 $0x1  }
0xcd: {  	_ =	sfence.sel $0xFFFF  }
0xce: {  	[dreg:$0x0] =	wrdreg $0xFFFFFFFF;
	(pc) =	sbr.abs _section_cstart, $3  }
0xcf: {  	[dreg:$0x1] =	wrdreg $0xFFFFFFFF  }
0xd0: {  	_ =	task.clear_ibuf [dreg:s22], $0x2FFFF;
	_ =	strace $0x9FFFFFFF  }
0xd1: {  	(tm) =	ssettm $0x7FFFFFFF  }
tec
execute0_lowered:
.L_overlay_start_1:
0x0: {  	(tag) =	ssettag $0x1  }
0x1: {  	s1 =	rddreg [dreg:$0x0]  }
0x2: {  	s4 =	rddreg [dreg:$0x1];
	s2 =	srdreg.scid  }
0x3: {  	s0 =	rddreg [dreg:$0x2];
	s3 =	simm.s32 $0x0;
	s11 =	simm.s32 $0x190  }
0x4: {  	s12 =	simm.s32 $0x6590;
	s13 =	simm.s32 $0x1;
	s5 =	sand.u32 $0x1, s2  }
0x5: {  	s14 =	simm.s32 $0x2;
	s2 =	stileid.u32;
	s6 =	smul.u32 $0x7D00, s5  }
0x6: {  	s15 =	simm.s32 $0x0;
	[smem:$0x7FF] =	sst s3;
	s7 =	smul.u32 $0x7D0, s2  }
0x7: {  	_ =	strace $0x8000004D;
	s8 =	smul.u32 $0x7D000, s5;
	s5 =	ssub.s32 $0x2, s5  }
0x8: {  	s29 =	smul.u32 $0x7D00, s2;
	s9 =	sshrl.u32 s5, $0x1;
	s6 =	sadd.s32 s7, s6  }
0x9: {  	s8 =	sadd.s32 s8, s4;
	s30 =	ssub.s32 s5, s9;
	s6 =	sshrl.u32 s6, $0x3  }
0xa: {  	s9 =	simm.s32 $0x3;
	s31 =	sadd.s32 s29, s8;
	s10 =	sadd.s32 s6, s4  }
0xb: {  	s4 =	smax.u32 s30, $0x1;
	s5 =	sadd.s32 $0x8E4000, s31;
	s6 =	sadd.s32 $0x7EA000, s31  }
0xc: {  	s7 =	sadd.s32 $0x7E8000, s10;
	s8 =	sadd.s32 $0x7E6000, s10;
	s10 =	simm.s32 $0xC8  }
.LBB2_1:
0xd: {  	s16 =	sadd.s32 $0x0, s8  }
0xe: {  	[tilespmem:s3], [sflag:$0x3] =	stream.linear.gather [hbm4b:s16+s3], $0xC8, $0x38;
	[tilespmem:$0xC990] =	vst v63  }
0xf: {  	_ =	swait.ge [sflag:s9], $0xC8  }
0x10: {  	[sflag:s9] =	ssyncset.done $0x0  }
0x11: {  	s31 =	sadd.s32 $0x0, s7;
	[sflag:s9] =	ssyncadd.s32 $0xFFFFFF38  }
0x12: {  	[tilespmem:s10], [sflag:$0x3] =	stream.linear.gather [hbm4b:s31+s3], $0xC8, $0x38;
	[tilespmem:$0xC990] =	vst v63  }
0x13: {  	_ =	swait.ge [sflag:s9], $0xC8  }
0x14: {  	[sflag:s9] =	ssyncset.done $0x0  }
0x15: {  	[sflag:s9] =	ssyncadd.s32 $0xFFFFFF38  }
0x16: {  	[tilespmem:s11], [sflag:$0x1] =	stream.indirect.gather [hbm4b:s1+s10], $0x80, s3, s10, $0xb8;
	[tilespmem:$0xC990] =	vst v63  }
0x17: {  	_ = 	snop  }
0x18: {  	[tilespmem:s12], [sflag:$0x2] =	stream.indirect.gather [hbm4b:s1+s10], $0x80, s10, s10, $0xb8;
	[tilespmem:$0xC990] =	vst v63  }
0x19: {  	_ =	swait.ge [sflag:s13], $0x6400  }
0x1a: {  	[sflag:s13] =	ssyncset.done $0x0  }
0x1b: {  	[sflag:s13] =	ssyncadd.s32 $0xFFFF9C00  }
0x1c: {  	_ =	swait.ge [sflag:s14], $0x6400  }
0x1d: {  	[sflag:s14] =	ssyncset.done $0x0  }
0x1e: {  	[sflag:s14] =	ssyncadd.s32 $0xFFFF9C00  }
0x1f: {  	[hbm4b:s6+s3] =	stream.linear.scatter [tilespmem:s11], [sflag:$0x3], $0x6400, $0x38;
	[tilespmem:$0xC990] =	vst v63  }
0x20: {  	_ =	swait.ge [sflag:s9], $0x6400  }
0x21: {  	[sflag:s9] =	ssyncset.done $0x0  }
0x22: {  	[sflag:s9] =	ssyncadd.s32 $0xFFFF9C00  }
0x23: {  	[hbm4b:s5+s3] =	stream.linear.scatter [tilespmem:s12], [sflag:$0x3], $0x6400, $0x38;
	[tilespmem:$0xC990] =	vst v63  }
0x24: {  	s18 =	simm.s32 $0x19;
	s19 =	simm.s32 $0x32;
	_ =	swait.ge [sflag:s9], $0x6400  }
0x25: {  	s17 =	sadd.s32 $0xC80, s6;
	s16 =	sadd.s32 $0xC80, s5;
	[sflag:s9] =	ssyncset.done $0x0  }
.LBB2_2:
0x26: {  	s20 =	sadd.s32 s18, s8  }
0x27: {  	[sflag:s9] =	ssyncadd.s32 $0xFFFF9C00;
	s21 =	smov.u32 s19;
	s22 =	sadd.s32 $0x19, s19  }
0x28: {  	[tilespmem:s3], [sflag:$0x3] =	stream.linear.gather [hbm4b:s20+s3], $0xC8, $0x38;
	[tilespmem:$0xC990] =	vst v63  }
0x29: {  	p0 =	sne.s32 s19, $0xE1;
	_ =	swait.ge [sflag:s9], $0xC8  }
0x2a: {  	[sflag:s9] =	ssyncset.done $0x0  }
0x2b: {  	s19 =	sadd.s32 s18, s7;
	s18 =	smov.u32 s21;
	[sflag:s9] =	ssyncadd.s32 $0xFFFFFF38  }
0x2c: {  	[tilespmem:s10], [sflag:$0x3] =	stream.linear.gather [hbm4b:s19+s3], $0xC8, $0x38;
	[tilespmem:$0xC990] =	vst v63  }
0x2d: {  	_ =	swait.ge [sflag:s9], $0xC8  }
0x2e: {  	[sflag:s9] =	ssyncset.done $0x0  }
0x2f: {  	[sflag:s9] =	ssyncadd.s32 $0xFFFFFF38  }
0x30: {  	[tilespmem:s11], [sflag:$0x1] =	stream.indirect.gather [hbm4b:s1+s10], $0x80, s3, s10, $0xb8;
	[tilespmem:$0xC990] =	vst v63  }
0x31: {  	_ = 	snop  }
0x32: {  	[tilespmem:s12], [sflag:$0x2] =	stream.indirect.gather [hbm4b:s1+s10], $0x80, s10, s10, $0xb8;
	[tilespmem:$0xC990] =	vst v63  }
0x33: {  	_ =	swait.ge [sflag:s13], $0x6400  }
0x34: {  	[sflag:s13] =	ssyncset.done $0x0  }
0x35: {  	[sflag:s13] =	ssyncadd.s32 $0xFFFF9C00  }
0x36: {  	_ =	swait.ge [sflag:s14], $0x6400  }
0x37: {  	[sflag:s14] =	ssyncset.done $0x0  }
0x38: {  	[sflag:s14] =	ssyncadd.s32 $0xFFFF9C00  }
0x39: {  	[hbm4b:s17+s3] =	stream.linear.scatter [tilespmem:s11], [sflag:$0x3], $0x6400, $0x38;
	[tilespmem:$0xC990] =	vst v63  }
0x3a: {  	_ =	swait.ge [sflag:s9], $0x6400  }
.Ltmp0:
0x3b: {  	[sflag:s9] =	ssyncset.done $0x0;
	(pc) =	sbr.rel @p0 .LBB2_2-.Ltmp0, $4  }
0x3c: {  	[sflag:s9] =	ssyncadd.s32 $0xFFFF9C00  }
0x3d: {  	[hbm4b:s16+s3] =	stream.linear.scatter [tilespmem:s12], [sflag:$0x3], $0x6400, $0x38;
	[tilespmem:$0xC990] =	vst v63  }
0x3e: {  	s19 =	smov.u32 s22;
	_ =	swait.ge [sflag:s9], $0x6400  }
0x3f: {  	s17 =	sadd.s32 $0xC80, s17;
	s16 =	sadd.s32 $0xC80, s16;
	[sflag:s9] =	ssyncset.done $0x0  }
0x40: {  	s19 =	sadd.s32 s18, s8;
	[sflag:s9] =	ssyncadd.s32 $0xFFFF9C00  }
0x41: {  	[tilespmem:s3], [sflag:$0x3] =	stream.linear.gather [hbm4b:s19+s3], $0xC8, $0x38;
	[tilespmem:$0xC990] =	vst v63  }
0x42: {  	_ =	swait.ge [sflag:s9], $0xC8  }
0x43: {  	[sflag:s9] =	ssyncset.done $0x0  }
0x44: {  	s31 =	sadd.s32 s18, s7;
	[sflag:s9] =	ssyncadd.s32 $0xFFFFFF38  }
0x45: {  	[tilespmem:s10], [sflag:$0x3] =	stream.linear.gather [hbm4b:s31+s3], $0xC8, $0x38;
	[tilespmem:$0xC990] =	vst v63  }
0x46: {  	_ =	swait.ge [sflag:s9], $0xC8  }
0x47: {  	[sflag:s9] =	ssyncset.done $0x0  }
0x48: {  	[sflag:s9] =	ssyncadd.s32 $0xFFFFFF38  }
0x49: {  	[tilespmem:s11], [sflag:$0x1] =	stream.indirect.gather [hbm4b:s1+s10], $0x80, s3, s10, $0xb8;
	[tilespmem:$0xC990] =	vst v63  }
0x4a: {  	_ = 	snop  }
0x4b: {  	[tilespmem:s12], [sflag:$0x2] =	stream.indirect.gather [hbm4b:s1+s10], $0x80, s10, s10, $0xb8;
	[tilespmem:$0xC990] =	vst v63  }
0x4c: {  	_ =	swait.ge [sflag:s13], $0x6400  }
0x4d: {  	[sflag:s13] =	ssyncset.done $0x0  }
0x4e: {  	[sflag:s13] =	ssyncadd.s32 $0xFFFF9C00  }
0x4f: {  	_ =	swait.ge [sflag:s14], $0x6400  }
0x50: {  	[sflag:s14] =	ssyncset.done $0x0  }
0x51: {  	[sflag:s14] =	ssyncadd.s32 $0xFFFF9C00  }
0x52: {  	[hbm4b:s17+s3] =	stream.linear.scatter [tilespmem:s11], [sflag:$0x3], $0x6400, $0x38;
	[tilespmem:$0xC990] =	vst v63  }
0x53: {  	s15 =	sadd.s32 $0x1, s15;
	_ =	swait.ge [sflag:s9], $0x6400  }
0x54: {  	p0 =	sne.s32 s15, s4;
	[sflag:s9] =	ssyncset.done $0x0  }
.Ltmp1:
0x55: {  	[sflag:s9] =	ssyncadd.s32 $0xFFFF9C00;
	(pc) =	sbr.rel @p0 .LBB2_1-.Ltmp1, $4  }
0x56: {  	[hbm4b:s16+s3] =	stream.linear.scatter [tilespmem:s12], [sflag:$0x3], $0x6400, $0x38;
	[tilespmem:$0xC990] =	vst v63  }
0x57: {  	_ =	swait.ge [sflag:s9], $0x6400  }
0x58: {  	[sflag:s9] =	ssyncset.done $0x0  }
0x59: {  	[sflag:s9] =	ssyncadd.s32 $0xFFFF9C00  }
0x5a: {  	_ =	sfence.sel $0x180000  }
0x5b: {  	[bflag:$0x0] =	sbarrier.arrive $0xFFFF  }
0x5c: {  	p0 =	sne.s32 s2, $0x0;
	_ =	strace $0x9000004D  }
0x5d: {  	s0 =	sadd.s32 @!p0 $0x100000, s0;
	[bflag:$0x2] =	sbarrier.arrive $0xFFFF  }
0x5e: {  	[sflag:s0] =	ssyncadd.tile.s32 @!p0 $0x1;
	_ =	shalt  }
.Lfunc_end2:
_tile_overlayer_lowered:
.L_overlay_start_2:
0x5f: {  	(tag) =	ssettag $0x2  }
0x60: {  	s0 =	rddreg [dreg:$0x0];
	s2 =	stileid.u32  }
0x61: {  	s1 =	rddreg [dreg:$0x1];
	p0 =	sne.s32 s2, $0x0  }
0x62: {  	s3 =	rddreg [dreg:$0x2];
	[bflag:$0x3] =	sbarrier.arrive $0xFFFF;
	s2 =	simm.s32 @!p0 $0x1C03  }
0x63: {  	[timem:s3], [sflag:s2] =	dma.local @!p0 [hbm:s0], s1  }
0x64: {  	s0 =	simm.s32 @!p0 $0x3  }
0x65: {  	_ =	swait.ge @!p0 [sflag:s0], s1  }
0x66: {  	s1 =	ssub.s32 @!p0 $0x0, s1;
	[sflag:s0] =	ssyncset.done @!p0 $0x0  }
0x67: {  	[sflag:s0] =	ssyncadd.s32 @!p0 s1  }
0x68: {  	[bflag:$0x3] =	sbarrier.arrive $0xFFFF  }
0x69: {  	_ =	shalt  }

// kernel: kernel.22.cloned.1.call-start
scs
__scs_entry_jumppad:
0x0: {  	(pc) =	sbr.rel $0x88, $3  }
0x1: {  	(tag) =	ssettag $0x0;
	lr =	simm.s32 $0x1  }
0x2: {  	[smem:$0x3F98] =	sst lr;
	_ =	strace $0xD0000000  }
0x3: {  	_ = 	snop  }
0x4: {  	_ = 	snop  }
0x5: {  	_ = 	snop  }
0x6: {  	_ = 	snop  }
0x7: {  	_ = 	snop  }
__scs_overlays_trampoline_lowered:
0x8: {  	[smem:$0x3FA7] =	sst s0  }
0x9: {  	[smem:$0x3FA8] =	sst s1  }
0xa: {  	[smem:$0x3FA9] =	sst s2  }
0xb: {  	[smem:$0x3FAA] =	sst s3  }
0xc: {  	[smem:$0x3FAB] =	sst s4  }
0xd: {  	[smem:$0x3FAC] =	sst s5  }
0xe: {  	[smem:$0x3FAD] =	sst s6  }
0xf: {  	[smem:$0x3FAE] =	sst s7  }
0x10: {  	[smem:$0x3FAF] =	sst s8  }
0x11: {  	[smem:$0x3FB0] =	sst s9;
	s0 =	simm.s32 @!p0 $0x0  }
0x12: {  	s1 =	sld [smem:$0x3F96];
	s0 =	simm.s32 @p0 $0x1  }
0x13: {  	[smem:$0x3FB1] =	sst s0;
	s0 =	simm.s32 @!p1 $0x0  }
0x14: {  	s2 =	sld [smem:$0x3F95];
	s0 =	simm.s32 @p1 $0x1  }
0x15: {  	[smem:$0x3FB2] =	sst s0;
	s0 =	simm.s32 @!p2 $0x0  }
0x16: {  	s3 =	sld [smem:$0x3FDB];
	s0 =	simm.s32 @p2 $0x1  }
0x17: {  	s4 =	simm.s32 $0x1BF5;
	[smem:$0x3FB4] =	sst s0  }
0x18: {  	s0 =	sld [smem:$0x3F97];
	_ =	swait.ge [sflag:s4], $0x0  }
0x19: {  	s7 =	sld [smem:$0x3F98]  }
0x1a: {  	s8 =	sadd.s32 $0xFFFFE003, lr  }
0x1b: {  	s9 =	sadd.s32 $0xFFFFFEF7, lr;
	s5 =	simm.s32 $0xFFFFFFFF;
	p2 =	slt.u32 s8, $0xFFFFF086  }
0x1c: {  	p1 =	slt.u32 s9, $0xF7A;
	s5 =	simm.s32 @!p2 $0x0  }
0x1d: {  	s5 =	simm.s32 @p1 $0x1;
	p0 =	seq.s32 s7, s2  }
0x1e: {  	s7 =	smul.u32 @!p0 $0xF7A, s2;
	p2 =	seq.s32 @!p0 s5, $0x0  }
0x1f: {  	s9 =	smul.u32 $0xF7A, s1;
	s8 =	simm.s32 @!p0 $0x1BF5;
	p2 =	por !p2, p0  }
0x20: {  	[sflag:s8] =	ssyncset.s32 @!p0 $0xFFFFF086;
	s6 =	sadd.s32 @!p0 s3, s7;
	s7 =	simm.s32 @!p0 $0x108  }
0x21: {  	s3 =	sadd.s32 s3, s9;
	s6 =	sadd.s32 @!p0 $0x88, s6;
	s7 =	simm.s32 @p2 $0x1082  }
0x22: {  	[simem:s7], [sflag:s8] =	dma.local @!p0 [hbm:s6], $0xF7A  }
0x23: {  	s9 =	sor.u32 $0xD0000000, s2;
	s6 =	simm.s32 $0x108;
	_ =	swait.ge @!p0 [sflag:s8], $0x0  }
0x24: {  	s3 =	sadd.s32 $0x88, s3;
	s6 =	simm.s32 @!p1 $0x1082;
	[sflag:s4] =	ssyncset.s32 $0xFFFFF086  }
0x25: {  	[simem:s6], [sflag:s4] =	dma.local [hbm:s3], $0xF7A  }
0x26: {  	[smem:$0x3F98] =	sst s1;
	(tag) =	ssettag s2;
	_ =	strace s9  }
0x27: {  	s1 =	sld [smem:$0x3FA8]  }
0x28: {  	s2 =	sld [smem:$0x3FA9]  }
0x29: {  	s4 =	sld [smem:$0x3FAB]  }
0x2a: {  	p0 =	seq.s32 s5, $0x0;
	s5 =	sld [smem:$0x3FAC]  }
0x2b: {  	s6 =	sld [smem:$0x3FAD]  }
0x2c: {  	s7 =	sld [smem:$0x3FAE]  }
0x2d: {  	s3 =	simm.s32 $0x108;
	s8 =	sld [smem:$0x3FAF]  }
0x2e: {  	s3 =	simm.s32 @!p0 $0x1082;
	s9 =	sld [smem:$0x3FB0]  }
0x2f: {  	lr =	sadd.s32 s0, s3;
	s0 =	sld [smem:$0x3FA7]  }
0x30: {  	s3 =	sld [smem:$0x3FAA]  }
0x31: {  	[smem:$0x3FB3] =	sst s10  }
0x32: {  	s10 =	sld [smem:$0x3FB1];
	_ =	sdelay $0x3  }
0x33: {  	p0 =	seq.s32 s10, $0x1;
	s10 =	sld [smem:$0x3FB3];
	_ =	sdelay $0x3  }
0x34: {  	[smem:$0x3FB3] =	sst s10  }
0x35: {  	s10 =	sld [smem:$0x3FB2];
	_ =	sdelay $0x3  }
0x36: {  	p1 =	seq.s32 s10, $0x1;
	s10 =	sld [smem:$0x3FB3];
	_ =	sdelay $0x3  }
0x37: {  	[smem:$0x3FB3] =	sst s10  }
0x38: {  	s10 =	sld [smem:$0x3FB4]  }
0x39: {  	_ = 	snop;
	(pc) =	sbr.ind lr, $3  }
0x3a: {  	_ = 	snop  }
0x3b: {  	_ = 	snop  }
0x3c: {  	p2 =	seq.s32 s10, $0x1;
	s10 =	sld [smem:$0x3FB3]  }
0x3d: {  	_ =	shalt  }
0x3e: {  	_ =	shalt  }
0x3f: {  	_ =	shalt  }
0x40: {  	_ =	shalt  }
0x41: {  	_ =	shalt  }
0x42: {  	_ =	shalt  }
0x43: {  	_ =	shalt  }
0x44: {  	_ =	shalt  }
0x45: {  	_ =	shalt  }
0x46: {  	_ =	shalt  }
0x47: {  	_ =	shalt  }
0x48: {  	_ =	shalt  }
0x49: {  	_ =	shalt  }
0x4a: {  	_ =	shalt  }
0x4b: {  	_ =	shalt  }
0x4c: {  	_ =	shalt  }
0x4d: {  	_ =	shalt  }
0x4e: {  	_ =	shalt  }
0x4f: {  	_ =	shalt  }
0x50: {  	_ =	shalt  }
0x51: {  	_ =	shalt  }
0x52: {  	_ =	shalt  }
0x53: {  	_ =	shalt  }
0x54: {  	_ =	shalt  }
0x55: {  	_ =	shalt  }
0x56: {  	_ =	shalt  }
0x57: {  	_ =	shalt  }
0x58: {  	_ =	shalt  }
0x59: {  	_ =	shalt  }
0x5a: {  	_ =	shalt  }
0x5b: {  	_ =	shalt  }
0x5c: {  	_ =	shalt  }
0x5d: {  	_ =	shalt  }
0x5e: {  	_ =	shalt  }
0x5f: {  	_ =	shalt  }
0x60: {  	_ =	shalt  }
0x61: {  	_ =	shalt  }
0x62: {  	_ =	shalt  }
0x63: {  	_ =	shalt  }
0x64: {  	_ =	shalt  }
0x65: {  	_ =	shalt  }
0x66: {  	_ =	shalt  }
0x67: {  	_ =	shalt  }
0x68: {  	_ =	shalt  }
0x69: {  	_ =	shalt  }
0x6a: {  	_ =	shalt  }
0x6b: {  	_ =	shalt  }
0x6c: {  	_ =	shalt  }
0x6d: {  	_ =	shalt  }
0x6e: {  	_ =	shalt  }
0x6f: {  	_ =	shalt  }
0x70: {  	_ =	shalt  }
0x71: {  	_ =	shalt  }
0x72: {  	_ =	shalt  }
0x73: {  	_ =	shalt  }
0x74: {  	_ =	shalt  }
0x75: {  	_ =	shalt  }
0x76: {  	_ =	shalt  }
0x77: {  	_ =	shalt  }
0x78: {  	_ =	shalt  }
0x79: {  	_ =	shalt  }
0x7a: {  	_ =	shalt  }
0x7b: {  	_ =	shalt  }
0x7c: {  	_ =	shalt  }
0x7d: {  	_ =	shalt  }
0x7e: {  	_ =	shalt  }
0x7f: {  	_ =	shalt  }
0x80: {  	_ =	shalt  }
0x81: {  	_ =	shalt  }
0x82: {  	_ =	shalt  }
0x83: {  	_ =	shalt  }
0x84: {  	_ =	shalt  }
0x85: {  	_ =	shalt  }
0x86: {  	_ =	shalt  }
0x87: {  	_ =	shalt  }
.Lfunc_end0:
.L_simem_size_0:
called_computation.3_lowered:
.L_overlay_start_0:
0x88: {  	s2 =	sld [smem:$0x3FD9]  }
0x89: {  	s3 =	sld [smem:$0x3FFE];
	_ =	sdelay $0x1  }
0x8a: {  	s1 =	srdreg.scid  }
0x8b: {  	s0 =	sand.u32 $0x1, s1  }
0x8c: {  	s17 =	sshll.u32 s0, $0xA;
	s2 =	sadd.s32 s3, s2  }
0x8d: {  	s2 =	sadd.s32 s2, s17  }
0x8e: {  	[smem:$0x3FBF] =	sst s2  }
0x8f: {  	_ = 	snop  }
0x90: {  	(tm) =	ssettm $0x1  }
0x91: {  	s18 =	sld [smem:$0x3FFB];
	_ =	sdelay $0x3  }
0x92: {  	_ =	strace s18  }
0x93: {  	s2 =	sld [smem:$0x3FFC];
	_ =	sdelay $0x3  }
0x94: {  	_ =	strace s2  }
0x95: {  	s2 =	sld [smem:$0x3FFD];
	_ =	sdelay $0x3  }
0x96: {  	_ =	strace s2  }
0x97: {  	_ =	strace $0x8FFFFFFF  }
0x98: {  	s19 =	sld [smem:$0x3FDB];
	_ =	sdelay $0x1  }
0x99: {  	s20 =	simm.s32 $_scs_section_size  }
0x9a: {  	s4 =	simm.s32 $_size__tile_overlayer_lowered;
	s5 =	simm.s32 $_tile_overlayer_lowered  }
0x9b: {  	s6 =	simm.s32 $0x1BFF;
	s21 =	sshll.u32 s5, $0x1;
	s3 =	sadd.s32 s20, s19  }
0x9c: {  	s22 =	simm.s32 $0x0;
	s4 =	sshll.u32 s4, $0x1;
	s5 =	sadd.s32 s21, s3  }
0x9d: {  	[timem:s22], [sflag:s6] =	dma.local [hbm:s5], s4  }
0x9e: {  	_ =	swait.ge [sflag:s6], s4  }
0x9f: {  	s4 =	ssub.s32 $0x0, s4;
	[sflag:s6] =	ssyncset.done $0x0  }
0xa0: {  	[sflag:s6] =	ssyncadd.s32 s4;
	_ =	sdelay $0x1  }
0xa1: {  	s23 =	simm.s32 $0x1B8B  }
0xa2: {  	_ =	swait.ge [sflag:s23], $0x1  }
0xa3: {  	[sflag:s23] =	ssyncset.done $0x0  }
0xa4: {  	[sflag:s23] =	ssyncadd.s32 $0xFFFFFFFF  }
0xa5: {  	s4 =	sld [smem:$0x0]  }
0xa6: {  	s5 =	sand.u32 $0xFFFFFFFE, s1  }
0xa7: {  	p0 =	sne.s32 s1, s5  }
0xa8: {  	s5 =	sshll.u32 @p0 s5, $0xE  }
0xa9: {  	s5 =	sadd.s32 @p0 $0x11B8D, s5;
	s6 =	sshll.u32 @p0 s4, $0x11  }
0xaa: {  	s5 =	sor.u32 @p0 s6, s5  }
0xab: {  	[sflag:s5] =	ssyncadd.remote.s32 @p0 $0x1;
	_ =	sdelay $0x1  }
0xac: {  	s5 =	simm.s32 @p0 $0x1B8D  }
0xad: {  	_ =	swait.eq @p0 [sflag:s5], $0x1  }
0xae: {  	[sflag:s5] =	ssyncadd.s32 @p0 $0xFFFFFFFF  }
0xaf: {  	s6 =	sshll.u32 @!p0 s1, $0xE  }
0xb0: {  	s6 =	sor.u32 @!p0 $0x4000, s6;
	s5 =	simm.s32 @!p0 $0x1B8D  }
0xb1: {  	s4 =	sshll.u32 @!p0 s4, $0x11;
	s6 =	sadd.s32 @!p0 $0x11B8D, s6;
	_ =	swait.eq @!p0 [sflag:s5], $0x1  }
0xb2: {  	s4 =	sor.u32 @!p0 s4, s6;
	[sflag:s5] =	ssyncadd.s32 @!p0 $0xFFFFFFFF  }
0xb3: {  	s25 =	simm.s32 $0x1B8E;
	s24 =	sld [smem:$0x3FFE];
	[sflag:s4] =	ssyncadd.remote.s32 @!p0 $0x1  }
0xb4: {  	s26 =	simm.s32 $execute0_lowered;
	[smem:$0x3FD2] =	sst s25  }
0xb5: {  	s5 =	sshll.u32 s26, $0x1;
	_ =	strace $0x8000004F;
	[dreg:$0x1] =	wrdreg $0xFFFFFFFF  }
0xb6: {  	s28 =	simm.s32 $_size_execute0_lowered;
	s3 =	sadd.s32 s3, s5;
	[dreg:$0x0] =	wrdreg $0x0  }
0xb7: {  	s5 =	sshll.u32 s28, $0x1;
	[dreg:$0x2] =	wrdreg s3  }
0xb8: {  	[dreg:$0x3] =	wrdreg s5  }
0xb9: {  	[dreg:$0x4] =	wrdreg $0xC0  }
0xba: {  	_ =	task [dreg:s22], $0x5FFFF  }
0xbb: {  	[dreg:$0x1] =	wrdreg $0xFFFFFFFF  }
0xbc: {  	[dreg:$0x0] =	wrdreg $0x60  }
0xbd: {  	[dreg:$0x2] =	wrdreg s24  }
0xbe: {  	[dreg:$0x3] =	wrdreg $0x71480  }
0xbf: {  	[dreg:$0x4] =	wrdreg $0x1A9C80  }
0xc0: {  	[dreg:$0x5] =	wrdreg $0xA  }
0xc1: {  	_ =	task.clear_ibuf [dreg:s22], $0x6FFFF;
	_ =	strace $0x9000004F  }
0xc2: {  	s29 =	simm.s32 $0xA;
	_ =	strace $0x80000051  }
0xc3: {  	_ =	swait.ge [sflag:s29], $0x1  }
0xc4: {  	[sflag:s29] =	ssyncadd.s32 $0xFFFFFFFF  }
0xc5: {  	_ =	strace $0x90000051  }
0xc6: {  	_ =	sfence  }
0xc7: {  	s30 =	sld [smem:$0x0];
	_ =	sdelay $0x2  }
0xc8: {  	s31 =	sshll.u32 s1, $0xD;
	s1 =	sshrl.u32 s1, $0x2  }
0xc9: {  	s4 =	sand.u32 $0x4000, s31;
	s1 =	sadd.s32 s1, s30  }
0xca: {  	s0 =	sor.u32 s4, s0;
	s1 =	sshll.u32 s1, $0x11  }
0xcb: {  	s0 =	sor.u32 s1, s0  }
0xcc: {  	s0 =	sadd.s32 $0x8F2B, s0  }
0xcd: {  	[sflag:s0] =	ssyncadd.remote.s32 $0x1  }
0xce: {  	_ =	sfence.sel $0xFFFF  }
0xcf: {  	[dreg:$0x0] =	wrdreg $0xFFFFFFFF;
	(pc) =	sbr.abs _section_cstart, $3  }
0xd0: {  	[dreg:$0x1] =	wrdreg $0xFFFFFFFF  }
0xd1: {  	_ =	task.clear_ibuf [dreg:s22], $0x2FFFF;
	_ =	strace $0x9FFFFFFF  }
0xd2: {  	(tm) =	ssettm $0x7FFFFFFF  }
0xd3: {  	_ =	shalt  }
tec
execute0_lowered:
.L_overlay_start_1:
0x0: {  	(tag) =	ssettag $0x1  }
0x1: {  	s1 =	stileid.u32  }
0x2: {  	s9 =	smul.u32 $0xFA0, s1  }
0x3: {  	s22 =	smul.u32 $0x13880, s1  }
0x4: {  	s24 =	smul.u32 $0x2710, s1  }
0x5: {  	s0 =	srdreg.scid;
	s19 =	smul.u32 $0x1F40, s1  }
0x6: {  	s5 =	rddreg [dreg:$0x0];
	s6 =	sand.u32 $0x1, s0;
	s31 =	smul.u32 $0xFA00, s1  }
0x7: {  	s2 =	rddreg [dreg:$0x1];
	s7 =	smul.u32 $0xFA000, s6  }
0x8: {  	s3 =	rddreg [dreg:$0x2];
	s8 =	smul.u32 $0xFA00, s6  }
0x9: {  	s4 =	simm.s32 $0x0;
	s0 =	rddreg [dreg:$0x3];
	s10 =	smul.u32 $0x1F400, s6  }
0xa: {  	[smem:$0x7FF] =	sst s4;
	s30 =	sshll.u32 s1, $0x6;
	s25 =	smul.u32 $0x138800, s6  }
0xb: {  	_ =	strace $0x80000050;
	s15 =	smul.u32 $0x27100, s6;
	s6 =	ssub.s32 $0x2, s6  }
0xc: {  	s26 =	sshrl.u32 s22, $0x3;
	s14 =	sshrl.u32 s24, $0x3;
	s29 =	sshrl.u32 s6, $0x1  }
0xd: {  	s18 =	sadd.s32 s22, s2;
	s20 =	sadd.s32 s24, s3;
	s8 =	sadd.s32 s9, s8  }
0xe: {  	s11 =	sadd.s32 s7, s5;
	s12 =	sadd.s32 s10, s5;
	s10 =	sadd.s32 s26, s5  }
0xf: {  	s14 =	sadd.s32 s14, s5;
	s7 =	sadd.s32 s22, s25;
	s15 =	sadd.s32 s24, s15  }
0x10: {  	s23 =	sshrl.u32 s8, $0x3;
	s7 =	sshrl.u32 s7, $0x3;
	s28 =	sshrl.u32 s15, $0x3  }
0x11: {  	s15 =	ssub.s32 s6, s29;
	s6 =	sor.u32 $0x1C01, s30;
	s12 =	sadd.s32 s19, s12  }
0x12: {  	s19 =	simm.s32 $0x0;
	s13 =	sadd.s32 s23, s5;
	s16 =	sadd.s32 s7, s5  }
0x13: {  	s17 =	sadd.s32 s28, s5;
	s5 =	sadd.s32 $0xEC0000, s10;
	s7 =	sadd.s32 $0xEE7200, s14  }
0x14: {  	s10 =	smax.u32 s15, $0x1;
	s14 =	sadd.s32 s31, s11;
	s11 =	sadd.s32 $0x16000, s12  }
0x15: {  	s15 =	simm.s32 $0x1;
	s8 =	sadd.s32 $0xEF6000, s16;
	s9 =	sadd.s32 $0xEEC200, s17  }
0x16: {  	s12 =	sadd.s32 $0x10B4000, s14;
	s13 =	sadd.s32 $0xE000, s13;
	s14 =	sshrl.u32 s18, $0x3  }
0x17: {  	s16 =	sshrl.u32 s20, $0x3;
	s17 =	simm.s32 $0xC8;
	s18 =	simm.s32 $0x64C8  }
.LBB2_1:
0x18: {  	[spmem:s14], [sflag:s6] =	dma.local [hbm:s5], $0x2710  }
0x19: {  	_ =	swait.ge [sflag:s15], $0x2710  }
0x1a: {  	[sflag:s15] =	ssyncset.done $0x0  }
0x1b: {  	[sflag:s15] =	ssyncadd.s32 $0xFFFFD8F0  }
0x1c: {  	[spmem:s16], [sflag:s6] =	dma.local [hbm:s7], $0x4E2  }
0x1d: {  	_ =	swait.ge [sflag:s15], $0x4E2  }
0x1e: {  	[sflag:s15] =	ssyncset.done $0x0  }
0x1f: {  	[sflag:s15] =	ssyncadd.s32 $0xFFFFFB1E  }
0x20: {  	s20 =	sadd.s32 $0x0, s13;
	[bflag:$0x0] =	sbarrier.arrive $0xFFFF  }
0x21: {  	[tilespmem:s4], [sflag:$0x1] =	stream.linear.gather [hbm4b:s20+s4], $0xC8, $0x38;
	[tilespmem:$0x1D0D8] =	vst v63  }
0x22: {  	_ =	swait.ge [sflag:s15], $0xC8  }
0x23: {  	[sflag:s15] =	ssyncset.done $0x0  }
0x24: {  	[sflag:s15] =	ssyncadd.s32 $0xFFFFFF38  }
0x25: {  	[tilespmem:s17], [sflag:$0x1] =	stream.linear.gather [hbm4b:s12+s4], $0x6400, $0x38;
	[tilespmem:$0x1D0D8] =	vst v63  }
0x26: {  	_ =	swait.ge [sflag:s15], $0x6400  }
0x27: {  	[sflag:s15] =	ssyncset.done $0x0  }
0x28: {  	[sflag:s15] =	ssyncadd.s32 $0xFFFF9C00  }
0x29: {  	[tilespmem:s18], [sflag:$0x1] =	stream.linear.gather [hbm4b:s11+s4], $0xC80, $0x38;
	[tilespmem:$0x1D0D8] =	vst v63  }
0x2a: {  	_ =	swait.ge [sflag:s15], $0xC80  }
0x2b: {  	[sflag:s15] =	ssyncset.done $0x0  }
0x2c: {  	[sflag:s15] =	ssyncadd.s32 $0xFFFFF380  }
0x2d: {  	[spmem:s2] =	stream.indirect.scatter.add.f32 [tilespmem:s17], [sflag:$0x1], $0x80, s4, s17, $0xb8;
	[tilespmem:$0x1D0D8] =	vst v63  }
0x2e: {  	_ =	swait.ge [sflag:s15], $0x6400  }
0x2f: {  	[sflag:s15] =	ssyncset.done $0x0  }
0x30: {  	[sflag:s15] =	ssyncadd.s32 $0xFFFF9C00  }
0x31: {  	[spmem:s3] =	stream.indirect.scatter.add.f32 [tilespmem:s18], [sflag:$0x1], $0x10, s4, s17, $0xb8;
	[tilespmem:$0x1D0D8] =	vst v63  }
0x32: {  	s22 =	simm.s32 $0x19;
	s23 =	simm.s32 $0x32;
	_ =	swait.ge [sflag:s15], $0xC80  }
0x33: {  	s21 =	sadd.s32 $0xC80, s12;
	s20 =	sadd.s32 $0x190, s11;
	[sflag:s15] =	ssyncset.done $0x0  }
.LBB2_2:
0x34: {  	s24 =	sadd.s32 s22, s13  }
0x35: {  	[sflag:s15] =	ssyncadd.s32 $0xFFFFF380;
	s22 =	smov.u32 s23;
	s25 =	sadd.s32 $0x19, s23  }
0x36: {  	[tilespmem:s4], [sflag:$0x1] =	stream.linear.gather [hbm4b:s24+s4], $0xC8, $0x38;
	[tilespmem:$0x1D0D8] =	vst v63  }
0x37: {  	p0 =	sne.s32 s23, $0x1DB;
	_ =	swait.ge [sflag:s15], $0xC8  }
0x38: {  	[sflag:s15] =	ssyncset.done $0x0  }
0x39: {  	[sflag:s15] =	ssyncadd.s32 $0xFFFFFF38  }
0x3a: {  	[tilespmem:s17], [sflag:$0x1] =	stream.linear.gather [hbm4b:s21+s4], $0x6400, $0x38;
	[tilespmem:$0x1D0D8] =	vst v63  }
0x3b: {  	_ =	swait.ge [sflag:s15], $0x6400  }
0x3c: {  	[sflag:s15] =	ssyncset.done $0x0  }
0x3d: {  	[sflag:s15] =	ssyncadd.s32 $0xFFFF9C00  }
0x3e: {  	[tilespmem:s18], [sflag:$0x1] =	stream.linear.gather [hbm4b:s20+s4], $0xC80, $0x38;
	[tilespmem:$0x1D0D8] =	vst v63  }
0x3f: {  	_ =	swait.ge [sflag:s15], $0xC80  }
0x40: {  	[sflag:s15] =	ssyncset.done $0x0  }
0x41: {  	[sflag:s15] =	ssyncadd.s32 $0xFFFFF380  }
0x42: {  	[spmem:s2] =	stream.indirect.scatter.add.f32 [tilespmem:s17], [sflag:$0x1], $0x80, s4, s17, $0xb8;
	[tilespmem:$0x1D0D8] =	vst v63  }
0x43: {  	_ =	swait.ge [sflag:s15], $0x6400  }
.Ltmp0:
0x44: {  	[sflag:s15] =	ssyncset.done $0x0;
	(pc) =	sbr.rel @p0 .LBB2_2-.Ltmp0, $4  }
0x45: {  	[sflag:s15] =	ssyncadd.s32 $0xFFFF9C00  }
0x46: {  	[spmem:s3] =	stream.indirect.scatter.add.f32 [tilespmem:s18], [sflag:$0x1], $0x10, s4, s17, $0xb8;
	[tilespmem:$0x1D0D8] =	vst v63  }
0x47: {  	s23 =	smov.u32 s25;
	_ =	swait.ge [sflag:s15], $0xC80  }
0x48: {  	s21 =	sadd.s32 $0xC80, s21;
	s20 =	sadd.s32 $0x190, s20;
	[sflag:s15] =	ssyncset.done $0x0  }
0x49: {  	s22 =	sadd.s32 s22, s13;
	[sflag:s15] =	ssyncadd.s32 $0xFFFFF380  }
0x4a: {  	[tilespmem:s4], [sflag:$0x1] =	stream.linear.gather [hbm4b:s22+s4], $0xC8, $0x38;
	[tilespmem:$0x1D0D8] =	vst v63  }
0x4b: {  	_ =	swait.ge [sflag:s15], $0xC8  }
0x4c: {  	[sflag:s15] =	ssyncset.done $0x0  }
0x4d: {  	[sflag:s15] =	ssyncadd.s32 $0xFFFFFF38  }
0x4e: {  	[tilespmem:s17], [sflag:$0x1] =	stream.linear.gather [hbm4b:s21+s4], $0x6400, $0x38;
	[tilespmem:$0x1D0D8] =	vst v63  }
0x4f: {  	_ =	swait.ge [sflag:s15], $0x6400  }
0x50: {  	[sflag:s15] =	ssyncset.done $0x0  }
0x51: {  	[sflag:s15] =	ssyncadd.s32 $0xFFFF9C00  }
0x52: {  	[tilespmem:s18], [sflag:$0x1] =	stream.linear.gather [hbm4b:s20+s4], $0xC80, $0x38;
	[tilespmem:$0x1D0D8] =	vst v63  }
0x53: {  	_ =	swait.ge [sflag:s15], $0xC80  }
0x54: {  	[sflag:s15] =	ssyncset.done $0x0  }
0x55: {  	[sflag:s15] =	ssyncadd.s32 $0xFFFFF380  }
0x56: {  	[spmem:s2] =	stream.indirect.scatter.add.f32 [tilespmem:s17], [sflag:$0x1], $0x80, s4, s17, $0xb8;
	[tilespmem:$0x1D0D8] =	vst v63  }
0x57: {  	_ =	swait.ge [sflag:s15], $0x6400  }
0x58: {  	[sflag:s15] =	ssyncset.done $0x0  }
0x59: {  	[sflag:s15] =	ssyncadd.s32 $0xFFFF9C00  }
0x5a: {  	[spmem:s3] =	stream.indirect.scatter.add.f32 [tilespmem:s18], [sflag:$0x1], $0x10, s4, s17, $0xb8;
	[tilespmem:$0x1D0D8] =	vst v63  }
0x5b: {  	_ =	swait.ge [sflag:s15], $0xC80  }
0x5c: {  	[sflag:s15] =	ssyncset.done $0x0  }
0x5d: {  	[sflag:s15] =	ssyncadd.s32 $0xFFFFF380  }
0x5e: {  	[bflag:$0x0] =	sbarrier.arrive $0xFFFF  }
0x5f: {  	[hbm:s8], [sflag:s6] =	dma.local [spmem:s14], $0x2710  }
0x60: {  	s19 =	sadd.s32 $0x1, s19;
	_ =	swait.ge [sflag:s15], $0x2710  }
0x61: {  	p0 =	sne.s32 s19, s10;
	[sflag:s15] =	ssyncset.done $0x0  }
.Ltmp1:
0x62: {  	[sflag:s15] =	ssyncadd.s32 $0xFFFFD8F0;
	(pc) =	sbr.rel @p0 .LBB2_1-.Ltmp1, $4  }
0x63: {  	[hbm:s9], [sflag:s6] =	dma.local [spmem:s16], $0x4E2  }
0x64: {  	_ =	swait.ge [sflag:s15], $0x4E2  }
0x65: {  	[sflag:s15] =	ssyncset.done $0x0  }
0x66: {  	[sflag:s15] =	ssyncadd.s32 $0xFFFFFB1E  }
0x67: {  	_ =	sfence.sel $0x180000  }
0x68: {  	[bflag:$0x0] =	sbarrier.arrive $0xFFFF  }
0x69: {  	p0 =	sne.s32 s1, $0x0;
	_ =	strace $0x90000050  }
0x6a: {  	s0 =	sadd.s32 @!p0 $0x100000, s0;
	[bflag:$0x2] =	sbarrier.arrive $0xFFFF  }
0x6b: {  	[sflag:s0] =	ssyncadd.tile.s32 @!p0 $0x1;
	_ =	shalt  }
.Lfunc_end2:
_tile_overlayer_lowered:
.L_overlay_start_2:
0x6c: {  	(tag) =	ssettag $0x2  }
0x6d: {  	s0 =	rddreg [dreg:$0x0];
	s2 =	stileid.u32  }
0x6e: {  	s1 =	rddreg [dreg:$0x1];
	p0 =	sne.s32 s2, $0x0  }
0x6f: {  	s3 =	rddreg [dreg:$0x2];
	[bflag:$0x3] =	sbarrier.arrive $0xFFFF;
	s2 =	simm.s32 @!p0 $0x1C01  }
0x70: {  	[timem:s3], [sflag:s2] =	dma.local @!p0 [hbm:s0], s1  }
0x71: {  	s0 =	simm.s32 @!p0 $0x1  }
0x72: {  	_ =	swait.ge @!p0 [sflag:s0], s1  }
0x73: {  	s1 =	ssub.s32 @!p0 $0x0, s1;
	[sflag:s0] =	ssyncset.done @!p0 $0x0  }
0x74: {  	[sflag:s0] =	ssyncadd.s32 @!p0 s1  }
0x75: {  	[bflag:$0x3] =	sbarrier.arrive $0xFFFF  }
0x76: {  	_ =	shalt  }

// kernel: kernel.25.cloned.1.call-start
scs
__scs_entry_jumppad:
0x0: {  	(pc) =	sbr.rel $0x88, $3  }
0x1: {  	(tag) =	ssettag $0x0;
	lr =	simm.s32 $0x1  }
0x2: {  	[smem:$0x3F98] =	sst lr;
	_ =	strace $0xD0000000  }
0x3: {  	_ = 	snop  }
0x4: {  	_ = 	snop  }
0x5: {  	_ = 	snop  }
0x6: {  	_ = 	snop  }
0x7: {  	_ = 	snop  }
__scs_overlays_trampoline_lowered:
0x8: {  	[smem:$0x3FA7] =	sst s0  }
0x9: {  	[smem:$0x3FA8] =	sst s1  }
0xa: {  	[smem:$0x3FA9] =	sst s2  }
0xb: {  	[smem:$0x3FAA] =	sst s3  }
0xc: {  	[smem:$0x3FAB] =	sst s4  }
0xd: {  	[smem:$0x3FAC] =	sst s5  }
0xe: {  	[smem:$0x3FAD] =	sst s6  }
0xf: {  	[smem:$0x3FAE] =	sst s7  }
0x10: {  	[smem:$0x3FAF] =	sst s8  }
0x11: {  	[smem:$0x3FB0] =	sst s9;
	s0 =	simm.s32 @!p0 $0x0  }
0x12: {  	s1 =	sld [smem:$0x3F96];
	s0 =	simm.s32 @p0 $0x1  }
0x13: {  	[smem:$0x3FB1] =	sst s0;
	s0 =	simm.s32 @!p1 $0x0  }
0x14: {  	s2 =	sld [smem:$0x3F95];
	s0 =	simm.s32 @p1 $0x1  }
0x15: {  	[smem:$0x3FB2] =	sst s0;
	s0 =	simm.s32 @!p2 $0x0  }
0x16: {  	s3 =	sld [smem:$0x3FDB];
	s0 =	simm.s32 @p2 $0x1  }
0x17: {  	s4 =	simm.s32 $0x1BF5;
	[smem:$0x3FB4] =	sst s0  }
0x18: {  	s0 =	sld [smem:$0x3F97];
	_ =	swait.ge [sflag:s4], $0x0  }
0x19: {  	s7 =	sld [smem:$0x3F98]  }
0x1a: {  	s8 =	sadd.s32 $0xFFFFE003, lr  }
0x1b: {  	s9 =	sadd.s32 $0xFFFFFEF7, lr;
	s5 =	simm.s32 $0xFFFFFFFF;
	p2 =	slt.u32 s8, $0xFFFFF086  }
0x1c: {  	p1 =	slt.u32 s9, $0xF7A;
	s5 =	simm.s32 @!p2 $0x0  }
0x1d: {  	s5 =	simm.s32 @p1 $0x1;
	p0 =	seq.s32 s7, s2  }
0x1e: {  	s7 =	smul.u32 @!p0 $0xF7A, s2;
	p2 =	seq.s32 @!p0 s5, $0x0  }
0x1f: {  	s9 =	smul.u32 $0xF7A, s1;
	s8 =	simm.s32 @!p0 $0x1BF5;
	p2 =	por !p2, p0  }
0x20: {  	[sflag:s8] =	ssyncset.s32 @!p0 $0xFFFFF086;
	s6 =	sadd.s32 @!p0 s3, s7;
	s7 =	simm.s32 @!p0 $0x108  }
0x21: {  	s3 =	sadd.s32 s3, s9;
	s6 =	sadd.s32 @!p0 $0x88, s6;
	s7 =	simm.s32 @p2 $0x1082  }
0x22: {  	[simem:s7], [sflag:s8] =	dma.local @!p0 [hbm:s6], $0xF7A  }
0x23: {  	s9 =	sor.u32 $0xD0000000, s2;
	s6 =	simm.s32 $0x108;
	_ =	swait.ge @!p0 [sflag:s8], $0x0  }
0x24: {  	s3 =	sadd.s32 $0x88, s3;
	s6 =	simm.s32 @!p1 $0x1082;
	[sflag:s4] =	ssyncset.s32 $0xFFFFF086  }
0x25: {  	[simem:s6], [sflag:s4] =	dma.local [hbm:s3], $0xF7A  }
0x26: {  	[smem:$0x3F98] =	sst s1;
	(tag) =	ssettag s2;
	_ =	strace s9  }
0x27: {  	s1 =	sld [smem:$0x3FA8]  }
0x28: {  	s2 =	sld [smem:$0x3FA9]  }
0x29: {  	s4 =	sld [smem:$0x3FAB]  }
0x2a: {  	p0 =	seq.s32 s5, $0x0;
	s5 =	sld [smem:$0x3FAC]  }
0x2b: {  	s6 =	sld [smem:$0x3FAD]  }
0x2c: {  	s7 =	sld [smem:$0x3FAE]  }
0x2d: {  	s3 =	simm.s32 $0x108;
	s8 =	sld [smem:$0x3FAF]  }
0x2e: {  	s3 =	simm.s32 @!p0 $0x1082;
	s9 =	sld [smem:$0x3FB0]  }
0x2f: {  	lr =	sadd.s32 s0, s3;
	s0 =	sld [smem:$0x3FA7]  }
0x30: {  	s3 =	sld [smem:$0x3FAA]  }
0x31: {  	[smem:$0x3FB3] =	sst s10  }
0x32: {  	s10 =	sld [smem:$0x3FB1];
	_ =	sdelay $0x3  }
0x33: {  	p0 =	seq.s32 s10, $0x1;
	s10 =	sld [smem:$0x3FB3];
	_ =	sdelay $0x3  }
0x34: {  	[smem:$0x3FB3] =	sst s10  }
0x35: {  	s10 =	sld [smem:$0x3FB2];
	_ =	sdelay $0x3  }
0x36: {  	p1 =	seq.s32 s10, $0x1;
	s10 =	sld [smem:$0x3FB3];
	_ =	sdelay $0x3  }
0x37: {  	[smem:$0x3FB3] =	sst s10  }
0x38: {  	s10 =	sld [smem:$0x3FB4]  }
0x39: {  	_ = 	snop;
	(pc) =	sbr.ind lr, $3  }
0x3a: {  	_ = 	snop  }
0x3b: {  	_ = 	snop  }
0x3c: {  	p2 =	seq.s32 s10, $0x1;
	s10 =	sld [smem:$0x3FB3]  }
0x3d: {  	_ =	shalt  }
0x3e: {  	_ =	shalt  }
0x3f: {  	_ =	shalt  }
0x40: {  	_ =	shalt  }
0x41: {  	_ =	shalt  }
0x42: {  	_ =	shalt  }
0x43: {  	_ =	shalt  }
0x44: {  	_ =	shalt  }
0x45: {  	_ =	shalt  }
0x46: {  	_ =	shalt  }
0x47: {  	_ =	shalt  }
0x48: {  	_ =	shalt  }
0x49: {  	_ =	shalt  }
0x4a: {  	_ =	shalt  }
0x4b: {  	_ =	shalt  }
0x4c: {  	_ =	shalt  }
0x4d: {  	_ =	shalt  }
0x4e: {  	_ =	shalt  }
0x4f: {  	_ =	shalt  }
0x50: {  	_ =	shalt  }
0x51: {  	_ =	shalt  }
0x52: {  	_ =	shalt  }
0x53: {  	_ =	shalt  }
0x54: {  	_ =	shalt  }
0x55: {  	_ =	shalt  }
0x56: {  	_ =	shalt  }
0x57: {  	_ =	shalt  }
0x58: {  	_ =	shalt  }
0x59: {  	_ =	shalt  }
0x5a: {  	_ =	shalt  }
0x5b: {  	_ =	shalt  }
0x5c: {  	_ =	shalt  }
0x5d: {  	_ =	shalt  }
0x5e: {  	_ =	shalt  }
0x5f: {  	_ =	shalt  }
0x60: {  	_ =	shalt  }
0x61: {  	_ =	shalt  }
0x62: {  	_ =	shalt  }
0x63: {  	_ =	shalt  }
0x64: {  	_ =	shalt  }
0x65: {  	_ =	shalt  }
0x66: {  	_ =	shalt  }
0x67: {  	_ =	shalt  }
0x68: {  	_ =	shalt  }
0x69: {  	_ =	shalt  }
0x6a: {  	_ =	shalt  }
0x6b: {  	_ =	shalt  }
0x6c: {  	_ =	shalt  }
0x6d: {  	_ =	shalt  }
0x6e: {  	_ =	shalt  }
0x6f: {  	_ =	shalt  }
0x70: {  	_ =	shalt  }
0x71: {  	_ =	shalt  }
0x72: {  	_ =	shalt  }
0x73: {  	_ =	shalt  }
0x74: {  	_ =	shalt  }
0x75: {  	_ =	shalt  }
0x76: {  	_ =	shalt  }
0x77: {  	_ =	shalt  }
0x78: {  	_ =	shalt  }
0x79: {  	_ =	shalt  }
0x7a: {  	_ =	shalt  }
0x7b: {  	_ =	shalt  }
0x7c: {  	_ =	shalt  }
0x7d: {  	_ =	shalt  }
0x7e: {  	_ =	shalt  }
0x7f: {  	_ =	shalt  }
0x80: {  	_ =	shalt  }
0x81: {  	_ =	shalt  }
0x82: {  	_ =	shalt  }
0x83: {  	_ =	shalt  }
0x84: {  	_ =	shalt  }
0x85: {  	_ =	shalt  }
0x86: {  	_ =	shalt  }
0x87: {  	_ =	shalt  }
.Lfunc_end0:
.L_simem_size_0:
called_computation.4_lowered:
.L_overlay_start_0:
0x88: {  	s2 =	sld [smem:$0x3FD9]  }
0x89: {  	s3 =	sld [smem:$0x3FFE];
	_ =	sdelay $0x1  }
0x8a: {  	s1 =	srdreg.scid  }
0x8b: {  	s0 =	sand.u32 $0x1, s1  }
0x8c: {  	s17 =	sshll.u32 s0, $0xA;
	s2 =	sadd.s32 s3, s2  }
0x8d: {  	s2 =	sadd.s32 s2, s17  }
0x8e: {  	[smem:$0x3FBF] =	sst s2  }
0x8f: {  	_ = 	snop  }
0x90: {  	(tm) =	ssettm $0x1  }
0x91: {  	s18 =	sld [smem:$0x3FFB];
	_ =	sdelay $0x3  }
0x92: {  	_ =	strace s18  }
0x93: {  	s2 =	sld [smem:$0x3FFC];
	_ =	sdelay $0x3  }
0x94: {  	_ =	strace s2  }
0x95: {  	s2 =	sld [smem:$0x3FFD];
	_ =	sdelay $0x3  }
0x96: {  	_ =	strace s2  }
0x97: {  	_ =	strace $0x8FFFFFFF  }
0x98: {  	s19 =	sld [smem:$0x3FDB];
	_ =	sdelay $0x1  }
0x99: {  	s20 =	simm.s32 $_scs_section_size  }
0x9a: {  	s4 =	simm.s32 $_size__tile_overlayer_lowered;
	s5 =	simm.s32 $_tile_overlayer_lowered  }
0x9b: {  	s6 =	simm.s32 $0x1BFF;
	s21 =	sshll.u32 s5, $0x1;
	s3 =	sadd.s32 s20, s19  }
0x9c: {  	s22 =	simm.s32 $0x0;
	s4 =	sshll.u32 s4, $0x1;
	s5 =	sadd.s32 s21, s3  }
0x9d: {  	[timem:s22], [sflag:s6] =	dma.local [hbm:s5], s4  }
0x9e: {  	_ =	swait.ge [sflag:s6], s4  }
0x9f: {  	s4 =	ssub.s32 $0x0, s4;
	[sflag:s6] =	ssyncset.done $0x0  }
0xa0: {  	[sflag:s6] =	ssyncadd.s32 s4;
	_ =	sdelay $0x1  }
0xa1: {  	s23 =	simm.s32 $0x1B8B  }
0xa2: {  	_ =	swait.ge [sflag:s23], $0x1  }
0xa3: {  	[sflag:s23] =	ssyncset.done $0x0  }
0xa4: {  	[sflag:s23] =	ssyncadd.s32 $0xFFFFFFFF  }
0xa5: {  	s4 =	sld [smem:$0x0]  }
0xa6: {  	s5 =	sand.u32 $0xFFFFFFFE, s1  }
0xa7: {  	p0 =	sne.s32 s1, s5  }
0xa8: {  	s5 =	sshll.u32 @p0 s5, $0xE  }
0xa9: {  	s5 =	sadd.s32 @p0 $0x11B8D, s5;
	s6 =	sshll.u32 @p0 s4, $0x11  }
0xaa: {  	s5 =	sor.u32 @p0 s6, s5  }
0xab: {  	[sflag:s5] =	ssyncadd.remote.s32 @p0 $0x1;
	_ =	sdelay $0x1  }
0xac: {  	s5 =	simm.s32 @p0 $0x1B8D  }
0xad: {  	_ =	swait.eq @p0 [sflag:s5], $0x1  }
0xae: {  	[sflag:s5] =	ssyncadd.s32 @p0 $0xFFFFFFFF  }
0xaf: {  	s6 =	sshll.u32 @!p0 s1, $0xE  }
0xb0: {  	s6 =	sor.u32 @!p0 $0x4000, s6;
	s5 =	simm.s32 @!p0 $0x1B8D  }
0xb1: {  	s4 =	sshll.u32 @!p0 s4, $0x11;
	s6 =	sadd.s32 @!p0 $0x11B8D, s6;
	_ =	swait.eq @!p0 [sflag:s5], $0x1  }
0xb2: {  	s4 =	sor.u32 @!p0 s4, s6;
	[sflag:s5] =	ssyncadd.s32 @!p0 $0xFFFFFFFF  }
0xb3: {  	s25 =	simm.s32 $0x1B8E;
	s24 =	sld [smem:$0x3FFE];
	[sflag:s4] =	ssyncadd.remote.s32 @!p0 $0x1  }
0xb4: {  	s26 =	simm.s32 $execute0_lowered;
	[smem:$0x3FD2] =	sst s25  }
0xb5: {  	s5 =	sshll.u32 s26, $0x1;
	_ =	strace $0x80000052;
	[dreg:$0x1] =	wrdreg $0xFFFFFFFF  }
0xb6: {  	s28 =	simm.s32 $_size_execute0_lowered;
	s3 =	sadd.s32 s3, s5;
	[dreg:$0x0] =	wrdreg $0x0  }
0xb7: {  	s5 =	sshll.u32 s28, $0x1;
	[dreg:$0x2] =	wrdreg s3  }
0xb8: {  	[dreg:$0x3] =	wrdreg s5  }
0xb9: {  	[dreg:$0x4] =	wrdreg $0xC0  }
0xba: {  	_ =	task [dreg:s22], $0x5FFFF  }
0xbb: {  	[dreg:$0x1] =	wrdreg $0xFFFFFFFF  }
0xbc: {  	[dreg:$0x0] =	wrdreg $0x60  }
0xbd: {  	[dreg:$0x2] =	wrdreg s24  }
0xbe: {  	[dreg:$0x3] =	wrdreg $0x71480  }
0xbf: {  	[dreg:$0x4] =	wrdreg $0x1A9C80  }
0xc0: {  	[dreg:$0x5] =	wrdreg $0xB  }
0xc1: {  	_ =	task.clear_ibuf [dreg:s22], $0x6FFFF;
	_ =	strace $0x90000052  }
0xc2: {  	s29 =	simm.s32 $0xB;
	_ =	strace $0x80000054  }
0xc3: {  	_ =	swait.ge [sflag:s29], $0x1  }
0xc4: {  	[sflag:s29] =	ssyncadd.s32 $0xFFFFFFFF  }
0xc5: {  	_ =	strace $0x90000054  }
0xc6: {  	_ =	sfence  }
0xc7: {  	s30 =	sld [smem:$0x0];
	_ =	sdelay $0x2  }
0xc8: {  	s31 =	sshll.u32 s1, $0xD;
	s1 =	sshrl.u32 s1, $0x2  }
0xc9: {  	s4 =	sand.u32 $0x4000, s31;
	s1 =	sadd.s32 s1, s30  }
0xca: {  	s0 =	sor.u32 s4, s0;
	s1 =	sshll.u32 s1, $0x11  }
0xcb: {  	s0 =	sor.u32 s1, s0  }
0xcc: {  	s0 =	sadd.s32 $0x8F2B, s0  }
0xcd: {  	[sflag:s0] =	ssyncadd.remote.s32 $0x1  }
0xce: {  	_ =	sfence.sel $0xFFFF  }
0xcf: {  	[dreg:$0x0] =	wrdreg $0xFFFFFFFF;
	(pc) =	sbr.abs _section_cstart, $3  }
0xd0: {  	[dreg:$0x1] =	wrdreg $0xFFFFFFFF  }
0xd1: {  	_ =	task.clear_ibuf [dreg:s22], $0x2FFFF;
	_ =	strace $0x9FFFFFFF  }
0xd2: {  	(tm) =	ssettm $0x7FFFFFFF  }
0xd3: {  	_ =	shalt  }
tec
execute0_lowered:
.L_overlay_start_1:
0x0: {  	(tag) =	ssettag $0x1  }
0x1: {  	s1 =	stileid.u32  }
0x2: {  	s9 =	smul.u32 $0xFA0, s1  }
0x3: {  	s22 =	smul.u32 $0x13880, s1  }
0x4: {  	s24 =	smul.u32 $0x2710, s1  }
0x5: {  	s0 =	srdreg.scid;
	s19 =	smul.u32 $0x1F40, s1  }
0x6: {  	s5 =	rddreg [dreg:$0x0];
	s6 =	sand.u32 $0x1, s0;
	s31 =	smul.u32 $0xFA00, s1  }
0x7: {  	s2 =	rddreg [dreg:$0x1];
	s7 =	smul.u32 $0xFA000, s6  }
0x8: {  	s3 =	rddreg [dreg:$0x2];
	s8 =	smul.u32 $0xFA00, s6  }
0x9: {  	s4 =	simm.s32 $0x0;
	s0 =	rddreg [dreg:$0x3];
	s10 =	smul.u32 $0x1F400, s6  }
0xa: {  	[smem:$0x7FF] =	sst s4;
	s30 =	sshll.u32 s1, $0x6;
	s25 =	smul.u32 $0x138800, s6  }
0xb: {  	_ =	strace $0x80000053;
	s15 =	smul.u32 $0x27100, s6;
	s6 =	ssub.s32 $0x2, s6  }
0xc: {  	s26 =	sshrl.u32 s22, $0x3;
	s14 =	sshrl.u32 s24, $0x3;
	s29 =	sshrl.u32 s6, $0x1  }
0xd: {  	s18 =	sadd.s32 s22, s2;
	s20 =	sadd.s32 s24, s3;
	s8 =	sadd.s32 s9, s8  }
0xe: {  	s11 =	sadd.s32 s7, s5;
	s12 =	sadd.s32 s10, s5;
	s10 =	sadd.s32 s26, s5  }
0xf: {  	s14 =	sadd.s32 s14, s5;
	s7 =	sadd.s32 s22, s25;
	s15 =	sadd.s32 s24, s15  }
0x10: {  	s23 =	sshrl.u32 s8, $0x3;
	s7 =	sshrl.u32 s7, $0x3;
	s28 =	sshrl.u32 s15, $0x3  }
0x11: {  	s15 =	ssub.s32 s6, s29;
	s6 =	sor.u32 $0x1C01, s30;
	s12 =	sadd.s32 s19, s12  }
0x12: {  	s19 =	simm.s32 $0x0;
	s13 =	sadd.s32 s23, s5;
	s16 =	sadd.s32 s7, s5  }
0x13: {  	s17 =	sadd.s32 s28, s5;
	s5 =	sadd.s32 $0xEC0000, s10;
	s7 =	sadd.s32 $0xEE7200, s14  }
0x14: {  	s10 =	smax.u32 s15, $0x1;
	s14 =	sadd.s32 s31, s11;
	s11 =	sadd.s32 $0xF44200, s12  }
0x15: {  	s15 =	simm.s32 $0x1;
	s8 =	sadd.s32 $0xF8C800, s16;
	s9 =	sadd.s32 $0xF82A00, s17  }
0x16: {  	s12 =	sadd.s32 $0x12A8000, s14;
	s13 =	sadd.s32 $0x12000, s13;
	s14 =	sshrl.u32 s18, $0x3  }
0x17: {  	s16 =	sshrl.u32 s20, $0x3;
	s17 =	simm.s32 $0xC8;
	s18 =	simm.s32 $0x64C8  }
.LBB2_1:
0x18: {  	[spmem:s14], [sflag:s6] =	dma.local [hbm:s5], $0x2710  }
0x19: {  	_ =	swait.ge [sflag:s15], $0x2710  }
0x1a: {  	[sflag:s15] =	ssyncset.done $0x0  }
0x1b: {  	[sflag:s15] =	ssyncadd.s32 $0xFFFFD8F0  }
0x1c: {  	[spmem:s16], [sflag:s6] =	dma.local [hbm:s7], $0x4E2  }
0x1d: {  	_ =	swait.ge [sflag:s15], $0x4E2  }
0x1e: {  	[sflag:s15] =	ssyncset.done $0x0  }
0x1f: {  	[sflag:s15] =	ssyncadd.s32 $0xFFFFFB1E  }
0x20: {  	s20 =	sadd.s32 $0x0, s13;
	[bflag:$0x0] =	sbarrier.arrive $0xFFFF  }
0x21: {  	[tilespmem:s4], [sflag:$0x1] =	stream.linear.gather [hbm4b:s20+s4], $0xC8, $0x38;
	[tilespmem:$0x1D0D8] =	vst v63  }
0x22: {  	_ =	swait.ge [sflag:s15], $0xC8  }
0x23: {  	[sflag:s15] =	ssyncset.done $0x0  }
0x24: {  	[sflag:s15] =	ssyncadd.s32 $0xFFFFFF38  }
0x25: {  	[tilespmem:s17], [sflag:$0x1] =	stream.linear.gather [hbm4b:s12+s4], $0x6400, $0x38;
	[tilespmem:$0x1D0D8] =	vst v63  }
0x26: {  	_ =	swait.ge [sflag:s15], $0x6400  }
0x27: {  	[sflag:s15] =	ssyncset.done $0x0  }
0x28: {  	[sflag:s15] =	ssyncadd.s32 $0xFFFF9C00  }
0x29: {  	[tilespmem:s18], [sflag:$0x1] =	stream.linear.gather [hbm4b:s11+s4], $0xC80, $0x38;
	[tilespmem:$0x1D0D8] =	vst v63  }
0x2a: {  	_ =	swait.ge [sflag:s15], $0xC80  }
0x2b: {  	[sflag:s15] =	ssyncset.done $0x0  }
0x2c: {  	[sflag:s15] =	ssyncadd.s32 $0xFFFFF380  }
0x2d: {  	[spmem:s2] =	stream.indirect.scatter.add.f32 [tilespmem:s17], [sflag:$0x1], $0x80, s4, s17, $0xb8;
	[tilespmem:$0x1D0D8] =	vst v63  }
0x2e: {  	_ =	swait.ge [sflag:s15], $0x6400  }
0x2f: {  	[sflag:s15] =	ssyncset.done $0x0  }
0x30: {  	[sflag:s15] =	ssyncadd.s32 $0xFFFF9C00  }
0x31: {  	[spmem:s3] =	stream.indirect.scatter.add.f32 [tilespmem:s18], [sflag:$0x1], $0x10, s4, s17, $0xb8;
	[tilespmem:$0x1D0D8] =	vst v63  }
0x32: {  	s22 =	simm.s32 $0x19;
	s23 =	simm.s32 $0x32;
	_ =	swait.ge [sflag:s15], $0xC80  }
0x33: {  	s21 =	sadd.s32 $0xC80, s12;
	s20 =	sadd.s32 $0x190, s11;
	[sflag:s15] =	ssyncset.done $0x0  }
.LBB2_2:
0x34: {  	s24 =	sadd.s32 s22, s13  }
0x35: {  	[sflag:s15] =	ssyncadd.s32 $0xFFFFF380;
	s22 =	smov.u32 s23;
	s25 =	sadd.s32 $0x19, s23  }
0x36: {  	[tilespmem:s4], [sflag:$0x1] =	stream.linear.gather [hbm4b:s24+s4], $0xC8, $0x38;
	[tilespmem:$0x1D0D8] =	vst v63  }
0x37: {  	p0 =	sne.s32 s23, $0x1DB;
	_ =	swait.ge [sflag:s15], $0xC8  }
0x38: {  	[sflag:s15] =	ssyncset.done $0x0  }
0x39: {  	[sflag:s15] =	ssyncadd.s32 $0xFFFFFF38  }
0x3a: {  	[tilespmem:s17], [sflag:$0x1] =	stream.linear.gather [hbm4b:s21+s4], $0x6400, $0x38;
	[tilespmem:$0x1D0D8] =	vst v63  }
0x3b: {  	_ =	swait.ge [sflag:s15], $0x6400  }
0x3c: {  	[sflag:s15] =	ssyncset.done $0x0  }
0x3d: {  	[sflag:s15] =	ssyncadd.s32 $0xFFFF9C00  }
0x3e: {  	[tilespmem:s18], [sflag:$0x1] =	stream.linear.gather [hbm4b:s20+s4], $0xC80, $0x38;
	[tilespmem:$0x1D0D8] =	vst v63  }
0x3f: {  	_ =	swait.ge [sflag:s15], $0xC80  }
0x40: {  	[sflag:s15] =	ssyncset.done $0x0  }
0x41: {  	[sflag:s15] =	ssyncadd.s32 $0xFFFFF380  }
0x42: {  	[spmem:s2] =	stream.indirect.scatter.add.f32 [tilespmem:s17], [sflag:$0x1], $0x80, s4, s17, $0xb8;
	[tilespmem:$0x1D0D8] =	vst v63  }
0x43: {  	_ =	swait.ge [sflag:s15], $0x6400  }
.Ltmp0:
0x44: {  	[sflag:s15] =	ssyncset.done $0x0;
	(pc) =	sbr.rel @p0 .LBB2_2-.Ltmp0, $4  }
0x45: {  	[sflag:s15] =	ssyncadd.s32 $0xFFFF9C00  }
0x46: {  	[spmem:s3] =	stream.indirect.scatter.add.f32 [tilespmem:s18], [sflag:$0x1], $0x10, s4, s17, $0xb8;
	[tilespmem:$0x1D0D8] =	vst v63  }
0x47: {  	s23 =	smov.u32 s25;
	_ =	swait.ge [sflag:s15], $0xC80  }
0x48: {  	s21 =	sadd.s32 $0xC80, s21;
	s20 =	sadd.s32 $0x190, s20;
	[sflag:s15] =	ssyncset.done $0x0  }
0x49: {  	s22 =	sadd.s32 s22, s13;
	[sflag:s15] =	ssyncadd.s32 $0xFFFFF380  }
0x4a: {  	[tilespmem:s4], [sflag:$0x1] =	stream.linear.gather [hbm4b:s22+s4], $0xC8, $0x38;
	[tilespmem:$0x1D0D8] =	vst v63  }
0x4b: {  	_ =	swait.ge [sflag:s15], $0xC8  }
0x4c: {  	[sflag:s15] =	ssyncset.done $0x0  }
0x4d: {  	[sflag:s15] =	ssyncadd.s32 $0xFFFFFF38  }
0x4e: {  	[tilespmem:s17], [sflag:$0x1] =	stream.linear.gather [hbm4b:s21+s4], $0x6400, $0x38;
	[tilespmem:$0x1D0D8] =	vst v63  }
0x4f: {  	_ =	swait.ge [sflag:s15], $0x6400  }
0x50: {  	[sflag:s15] =	ssyncset.done $0x0  }
0x51: {  	[sflag:s15] =	ssyncadd.s32 $0xFFFF9C00  }
0x52: {  	[tilespmem:s18], [sflag:$0x1] =	stream.linear.gather [hbm4b:s20+s4], $0xC80, $0x38;
	[tilespmem:$0x1D0D8] =	vst v63  }
0x53: {  	_ =	swait.ge [sflag:s15], $0xC80  }
0x54: {  	[sflag:s15] =	ssyncset.done $0x0  }
0x55: {  	[sflag:s15] =	ssyncadd.s32 $0xFFFFF380  }
0x56: {  	[spmem:s2] =	stream.indirect.scatter.add.f32 [tilespmem:s17], [sflag:$0x1], $0x80, s4, s17, $0xb8;
	[tilespmem:$0x1D0D8] =	vst v63  }
0x57: {  	_ =	swait.ge [sflag:s15], $0x6400  }
0x58: {  	[sflag:s15] =	ssyncset.done $0x0  }
0x59: {  	[sflag:s15] =	ssyncadd.s32 $0xFFFF9C00  }
0x5a: {  	[spmem:s3] =	stream.indirect.scatter.add.f32 [tilespmem:s18], [sflag:$0x1], $0x10, s4, s17, $0xb8;
	[tilespmem:$0x1D0D8] =	vst v63  }
0x5b: {  	_ =	swait.ge [sflag:s15], $0xC80  }
0x5c: {  	[sflag:s15] =	ssyncset.done $0x0  }
0x5d: {  	[sflag:s15] =	ssyncadd.s32 $0xFFFFF380  }
0x5e: {  	[bflag:$0x0] =	sbarrier.arrive $0xFFFF  }
0x5f: {  	[hbm:s8], [sflag:s6] =	dma.local [spmem:s14], $0x2710  }
0x60: {  	s19 =	sadd.s32 $0x1, s19;
	_ =	swait.ge [sflag:s15], $0x2710  }
0x61: {  	p0 =	sne.s32 s19, s10;
	[sflag:s15] =	ssyncset.done $0x0  }
.Ltmp1:
0x62: {  	[sflag:s15] =	ssyncadd.s32 $0xFFFFD8F0;
	(pc) =	sbr.rel @p0 .LBB2_1-.Ltmp1, $4  }
0x63: {  	[hbm:s9], [sflag:s6] =	dma.local [spmem:s16], $0x4E2  }
0x64: {  	_ =	swait.ge [sflag:s15], $0x4E2  }
0x65: {  	[sflag:s15] =	ssyncset.done $0x0  }
0x66: {  	[sflag:s15] =	ssyncadd.s32 $0xFFFFFB1E  }
0x67: {  	_ =	sfence.sel $0x180000  }
0x68: {  	[bflag:$0x0] =	sbarrier.arrive $0xFFFF  }
0x69: {  	p0 =	sne.s32 s1, $0x0;
	_ =	strace $0x90000053  }
0x6a: {  	s0 =	sadd.s32 @!p0 $0x100000, s0;
	[bflag:$0x2] =	sbarrier.arrive $0xFFFF  }
0x6b: {  	[sflag:s0] =	ssyncadd.tile.s32 @!p0 $0x1;
	_ =	shalt  }
.Lfunc_end2:
_tile_overlayer_lowered:
.L_overlay_start_2:
0x6c: {  	(tag) =	ssettag $0x2  }
0x6d: {  	s0 =	rddreg [dreg:$0x0];
	s2 =	stileid.u32  }
0x6e: {  	s1 =	rddreg [dreg:$0x1];
	p0 =	sne.s32 s2, $0x0  }
0x6f: {  	s3 =	rddreg [dreg:$0x2];
	[bflag:$0x3] =	sbarrier.arrive $0xFFFF;
	s2 =	simm.s32 @!p0 $0x1C01  }
0x70: {  	[timem:s3], [sflag:s2] =	dma.local @!p0 [hbm:s0], s1  }
0x71: {  	s0 =	simm.s32 @!p0 $0x1  }
0x72: {  	_ =	swait.ge @!p0 [sflag:s0], s1  }
0x73: {  	s1 =	ssub.s32 @!p0 $0x0, s1;
	[sflag:s0] =	ssyncset.done @!p0 $0x0  }
0x74: {  	[sflag:s0] =	ssyncadd.s32 @!p0 s1  }
0x75: {  	[bflag:$0x3] =	sbarrier.arrive $0xFFFF  }
0x76: {  	_ =	shalt  }

// kernel: kernel.28.cloned.1.call-start
scs
__scs_entry_jumppad:
0x0: {  	(pc) =	sbr.rel $0x88, $3  }
0x1: {  	(tag) =	ssettag $0x0;
	lr =	simm.s32 $0x1  }
0x2: {  	[smem:$0x3F98] =	sst lr;
	_ =	strace $0xD0000000  }
0x3: {  	_ = 	snop  }
0x4: {  	_ = 	snop  }
0x5: {  	_ = 	snop  }
0x6: {  	_ = 	snop  }
0x7: {  	_ = 	snop  }
__scs_overlays_trampoline_lowered:
0x8: {  	[smem:$0x3FA7] =	sst s0  }
0x9: {  	[smem:$0x3FA8] =	sst s1  }
0xa: {  	[smem:$0x3FA9] =	sst s2  }
0xb: {  	[smem:$0x3FAA] =	sst s3  }
0xc: {  	[smem:$0x3FAB] =	sst s4  }
0xd: {  	[smem:$0x3FAC] =	sst s5  }
0xe: {  	[smem:$0x3FAD] =	sst s6  }
0xf: {  	[smem:$0x3FAE] =	sst s7  }
0x10: {  	[smem:$0x3FAF] =	sst s8  }
0x11: {  	[smem:$0x3FB0] =	sst s9;
	s0 =	simm.s32 @!p0 $0x0  }
0x12: {  	s1 =	sld [smem:$0x3F96];
	s0 =	simm.s32 @p0 $0x1  }
0x13: {  	[smem:$0x3FB1] =	sst s0;
	s0 =	simm.s32 @!p1 $0x0  }
0x14: {  	s2 =	sld [smem:$0x3F95];
	s0 =	simm.s32 @p1 $0x1  }
0x15: {  	[smem:$0x3FB2] =	sst s0;
	s0 =	simm.s32 @!p2 $0x0  }
0x16: {  	s3 =	sld [smem:$0x3FDB];
	s0 =	simm.s32 @p2 $0x1  }
0x17: {  	s4 =	simm.s32 $0x1BF5;
	[smem:$0x3FB4] =	sst s0  }
0x18: {  	s0 =	sld [smem:$0x3F97];
	_ =	swait.ge [sflag:s4], $0x0  }
0x19: {  	s7 =	sld [smem:$0x3F98]  }
0x1a: {  	s8 =	sadd.s32 $0xFFFFE003, lr  }
0x1b: {  	s9 =	sadd.s32 $0xFFFFFEF7, lr;
	s5 =	simm.s32 $0xFFFFFFFF;
	p2 =	slt.u32 s8, $0xFFFFF086  }
0x1c: {  	p1 =	slt.u32 s9, $0xF7A;
	s5 =	simm.s32 @!p2 $0x0  }
0x1d: {  	s5 =	simm.s32 @p1 $0x1;
	p0 =	seq.s32 s7, s2  }
0x1e: {  	s7 =	smul.u32 @!p0 $0xF7A, s2;
	p2 =	seq.s32 @!p0 s5, $0x0  }
0x1f: {  	s9 =	smul.u32 $0xF7A, s1;
	s8 =	simm.s32 @!p0 $0x1BF5;
	p2 =	por !p2, p0  }
0x20: {  	[sflag:s8] =	ssyncset.s32 @!p0 $0xFFFFF086;
	s6 =	sadd.s32 @!p0 s3, s7;
	s7 =	simm.s32 @!p0 $0x108  }
0x21: {  	s3 =	sadd.s32 s3, s9;
	s6 =	sadd.s32 @!p0 $0x88, s6;
	s7 =	simm.s32 @p2 $0x1082  }
0x22: {  	[simem:s7], [sflag:s8] =	dma.local @!p0 [hbm:s6], $0xF7A  }
0x23: {  	s9 =	sor.u32 $0xD0000000, s2;
	s6 =	simm.s32 $0x108;
	_ =	swait.ge @!p0 [sflag:s8], $0x0  }
0x24: {  	s3 =	sadd.s32 $0x88, s3;
	s6 =	simm.s32 @!p1 $0x1082;
	[sflag:s4] =	ssyncset.s32 $0xFFFFF086  }
0x25: {  	[simem:s6], [sflag:s4] =	dma.local [hbm:s3], $0xF7A  }
0x26: {  	[smem:$0x3F98] =	sst s1;
	(tag) =	ssettag s2;
	_ =	strace s9  }
0x27: {  	s1 =	sld [smem:$0x3FA8]  }
0x28: {  	s2 =	sld [smem:$0x3FA9]  }
0x29: {  	s4 =	sld [smem:$0x3FAB]  }
0x2a: {  	p0 =	seq.s32 s5, $0x0;
	s5 =	sld [smem:$0x3FAC]  }
0x2b: {  	s6 =	sld [smem:$0x3FAD]  }
0x2c: {  	s7 =	sld [smem:$0x3FAE]  }
0x2d: {  	s3 =	simm.s32 $0x108;
	s8 =	sld [smem:$0x3FAF]  }
0x2e: {  	s3 =	simm.s32 @!p0 $0x1082;
	s9 =	sld [smem:$0x3FB0]  }
0x2f: {  	lr =	sadd.s32 s0, s3;
	s0 =	sld [smem:$0x3FA7]  }
0x30: {  	s3 =	sld [smem:$0x3FAA]  }
0x31: {  	[smem:$0x3FB3] =	sst s10  }
0x32: {  	s10 =	sld [smem:$0x3FB1];
	_ =	sdelay $0x3  }
0x33: {  	p0 =	seq.s32 s10, $0x1;
	s10 =	sld [smem:$0x3FB3];
	_ =	sdelay $0x3  }
0x34: {  	[smem:$0x3FB3] =	sst s10  }
0x35: {  	s10 =	sld [smem:$0x3FB2];
	_ =	sdelay $0x3  }
0x36: {  	p1 =	seq.s32 s10, $0x1;
	s10 =	sld [smem:$0x3FB3];
	_ =	sdelay $0x3  }
0x37: {  	[smem:$0x3FB3] =	sst s10  }
0x38: {  	s10 =	sld [smem:$0x3FB4]  }
0x39: {  	_ = 	snop;
	(pc) =	sbr.ind lr, $3  }
0x3a: {  	_ = 	snop  }
0x3b: {  	_ = 	snop  }
0x3c: {  	p2 =	seq.s32 s10, $0x1;
	s10 =	sld [smem:$0x3FB3]  }
0x3d: {  	_ =	shalt  }
0x3e: {  	_ =	shalt  }
0x3f: {  	_ =	shalt  }
0x40: {  	_ =	shalt  }
0x41: {  	_ =	shalt  }
0x42: {  	_ =	shalt  }
0x43: {  	_ =	shalt  }
0x44: {  	_ =	shalt  }
0x45: {  	_ =	shalt  }
0x46: {  	_ =	shalt  }
0x47: {  	_ =	shalt  }
0x48: {  	_ =	shalt  }
0x49: {  	_ =	shalt  }
0x4a: {  	_ =	shalt  }
0x4b: {  	_ =	shalt  }
0x4c: {  	_ =	shalt  }
0x4d: {  	_ =	shalt  }
0x4e: {  	_ =	shalt  }
0x4f: {  	_ =	shalt  }
0x50: {  	_ =	shalt  }
0x51: {  	_ =	shalt  }
0x52: {  	_ =	shalt  }
0x53: {  	_ =	shalt  }
0x54: {  	_ =	shalt  }
0x55: {  	_ =	shalt  }
0x56: {  	_ =	shalt  }
0x57: {  	_ =	shalt  }
0x58: {  	_ =	shalt  }
0x59: {  	_ =	shalt  }
0x5a: {  	_ =	shalt  }
0x5b: {  	_ =	shalt  }
0x5c: {  	_ =	shalt  }
0x5d: {  	_ =	shalt  }
0x5e: {  	_ =	shalt  }
0x5f: {  	_ =	shalt  }
0x60: {  	_ =	shalt  }
0x61: {  	_ =	shalt  }
0x62: {  	_ =	shalt  }
0x63: {  	_ =	shalt  }
0x64: {  	_ =	shalt  }
0x65: {  	_ =	shalt  }
0x66: {  	_ =	shalt  }
0x67: {  	_ =	shalt  }
0x68: {  	_ =	shalt  }
0x69: {  	_ =	shalt  }
0x6a: {  	_ =	shalt  }
0x6b: {  	_ =	shalt  }
0x6c: {  	_ =	shalt  }
0x6d: {  	_ =	shalt  }
0x6e: {  	_ =	shalt  }
0x6f: {  	_ =	shalt  }
0x70: {  	_ =	shalt  }
0x71: {  	_ =	shalt  }
0x72: {  	_ =	shalt  }
0x73: {  	_ =	shalt  }
0x74: {  	_ =	shalt  }
0x75: {  	_ =	shalt  }
0x76: {  	_ =	shalt  }
0x77: {  	_ =	shalt  }
0x78: {  	_ =	shalt  }
0x79: {  	_ =	shalt  }
0x7a: {  	_ =	shalt  }
0x7b: {  	_ =	shalt  }
0x7c: {  	_ =	shalt  }
0x7d: {  	_ =	shalt  }
0x7e: {  	_ =	shalt  }
0x7f: {  	_ =	shalt  }
0x80: {  	_ =	shalt  }
0x81: {  	_ =	shalt  }
0x82: {  	_ =	shalt  }
0x83: {  	_ =	shalt  }
0x84: {  	_ =	shalt  }
0x85: {  	_ =	shalt  }
0x86: {  	_ =	shalt  }
0x87: {  	_ =	shalt  }
.Lfunc_end0:
.L_simem_size_0:
called_computation.5_lowered:
.L_overlay_start_0:
0x88: {  	s2 =	sld [smem:$0x3FD9]  }
0x89: {  	s3 =	sld [smem:$0x3FFE];
	_ =	sdelay $0x1  }
0x8a: {  	s1 =	srdreg.scid  }
0x8b: {  	s0 =	sand.u32 $0x1, s1  }
0x8c: {  	s17 =	sshll.u32 s0, $0xA;
	s2 =	sadd.s32 s3, s2  }
0x8d: {  	s2 =	sadd.s32 s2, s17  }
0x8e: {  	[smem:$0x3FBF] =	sst s2  }
0x8f: {  	_ = 	snop  }
0x90: {  	s18 =	sld [smem:$0x3FD0];
	(tm) =	ssettm $0x1  }
0x91: {  	s19 =	sld [smem:$0x3FFB];
	_ =	sdelay $0x3  }
0x92: {  	_ =	strace s19  }
0x93: {  	s2 =	sld [smem:$0x3FFC];
	_ =	sdelay $0x3  }
0x94: {  	_ =	strace s2  }
0x95: {  	s2 =	sld [smem:$0x3FFD];
	_ =	sdelay $0x3  }
0x96: {  	_ =	strace s2  }
0x97: {  	_ =	strace $0x8FFFFFFF  }
0x98: {  	s20 =	sld [smem:$0x3FDB];
	_ =	sdelay $0x1  }
0x99: {  	s4 =	simm.s32 $_scs_section_size  }
0x9a: {  	s5 =	simm.s32 $_size__tile_overlayer_lowered;
	s6 =	simm.s32 $_tile_overlayer_lowered  }
0x9b: {  	s7 =	simm.s32 $0x1BFF;
	s21 =	sshll.u32 s6, $0x1;
	s4 =	sadd.s32 s4, s20  }
0x9c: {  	s22 =	simm.s32 $0x0;
	s5 =	sshll.u32 s5, $0x1;
	s6 =	sadd.s32 s21, s4  }
0x9d: {  	[timem:s22], [sflag:s7] =	dma.local [hbm:s6], s5  }
0x9e: {  	_ =	swait.ge [sflag:s7], s5  }
0x9f: {  	s5 =	ssub.s32 $0x0, s5;
	[sflag:s7] =	ssyncset.done $0x0  }
0xa0: {  	[sflag:s7] =	ssyncadd.s32 s5;
	_ =	sdelay $0x1  }
0xa1: {  	s23 =	simm.s32 $0x1B8B  }
0xa2: {  	_ =	swait.ge [sflag:s23], $0x1  }
0xa3: {  	[sflag:s23] =	ssyncset.done $0x0  }
0xa4: {  	[sflag:s23] =	ssyncadd.s32 $0xFFFFFFFF  }
0xa5: {  	s5 =	sld [smem:$0x0]  }
0xa6: {  	s6 =	sand.u32 $0xFFFFFFFE, s1  }
0xa7: {  	p0 =	sne.s32 s1, s6  }
0xa8: {  	s6 =	sshll.u32 @p0 s6, $0xE  }
0xa9: {  	s6 =	sadd.s32 @p0 $0x11B8D, s6;
	s7 =	sshll.u32 @p0 s5, $0x11  }
0xaa: {  	s6 =	sor.u32 @p0 s7, s6  }
0xab: {  	[sflag:s6] =	ssyncadd.remote.s32 @p0 $0x1;
	_ =	sdelay $0x1  }
0xac: {  	s6 =	simm.s32 @p0 $0x1B8D  }
0xad: {  	_ =	swait.eq @p0 [sflag:s6], $0x1  }
0xae: {  	[sflag:s6] =	ssyncadd.s32 @p0 $0xFFFFFFFF  }
0xaf: {  	s7 =	sshll.u32 @!p0 s1, $0xE  }
0xb0: {  	s7 =	sor.u32 @!p0 $0x4000, s7;
	s6 =	simm.s32 @!p0 $0x1B8D  }
0xb1: {  	s5 =	sshll.u32 @!p0 s5, $0x11;
	s7 =	sadd.s32 @!p0 $0x11B8D, s7;
	_ =	swait.eq @!p0 [sflag:s6], $0x1  }
0xb2: {  	s5 =	sor.u32 @!p0 s5, s7;
	[sflag:s6] =	ssyncadd.s32 @!p0 $0xFFFFFFFF  }
0xb3: {  	s25 =	simm.s32 $0x1B8E;
	s24 =	sld [smem:$0x3FFE];
	[sflag:s5] =	ssyncadd.remote.s32 @!p0 $0x1  }
0xb4: {  	s26 =	simm.s32 $execute0_lowered;
	[smem:$0x3FD2] =	sst s25  }
0xb5: {  	s6 =	sshll.u32 s26, $0x1;
	_ =	strace $0x80000055;
	[dreg:$0x1] =	wrdreg $0xFFFFFFFF  }
0xb6: {  	s28 =	simm.s32 $_size_execute0_lowered;
	s4 =	sadd.s32 s4, s6;
	[dreg:$0x0] =	wrdreg $0x0  }
0xb7: {  	s6 =	sshll.u32 s28, $0x1;
	[dreg:$0x2] =	wrdreg s4  }
0xb8: {  	[dreg:$0x3] =	wrdreg s6  }
0xb9: {  	[dreg:$0x4] =	wrdreg $0xC0  }
0xba: {  	_ =	task [dreg:s22], $0x5FFFF  }
0xbb: {  	[dreg:$0x1] =	wrdreg $0xFFFFFFFF  }
0xbc: {  	[dreg:$0x0] =	wrdreg $0x60  }
0xbd: {  	[dreg:$0x2] =	wrdreg s24  }
0xbe: {  	[dreg:$0x3] =	wrdreg s18  }
0xbf: {  	[dreg:$0x4] =	wrdreg $0x71480  }
0xc0: {  	[dreg:$0x5] =	wrdreg $0x1A9C80  }
0xc1: {  	[dreg:$0x6] =	wrdreg $0x9  }
0xc2: {  	_ =	task.clear_ibuf [dreg:s22], $0x7FFFF;
	_ =	strace $0x90000055  }
0xc3: {  	s29 =	simm.s32 $0x9;
	_ =	strace $0x80000057  }
0xc4: {  	_ =	swait.ge [sflag:s29], $0x1  }
0xc5: {  	[sflag:s29] =	ssyncadd.s32 $0xFFFFFFFF  }
0xc6: {  	_ =	strace $0x90000057  }
0xc7: {  	_ =	sfence  }
0xc8: {  	s30 =	sld [smem:$0x0];
	_ =	sdelay $0x2  }
0xc9: {  	s31 =	sshll.u32 s1, $0xD;
	s1 =	sshrl.u32 s1, $0x2  }
0xca: {  	s4 =	sand.u32 $0x4000, s31;
	s1 =	sadd.s32 s1, s30  }
0xcb: {  	s0 =	sor.u32 s4, s0;
	s1 =	sshll.u32 s1, $0x11  }
0xcc: {  	s0 =	sor.u32 s1, s0  }
0xcd: {  	s0 =	sadd.s32 $0x8F2B, s0  }
0xce: {  	[sflag:s0] =	ssyncadd.remote.s32 $0x1  }
0xcf: {  	_ =	sfence.sel $0xFFFF  }
0xd0: {  	[dreg:$0x0] =	wrdreg $0xFFFFFFFF;
	(pc) =	sbr.abs _section_cstart, $3  }
0xd1: {  	[dreg:$0x1] =	wrdreg $0xFFFFFFFF  }
0xd2: {  	_ =	task.clear_ibuf [dreg:s22], $0x2FFFF;
	_ =	strace $0x9FFFFFFF  }
0xd3: {  	(tm) =	ssettm $0x7FFFFFFF  }
tec
execute0_lowered:
.L_overlay_start_1:
0x0: {  	(tag) =	ssettag $0x1  }
0x1: {  	s1 =	stileid.u32  }
0x2: {  	s9 =	smul.u32 $0x7D0, s1  }
0x3: {  	s5 =	rddreg [dreg:$0x0];
	s10 =	smul.u32 $0x13880, s1  }
0x4: {  	s11 =	rddreg [dreg:$0x1];
	s12 =	smul.u32 $0x2710, s1  }
0x5: {  	s0 =	srdreg.scid;
	s19 =	smul.u32 $0x7D00, s1  }
0x6: {  	s2 =	rddreg [dreg:$0x2];
	s7 =	sand.u32 $0x1, s0;
	s31 =	smul.u32 $0xFA0, s1  }
0x7: {  	s3 =	rddreg [dreg:$0x3];
	s6 =	smul.u32 $0x7D000, s7  }
0x8: {  	s4 =	simm.s32 $0x0;
	s0 =	rddreg [dreg:$0x4];
	s8 =	smul.u32 $0x7D00, s7  }
0x9: {  	[smem:$0x7FF] =	sst s4;
	s30 =	sshll.u32 s1, $0x6;
	s24 =	smul.u32 $0x138800, s7  }
0xa: {  	_ =	strace $0x80000056;
	s14 =	smul.u32 $0x27100, s7;
	s16 =	ssub.s32 $0x2, s7  }
0xb: {  	s18 =	smul.u32 $0xFA00, s7;
	s7 =	sor.u32 $0x1C01, s30;
	s25 =	sshrl.u32 s10, $0x3  }
0xc: {  	s28 =	sshrl.u32 s12, $0x3;
	s29 =	sshrl.u32 s16, $0x1;
	s17 =	sadd.s32 s10, s2  }
0xd: {  	s20 =	sadd.s32 s12, s3;
	s13 =	sadd.s32 s6, s5;
	s23 =	sadd.s32 s9, s8  }
0xe: {  	s26 =	sadd.s32 s25, s5;
	s9 =	sadd.s32 s28, s5;
	s8 =	sadd.s32 s10, s24  }
0xf: {  	s14 =	sadd.s32 s12, s14;
	s16 =	ssub.s32 s16, s29;
	s11 =	sadd.s32 s18, s11  }
0x10: {  	s18 =	simm.s32 $0x64C8;
	s6 =	sshrl.u32 s23, $0x3;
	s8 =	sshrl.u32 s8, $0x3  }
0x11: {  	s14 =	sshrl.u32 s14, $0x3;
	s10 =	smax.u32 s16, $0x1;
	s13 =	sadd.s32 s19, s13  }
0x12: {  	s11 =	sadd.s32 s31, s11;
	s16 =	sshrl.u32 s20, $0x3;
	s19 =	simm.s32 $0x0  }
0x13: {  	s15 =	sadd.s32 s6, s5;
	s8 =	sadd.s32 s8, s5;
	s6 =	sadd.s32 $0xEE7200, s9  }
0x14: {  	s14 =	sadd.s32 s14, s5;
	s12 =	sadd.s32 $0x14E800, s13;
	s8 =	sadd.s32 $0xFE4800, s8  }
0x15: {  	s5 =	sadd.s32 $0xEC0000, s26;
	s9 =	sadd.s32 $0xFDAA00, s14;
	s13 =	sadd.s32 $0x7E8000, s15  }
0x16: {  	s14 =	sshrl.u32 s17, $0x3;
	s15 =	simm.s32 $0x1;
	s17 =	simm.s32 $0xC8  }
.LBB2_1:
0x17: {  	[spmem:s14], [sflag:s7] =	dma.local [hbm:s5], $0x2710  }
0x18: {  	_ =	swait.ge [sflag:s15], $0x2710  }
0x19: {  	[sflag:s15] =	ssyncset.done $0x0  }
0x1a: {  	[sflag:s15] =	ssyncadd.s32 $0xFFFFD8F0  }
0x1b: {  	[spmem:s16], [sflag:s7] =	dma.local [hbm:s6], $0x4E2  }
0x1c: {  	_ =	swait.ge [sflag:s15], $0x4E2  }
0x1d: {  	[sflag:s15] =	ssyncset.done $0x0  }
0x1e: {  	[sflag:s15] =	ssyncadd.s32 $0xFFFFFB1E  }
0x1f: {  	s20 =	sadd.s32 $0x0, s13;
	[bflag:$0x0] =	sbarrier.arrive $0xFFFF  }
0x20: {  	[tilespmem:s4], [sflag:$0x1] =	stream.linear.gather [hbm4b:s20+s4], $0xC8, $0x38;
	[tilespmem:$0x1D0D8] =	vst v63  }
0x21: {  	_ =	swait.ge [sflag:s15], $0xC8  }
0x22: {  	[sflag:s15] =	ssyncset.done $0x0  }
0x23: {  	[sflag:s15] =	ssyncadd.s32 $0xFFFFFF38  }
0x24: {  	[tilespmem:s17], [sflag:$0x1] =	stream.linear.gather [hbm4b:s12+s4], $0x6400, $0x38;
	[tilespmem:$0x1D0D8] =	vst v63  }
0x25: {  	_ =	swait.ge [sflag:s15], $0x6400  }
0x26: {  	[sflag:s15] =	ssyncset.done $0x0  }
0x27: {  	[sflag:s15] =	ssyncadd.s32 $0xFFFF9C00  }
0x28: {  	[tilespmem:s18], [sflag:$0x1] =	stream.linear.gather [hbm4b:s11+s4], $0xC80, $0x38;
	[tilespmem:$0x1D0D8] =	vst v63  }
0x29: {  	_ =	swait.ge [sflag:s15], $0xC80  }
0x2a: {  	[sflag:s15] =	ssyncset.done $0x0  }
0x2b: {  	[sflag:s15] =	ssyncadd.s32 $0xFFFFF380  }
0x2c: {  	[spmem:s2] =	stream.indirect.scatter.add.f32 [tilespmem:s17], [sflag:$0x1], $0x80, s4, s17, $0xb8;
	[tilespmem:$0x1D0D8] =	vst v63  }
0x2d: {  	_ =	swait.ge [sflag:s15], $0x6400  }
0x2e: {  	[sflag:s15] =	ssyncset.done $0x0  }
0x2f: {  	[sflag:s15] =	ssyncadd.s32 $0xFFFF9C00  }
0x30: {  	[spmem:s3] =	stream.indirect.scatter.add.f32 [tilespmem:s18], [sflag:$0x1], $0x10, s4, s17, $0xb8;
	[tilespmem:$0x1D0D8] =	vst v63  }
0x31: {  	s22 =	simm.s32 $0x19;
	s23 =	simm.s32 $0x32;
	_ =	swait.ge [sflag:s15], $0xC80  }
0x32: {  	s21 =	sadd.s32 $0xC80, s12;
	s20 =	sadd.s32 $0x190, s11;
	[sflag:s15] =	ssyncset.done $0x0  }
.LBB2_2:
0x33: {  	s24 =	sadd.s32 s22, s13  }
0x34: {  	[sflag:s15] =	ssyncadd.s32 $0xFFFFF380;
	s22 =	smov.u32 s23;
	s25 =	sadd.s32 $0x19, s23  }
0x35: {  	[tilespmem:s4], [sflag:$0x1] =	stream.linear.gather [hbm4b:s24+s4], $0xC8, $0x38;
	[tilespmem:$0x1D0D8] =	vst v63  }
0x36: {  	p0 =	sne.s32 s23, $0xE1;
	_ =	swait.ge [sflag:s15], $0xC8  }
0x37: {  	[sflag:s15] =	ssyncset.done $0x0  }
0x38: {  	[sflag:s15] =	ssyncadd.s32 $0xFFFFFF38  }
0x39: {  	[tilespmem:s17], [sflag:$0x1] =	stream.linear.gather [hbm4b:s21+s4], $0x6400, $0x38;
	[tilespmem:$0x1D0D8] =	vst v63  }
0x3a: {  	_ =	swait.ge [sflag:s15], $0x6400  }
0x3b: {  	[sflag:s15] =	ssyncset.done $0x0  }
0x3c: {  	[sflag:s15] =	ssyncadd.s32 $0xFFFF9C00  }
0x3d: {  	[tilespmem:s18], [sflag:$0x1] =	stream.linear.gather [hbm4b:s20+s4], $0xC80, $0x38;
	[tilespmem:$0x1D0D8] =	vst v63  }
0x3e: {  	_ =	swait.ge [sflag:s15], $0xC80  }
0x3f: {  	[sflag:s15] =	ssyncset.done $0x0  }
0x40: {  	[sflag:s15] =	ssyncadd.s32 $0xFFFFF380  }
0x41: {  	[spmem:s2] =	stream.indirect.scatter.add.f32 [tilespmem:s17], [sflag:$0x1], $0x80, s4, s17, $0xb8;
	[tilespmem:$0x1D0D8] =	vst v63  }
0x42: {  	_ =	swait.ge [sflag:s15], $0x6400  }
.Ltmp0:
0x43: {  	[sflag:s15] =	ssyncset.done $0x0;
	(pc) =	sbr.rel @p0 .LBB2_2-.Ltmp0, $4  }
0x44: {  	[sflag:s15] =	ssyncadd.s32 $0xFFFF9C00  }
0x45: {  	[spmem:s3] =	stream.indirect.scatter.add.f32 [tilespmem:s18], [sflag:$0x1], $0x10, s4, s17, $0xb8;
	[tilespmem:$0x1D0D8] =	vst v63  }
0x46: {  	s23 =	smov.u32 s25;
	_ =	swait.ge [sflag:s15], $0xC80  }
0x47: {  	s21 =	sadd.s32 $0xC80, s21;
	s20 =	sadd.s32 $0x190, s20;
	[sflag:s15] =	ssyncset.done $0x0  }
0x48: {  	s22 =	sadd.s32 s22, s13;
	[sflag:s15] =	ssyncadd.s32 $0xFFFFF380  }
0x49: {  	[tilespmem:s4], [sflag:$0x1] =	stream.linear.gather [hbm4b:s22+s4], $0xC8, $0x38;
	[tilespmem:$0x1D0D8] =	vst v63  }
0x4a: {  	_ =	swait.ge [sflag:s15], $0xC8  }
0x4b: {  	[sflag:s15] =	ssyncset.done $0x0  }
0x4c: {  	[sflag:s15] =	ssyncadd.s32 $0xFFFFFF38  }
0x4d: {  	[tilespmem:s17], [sflag:$0x1] =	stream.linear.gather [hbm4b:s21+s4], $0x6400, $0x38;
	[tilespmem:$0x1D0D8] =	vst v63  }
0x4e: {  	_ =	swait.ge [sflag:s15], $0x6400  }
0x4f: {  	[sflag:s15] =	ssyncset.done $0x0  }
0x50: {  	[sflag:s15] =	ssyncadd.s32 $0xFFFF9C00  }
0x51: {  	[tilespmem:s18], [sflag:$0x1] =	stream.linear.gather [hbm4b:s20+s4], $0xC80, $0x38;
	[tilespmem:$0x1D0D8] =	vst v63  }
0x52: {  	_ =	swait.ge [sflag:s15], $0xC80  }
0x53: {  	[sflag:s15] =	ssyncset.done $0x0  }
0x54: {  	[sflag:s15] =	ssyncadd.s32 $0xFFFFF380  }
0x55: {  	[spmem:s2] =	stream.indirect.scatter.add.f32 [tilespmem:s17], [sflag:$0x1], $0x80, s4, s17, $0xb8;
	[tilespmem:$0x1D0D8] =	vst v63  }
0x56: {  	_ =	swait.ge [sflag:s15], $0x6400  }
0x57: {  	[sflag:s15] =	ssyncset.done $0x0  }
0x58: {  	[sflag:s15] =	ssyncadd.s32 $0xFFFF9C00  }
0x59: {  	[spmem:s3] =	stream.indirect.scatter.add.f32 [tilespmem:s18], [sflag:$0x1], $0x10, s4, s17, $0xb8;
	[tilespmem:$0x1D0D8] =	vst v63  }
0x5a: {  	_ =	swait.ge [sflag:s15], $0xC80  }
0x5b: {  	[sflag:s15] =	ssyncset.done $0x0  }
0x5c: {  	[sflag:s15] =	ssyncadd.s32 $0xFFFFF380  }
0x5d: {  	[bflag:$0x0] =	sbarrier.arrive $0xFFFF  }
0x5e: {  	[hbm:s8], [sflag:s7] =	dma.local [spmem:s14], $0x2710  }
0x5f: {  	s19 =	sadd.s32 $0x1, s19;
	_ =	swait.ge [sflag:s15], $0x2710  }
0x60: {  	p0 =	sne.s32 s19, s10;
	[sflag:s15] =	ssyncset.done $0x0  }
.Ltmp1:
0x61: {  	[sflag:s15] =	ssyncadd.s32 $0xFFFFD8F0;
	(pc) =	sbr.rel @p0 .LBB2_1-.Ltmp1, $4  }
0x62: {  	[hbm:s9], [sflag:s7] =	dma.local [spmem:s16], $0x4E2  }
0x63: {  	_ =	swait.ge [sflag:s15], $0x4E2  }
0x64: {  	[sflag:s15] =	ssyncset.done $0x0  }
0x65: {  	[sflag:s15] =	ssyncadd.s32 $0xFFFFFB1E  }
0x66: {  	_ =	sfence.sel $0x180000  }
0x67: {  	[bflag:$0x0] =	sbarrier.arrive $0xFFFF  }
0x68: {  	p0 =	sne.s32 s1, $0x0;
	_ =	strace $0x90000056  }
0x69: {  	s0 =	sadd.s32 @!p0 $0x100000, s0;
	[bflag:$0x2] =	sbarrier.arrive $0xFFFF  }
0x6a: {  	[sflag:s0] =	ssyncadd.tile.s32 @!p0 $0x1;
	_ =	shalt  }
.Lfunc_end2:
_tile_overlayer_lowered:
.L_overlay_start_2:
0x6b: {  	(tag) =	ssettag $0x2  }
0x6c: {  	s0 =	rddreg [dreg:$0x0];
	s2 =	stileid.u32  }
0x6d: {  	s1 =	rddreg [dreg:$0x1];
	p0 =	sne.s32 s2, $0x0  }
0x6e: {  	s3 =	rddreg [dreg:$0x2];
	[bflag:$0x3] =	sbarrier.arrive $0xFFFF;
	s2 =	simm.s32 @!p0 $0x1C01  }
0x6f: {  	[timem:s3], [sflag:s2] =	dma.local @!p0 [hbm:s0], s1  }
0x70: {  	s0 =	simm.s32 @!p0 $0x1  }
0x71: {  	_ =	swait.ge @!p0 [sflag:s0], s1  }
0x72: {  	s1 =	ssub.s32 @!p0 $0x0, s1;
	[sflag:s0] =	ssyncset.done @!p0 $0x0  }
0x73: {  	[sflag:s0] =	ssyncadd.s32 @!p0 s1  }
0x74: {  	[bflag:$0x3] =	sbarrier.arrive $0xFFFF  }
0x75: {  	_ =	shalt  }

</sc_bundles>
